<compile_context>
chip_gen: v7x
topology: tpu7x:2x2x1
jax: 0.10.2.dev20260603
libtpu: 0.0.44.dev20260713+nightly
codegen_flags: <defaults>
</compile_context>

<pallas_src>
import functools

import jax
import jax.numpy as jnp
from jax import lax
from jax.experimental import pallas as pl
from jax.experimental.pallas import tpu as pltpu
from jax.experimental.pallas import tpu_sc as plsc


_RB = 576
_CB = 4096


def _argmin_body(z_ref, c_ref, idx_ref, c16_ref, y2_ref):
    r = pl.program_id(0)
    v = c_ref.shape[0]

    @pl.when(r == 0)
    def _():
        cb = c_ref[...]
        c16_ref[...] = cb.astype(jnp.bfloat16)
        cb3 = cb.reshape(v // 128, 128, cb.shape[1])
        y2_ref[...] = jnp.sum(cb3 * cb3, axis=2)

    zb32 = z_ref[...]
    x2 = jnp.sum(zb32 * zb32, axis=1, keepdims=True)
    zb = (-2.0 * zb32).astype(jnp.bfloat16)

    nlanes = 128

    def chunk_dot(k):
        cbk = c16_ref[pl.ds(k * _CB, _CB), :]
        return lax.dot_general(
            zb, cbk,
            dimension_numbers=(((1,), (1,)), ((), ())),
            preferred_element_type=jnp.float32,
        )

    def chunk_argmin(k, s):
        p = jcol = None
        for j in range(_CB // nlanes):
            g = k * (_CB // nlanes) + j
            y2j = y2_ref[pl.ds(g, 1), :]
            dj = (x2 + y2j) + s[:, j * nlanes:(j + 1) * nlanes]
            if j == 0:
                p = dj
                jcol = jnp.zeros(dj.shape, jnp.int32)
            else:
                lt = dj < p
                p = jnp.where(lt, dj, p)
                jcol = jnp.where(lt, j, jcol)
        m = jnp.min(p, axis=1, keepdims=True)
        lane = lax.broadcasted_iota(jnp.int32, p.shape, 1)
        key = jcol * nlanes + lane
        li = jnp.min(jnp.where(p == m, key, jnp.int32(2**30)),
                     axis=1, keepdims=True) + k * _CB
        return m, li

    nk = v // _CB
    bv = bi = None
    s_cur = chunk_dot(0)
    for k in range(nk):
        s_next = chunk_dot(k + 1) if k + 1 < nk else None
        m, li = chunk_argmin(k, s_cur)
        s_cur = s_next
        if k == 0:
            bv, bi = m, li
        else:
            better = m < bv
            bi = jnp.where(better, li, bi)
            bv = jnp.where(better, m, bv)
    idx_ref[...] = bi


def _argmin_call(z, codebook, sub):
    n, _ = z.shape
    v, k = codebook.shape
    return pl.pallas_call(
        _argmin_body,
        grid=(n // _RB,),
        in_specs=[
            pl.BlockSpec((_RB, k), lambda r: (r, sub)),
            pl.BlockSpec((v, k), lambda r: (0, 0)),
        ],
        out_specs=pl.BlockSpec((_RB, 1), lambda r: (r, 0)),
        out_shape=jax.ShapeDtypeStruct((n, 1), jnp.int32),
        scratch_shapes=[
            pltpu.VMEM((v, k), jnp.bfloat16),
            pltpu.VMEM((v // 128, 128), jnp.float32),
        ],
        compiler_params=pltpu.CompilerParams(
            dimension_semantics=("arbitrary",),
        ),
    )(z, codebook)



_MESH = None


def _sc_mesh():
    global _MESH
    if _MESH is None:
        _MESH = plsc.VectorSubcoreMesh(core_axis_name="c", subcore_axis_name="s")
    return _MESH


def _gather_call(table, gidx):
    b = gidx.shape[0]
    d = table.shape[1]
    info = plsc.get_sparse_core_info()
    nw = info.num_cores * info.num_subcores
    nc = info.num_cores
    b_per_w = b // nw

    half = b_per_w // 2

    @functools.partial(
        pl.kernel,
        mesh=_sc_mesh(),
        out_type=jax.ShapeDtypeStruct((b, d), jnp.float32),
        scratch_types=[
            pltpu.VMEM((half,), jnp.int32),
            pltpu.VMEM((half,), jnp.int32),
            pltpu.VMEM((half, d), jnp.float32),
            pltpu.VMEM((half, d), jnp.float32),
            pltpu.SemaphoreType.DMA,
            pltpu.SemaphoreType.DMA,
            pltpu.SemaphoreType.DMA,
        ],
    )
    def gather_kernel(table_hbm, idx_hbm, out_hbm,
                      ia_v, ib_v, bufa, bufb, sga, sgb, sw):
        wid = lax.axis_index("s") * nc + lax.axis_index("c")
        base = wid * b_per_w
        pltpu.sync_copy(idx_hbm.at[pl.ds(base, half)], ia_v)
        pltpu.sync_copy(idx_hbm.at[pl.ds(base + half, half)], ib_v)
        ha = pltpu.async_copy(table_hbm.at[ia_v], bufa, sga)
        hb = pltpu.async_copy(table_hbm.at[ib_v], bufb, sgb)
        ha.wait()
        wa = pltpu.async_copy(bufa, out_hbm.at[pl.ds(base, half)], sw)
        hb.wait()
        pltpu.sync_copy(bufb, out_hbm.at[pl.ds(base + half, half)])
        wa.wait()

    return gather_kernel(table, gidx)



def kernel(embeddings, codebook0, codebook1):
    batch, seq, emb = embeddings.shape
    z = embeddings.reshape(-1, emb)

    v = codebook0.shape[0]
    idx0 = _argmin_call(z, codebook0, 0)
    idx1 = _argmin_call(z, codebook1, 1)
    all_idx = jnp.concatenate([idx0, idx1], axis=1)

    table = jnp.concatenate([codebook0, codebook1], axis=0)
    gidx = (all_idx + jnp.array([0, v], jnp.int32)[None, :]).reshape(-1)
    quantized = _gather_call(table, gidx)

    return (quantized.reshape(batch, seq, emb),
            all_idx.reshape(batch, seq, 2))

# --- scband reference (transcript-rebuilt; emitter-appended) ---
"""Pipeline reference for scband-codebook-model-72481868087714 (READ-ONLY COPY).

The authoritative reference and input builder live on the scoring server;
editing this copy changes nothing except your own understanding.
"""

import jax, jax.numpy as jnp
import numpy as np


def _cdist(x, y):
    # Euclidean distance matrix, faithful to torch.cdist(p=2)
    x2 = jnp.sum(x * x, axis=-1, keepdims=True)
    y2 = jnp.sum(y * y, axis=-1)[None, :]
    d2 = x2 + y2 - 2.0 * (x @ y.T)
    return jnp.sqrt(jnp.maximum(d2, 0.0))


def setup_inputs(seed: int = 0) -> dict:
    key = jax.random.key(seed)
    k1, k2, k3 = jax.random.split(key, 3)
    embeddings = jax.random.normal(k1, (8, 576, 768), dtype=jnp.float32)
    # learned parameters: 2 subspace codebooks, each (codebook_size, subspace_dim)
    codebook0 = jax.random.normal(k2, (8192, 384), dtype=jnp.float32)
    codebook1 = jax.random.normal(k3, (8192, 384), dtype=jnp.float32)
    return {"embeddings": embeddings, "codebook0": codebook0, "codebook1": codebook1}


def reference(embeddings, codebook0, codebook1):
    batch_size, seq_len, emb_dim = embeddings.shape
    num_subspaces = 2
    subspace_dim = emb_dim // num_subspaces
    flat_embs = embeddings.reshape(-1, emb_dim)
    subspace_embs = flat_embs.reshape(-1, num_subspaces, subspace_dim)
    quantized_parts = []
    all_indices = []
    for i, codebook in enumerate([codebook0, codebook1]):
        subspace = subspace_embs[:, i, :]
        distances = _cdist(subspace, codebook)
        indices = jnp.argmin(distances, axis=-1)
        quantized = jnp.take(codebook, indices, axis=0)
        quantized_parts.append(quantized)
        all_indices.append(indices)
    quantized = jnp.concatenate(quantized_parts, axis=-1)
    quantized = quantized.reshape(batch_size, seq_len, emb_dim)
    all_idx = jnp.stack(all_indices, axis=-1)
    all_idx = all_idx.reshape(batch_size, seq_len, num_subspaces)
    return (quantized, all_idx)

if __name__ == "__main__":
    import jax
    _d = setup_inputs()
    print(jax.jit(kernel)(*tuple(_d.values())))

</pallas_src>

<mosaic_0001>
#map = affine_map<(d0, d1) -> (0, 0)>
#map1 = affine_map<(d0, d1) -> (0)>
module attributes {stable_mosaic.version = 14 : i64} {
  func.func @gather_kernel(%arg0: i32, %arg1: i32, %arg2: memref<16384x384xf32, #tpu.memory_space<hbm>>, %arg3: memref<9216xi32, #tpu.memory_space<hbm>>, %arg4: memref<9216x384xf32, #tpu.memory_space<hbm>>, %arg5: memref<144xi32, #tpu.memory_space<vmem>>, %arg6: memref<144xi32, #tpu.memory_space<vmem>>, %arg7: memref<144x384xf32, #tpu.memory_space<vmem>>, %arg8: memref<144x384xf32, #tpu.memory_space<vmem>>, %arg9: memref<!tpu.dma_semaphore, #tpu.memory_space<semaphore_mem>>, %arg10: memref<!tpu.dma_semaphore, #tpu.memory_space<semaphore_mem>>, %arg11: memref<!tpu.dma_semaphore, #tpu.memory_space<semaphore_mem>>) attributes {dimension_semantics = [#tpu.dimension_semantics<core_parallel>, #tpu.dimension_semantics<subcore_parallel>], iteration_bounds = array<i64: 2, 16>, scalar_prefetch = 0 : i64, scratch_operands = 7 : i64, tpu.core_type = #tpu.core_type<sc_vector_subcore>, window_params = [{transform_indices = #map}, {transform_indices = #map1}, {transform_indices = #map}]} {
    %mul3A = arith.constant 2 : i32
    %mul3A_0 = arith.muli %arg1, %mul3A : i32
    %add3A = arith.addi %mul3A_0, %arg0 : i32
    %mul3A_1 = arith.constant 288 : i32
    %mul3A_2 = arith.muli %add3A, %mul3A_1 : i32
    "tpu.region"() ({
      %run_scoped3A = tpu.sem_alloc : memref<!tpu.dma_semaphore, #tpu.memory_space<semaphore_mem>>
      %dma_start3A_25 = tpu.memref_slice %arg3[%mul3A_2] : memref<9216xi32, #tpu.memory_space<hbm>> -> memref<144xi32, #tpu.memory_space<hbm>>
      %dma_start3A_26 = tpu.memref_slice %arg3[%mul3A_2] : memref<9216xi32, #tpu.memory_space<hbm>> -> memref<144xi32, #tpu.memory_space<hbm>>
      tpu.enqueue_dma source(%dma_start3A_26 : memref<144xi32, #tpu.memory_space<hbm>>) target(%arg5 : memref<144xi32, #tpu.memory_space<vmem>>) target_semaphore(%run_scoped3A : memref<!tpu.dma_semaphore, #tpu.memory_space<semaphore_mem>>)
      %dma_wait3A_27 = tpu.memref_slice %arg3[%mul3A_2] : memref<9216xi32, #tpu.memory_space<hbm>> -> memref<144xi32, #tpu.memory_space<hbm>>
      %dma_wait3A_28 = tpu.memref_slice %arg3[%mul3A_2] : memref<9216xi32, #tpu.memory_space<hbm>> -> memref<144xi32, #tpu.memory_space<hbm>>
      tpu.wait_dma2 semaphore(%run_scoped3A : memref<!tpu.dma_semaphore, #tpu.memory_space<semaphore_mem>>) src(%dma_wait3A_28 : memref<144xi32, #tpu.memory_space<hbm>>) dst(%arg5 : memref<144xi32, #tpu.memory_space<vmem>>)
      tpu.yield
    }) : () -> ()
    %add3A_3 = arith.constant 144 : i32
    %add3A_4 = arith.addi %mul3A_2, %add3A_3 : i32
    "tpu.region"() ({
      %run_scoped3A = tpu.sem_alloc : memref<!tpu.dma_semaphore, #tpu.memory_space<semaphore_mem>>
      %dma_start3A_25 = tpu.memref_slice %arg3[%add3A_4] : memref<9216xi32, #tpu.memory_space<hbm>> -> memref<144xi32, #tpu.memory_space<hbm>>
      %dma_start3A_26 = tpu.memref_slice %arg3[%add3A_4] : memref<9216xi32, #tpu.memory_space<hbm>> -> memref<144xi32, #tpu.memory_space<hbm>>
      tpu.enqueue_dma source(%dma_start3A_26 : memref<144xi32, #tpu.memory_space<hbm>>) target(%arg6 : memref<144xi32, #tpu.memory_space<vmem>>) target_semaphore(%run_scoped3A : memref<!tpu.dma_semaphore, #tpu.memory_space<semaphore_mem>>)
      %dma_wait3A_27 = tpu.memref_slice %arg3[%add3A_4] : memref<9216xi32, #tpu.memory_space<hbm>> -> memref<144xi32, #tpu.memory_space<hbm>>
      %dma_wait3A_28 = tpu.memref_slice %arg3[%add3A_4] : memref<9216xi32, #tpu.memory_space<hbm>> -> memref<144xi32, #tpu.memory_space<hbm>>
      tpu.wait_dma2 semaphore(%run_scoped3A : memref<!tpu.dma_semaphore, #tpu.memory_space<semaphore_mem>>) src(%dma_wait3A_28 : memref<144xi32, #tpu.memory_space<hbm>>) dst(%arg6 : memref<144xi32, #tpu.memory_space<vmem>>)
      tpu.yield
    }) : () -> ()
    %dma_start3A = arith.constant 0 : i32
    %dma_start3A_5 = arith.constant 0 : i32
    %dma_start3A_6 = tpu.memref_slice %arg2[%dma_start3A, %dma_start3A_5] : memref<16384x384xf32, #tpu.memory_space<hbm>> -> memref<16384x384xf32, #tpu.memory_space<hbm>>
    tpu.enqueue_indirect_dma source(%dma_start3A_6 : memref<16384x384xf32, #tpu.memory_space<hbm>>) target(%arg7 : memref<144x384xf32, #tpu.memory_space<vmem>>) offsets(%arg5 : memref<144xi32, #tpu.memory_space<vmem>>) semaphore(%arg9 : memref<!tpu.dma_semaphore, #tpu.memory_space<semaphore_mem>>)
    %dma_start3A_7 = arith.constant 0 : i32
    %dma_start3A_8 = arith.constant 0 : i32
    %dma_start3A_9 = tpu.memref_slice %arg2[%dma_start3A_7, %dma_start3A_8] : memref<16384x384xf32, #tpu.memory_space<hbm>> -> memref<16384x384xf32, #tpu.memory_space<hbm>>
    tpu.enqueue_indirect_dma source(%dma_start3A_9 : memref<16384x384xf32, #tpu.memory_space<hbm>>) target(%arg8 : memref<144x384xf32, #tpu.memory_space<vmem>>) offsets(%arg6 : memref<144xi32, #tpu.memory_space<vmem>>) semaphore(%arg10 : memref<!tpu.dma_semaphore, #tpu.memory_space<semaphore_mem>>)
    %dma_wait3A = arith.constant 0 : i32
    %dma_wait3A_10 = arith.constant 0 : i32
    %dma_wait3A_11 = tpu.memref_slice %arg2[%dma_wait3A, %dma_wait3A_10] : memref<16384x384xf32, #tpu.memory_space<hbm>> -> memref<16384x384xf32, #tpu.memory_space<hbm>>
    tpu.wait_indirect_dma semaphore(%arg9 : memref<!tpu.dma_semaphore, #tpu.memory_space<semaphore_mem>>) src(%dma_wait3A_11 : memref<16384x384xf32, #tpu.memory_space<hbm>>) dst(%arg7 : memref<144x384xf32, #tpu.memory_space<vmem>>)
    %dma_start3A_12 = arith.constant 0 : i32
    %dma_start3A_13 = tpu.memref_slice %arg4[%mul3A_2, %dma_start3A_12] : memref<9216x384xf32, #tpu.memory_space<hbm>> -> memref<144x384xf32, #tpu.memory_space<hbm>>
    %dma_start3A_14 = arith.constant 0 : i32
    %dma_start3A_15 = tpu.memref_slice %arg4[%mul3A_2, %dma_start3A_14] : memref<9216x384xf32, #tpu.memory_space<hbm>> -> memref<144x384xf32, #tpu.memory_space<hbm>>
    tpu.enqueue_dma source(%arg7 : memref<144x384xf32, #tpu.memory_space<vmem>>) target(%dma_start3A_15 : memref<144x384xf32, #tpu.memory_space<hbm>>) target_semaphore(%arg11 : memref<!tpu.dma_semaphore, #tpu.memory_space<semaphore_mem>>)
    %dma_wait3A_16 = arith.constant 0 : i32
    %dma_wait3A_17 = arith.constant 0 : i32
    %dma_wait3A_18 = tpu.memref_slice %arg2[%dma_wait3A_16, %dma_wait3A_17] : memref<16384x384xf32, #tpu.memory_space<hbm>> -> memref<16384x384xf32, #tpu.memory_space<hbm>>
    tpu.wait_indirect_dma semaphore(%arg10 : memref<!tpu.dma_semaphore, #tpu.memory_space<semaphore_mem>>) src(%dma_wait3A_18 : memref<16384x384xf32, #tpu.memory_space<hbm>>) dst(%arg8 : memref<144x384xf32, #tpu.memory_space<vmem>>)
    %add3A_19 = arith.constant 144 : i32
    %add3A_20 = arith.addi %mul3A_2, %add3A_19 : i32
    "tpu.region"() ({
      %run_scoped3A = tpu.sem_alloc : memref<!tpu.dma_semaphore, #tpu.memory_space<semaphore_mem>>
      %dma_start3A_25 = arith.constant 0 : i32
      %dma_start3A_26 = tpu.memref_slice %arg4[%add3A_20, %dma_start3A_25] : memref<9216x384xf32, #tpu.memory_space<hbm>> -> memref<144x384xf32, #tpu.memory_space<hbm>>
      %dma_start3A_27 = arith.constant 0 : i32
      %dma_start3A_28 = tpu.memref_slice %arg4[%add3A_20, %dma_start3A_27] : memref<9216x384xf32, #tpu.memory_space<hbm>> -> memref<144x384xf32, #tpu.memory_space<hbm>>
      tpu.enqueue_dma source(%arg8 : memref<144x384xf32, #tpu.memory_space<vmem>>) target(%dma_start3A_28 : memref<144x384xf32, #tpu.memory_space<hbm>>) target_semaphore(%run_scoped3A : memref<!tpu.dma_semaphore, #tpu.memory_space<semaphore_mem>>)
      %dma_wait3A_29 = arith.constant 0 : i32
      %dma_wait3A_30 = tpu.memref_slice %arg4[%add3A_20, %dma_wait3A_29] : memref<9216x384xf32, #tpu.memory_space<hbm>> -> memref<144x384xf32, #tpu.memory_space<hbm>>
      %dma_wait3A_31 = arith.constant 0 : i32
      %dma_wait3A_32 = tpu.memref_slice %arg4[%add3A_20, %dma_wait3A_31] : memref<9216x384xf32, #tpu.memory_space<hbm>> -> memref<144x384xf32, #tpu.memory_space<hbm>>
      tpu.wait_dma2 semaphore(%run_scoped3A : memref<!tpu.dma_semaphore, #tpu.memory_space<semaphore_mem>>) src(%arg8 : memref<144x384xf32, #tpu.memory_space<vmem>>) dst(%dma_wait3A_32 : memref<144x384xf32, #tpu.memory_space<hbm>>)
      tpu.yield
    }) : () -> ()
    %dma_wait3A_21 = arith.constant 0 : i32
    %dma_wait3A_22 = tpu.memref_slice %arg4[%mul3A_2, %dma_wait3A_21] : memref<9216x384xf32, #tpu.memory_space<hbm>> -> memref<144x384xf32, #tpu.memory_space<hbm>>
    %dma_wait3A_23 = arith.constant 0 : i32
    %dma_wait3A_24 = tpu.memref_slice %arg4[%mul3A_2, %dma_wait3A_23] : memref<9216x384xf32, #tpu.memory_space<hbm>> -> memref<144x384xf32, #tpu.memory_space<hbm>>
    tpu.wait_dma2 semaphore(%arg11 : memref<!tpu.dma_semaphore, #tpu.memory_space<semaphore_mem>>) src(%arg7 : memref<144x384xf32, #tpu.memory_space<vmem>>) dst(%dma_wait3A_24 : memref<144x384xf32, #tpu.memory_space<hbm>>)
    return
  }
}

module attributes {stable_mosaic.version = 14 : i64} {
  func.func @_argmin_body(%arg0: i32, %arg1: memref<576x384xf32, #tpu.memory_space<vmem>>, %arg2: memref<8192x384xf32, #tpu.memory_space<vmem>>, %arg3: memref<576x1xi32, #tpu.memory_space<vmem>>, %arg4: memref<8192x384xbf16, #tpu.memory_space<vmem>>, %arg5: memref<64x128xf32, #tpu.memory_space<vmem>>) attributes {dimension_semantics = [#tpu.dimension_semantics<arbitrary>], iteration_bounds = array<i64: 8>, scalar_prefetch = 0 : i64, scratch_operands = 2 : i64, tpu.core_type = #tpu.core_type<tc>, window_params = [{transform_indices = @transform_0, window_bounds = array<i64: 576, 384>}, {pipeline_mode = #tpu.pipeline_mode<synchronous>, transform_indices = @transform_1, window_bounds = array<i64: 8192, 384>}, {transform_indices = @transform_2, window_bounds = array<i64: 576, 1>}]} {
    %eq3A = arith.constant 0 : i32
    %eq3A_0 = arith.cmpi eq, %arg0, %eq3A : i32
    %convert_element_type3A = arith.extui %eq3A_0 : i1 to i32
    %cond3A = arith.constant 0 : i32
    %cond3A_1 = arith.cmpi ne, %convert_element_type3A, %cond3A : i32
    scf.if %cond3A_1 {
      %get3A_879 = arith.constant 0 : index
      %get3A_880 = arith.constant 0 : index
      %get3A_881 = vector.load %arg2[%get3A_879, %get3A_880] : memref<8192x384xf32, #tpu.memory_space<vmem>>, vector<8192x384xf32>
      %convert_element_type3A_882 = arith.truncf %get3A_881 : vector<8192x384xf32> to vector<8192x384xbf16>
      %swap3A_883 = arith.constant 0 : index
      %swap3A_884 = arith.constant 0 : index
      %swap3A_885 = vector.load %arg4[%swap3A_883, %swap3A_884] : memref<8192x384xbf16, #tpu.memory_space<vmem>>, vector<8192x384xbf16>
      tpu.vector_store %arg4[%swap3A_883, %swap3A_884], %convert_element_type3A_882 {strides = array<i32>} : memref<8192x384xbf16, #tpu.memory_space<vmem>>, vector<8192x384xbf16>,
      %reshape3A = vector.shape_cast %get3A_881 : vector<8192x384xf32> to vector<64x128x384xf32>
      %mul3A_886 = arith.mulf %reshape3A, %reshape3A : vector<64x128x384xf32>
      %reduce_sum3A_887 = arith.constant dense<0.000000e+00> : vector<64x128xf32>
      %reduce_sum3A_888 = vector.multi_reduction <add>, %mul3A_886, %reduce_sum3A_887 [2] : vector<64x128x384xf32> to vector<64x128xf32>
      %swap3A_889 = arith.constant 0 : index
      %swap3A_890 = arith.constant 0 : index
      %swap3A_891 = vector.load %arg5[%swap3A_889, %swap3A_890] : memref<64x128xf32, #tpu.memory_space<vmem>>, vector<64x128xf32>
      tpu.vector_store %arg5[%swap3A_889, %swap3A_890], %reduce_sum3A_888 {strides = array<i32>} : memref<64x128xf32, #tpu.memory_space<vmem>>, vector<64x128xf32>,
    } else {
    }
    %get3A = arith.constant 0 : index
    %get3A_2 = arith.constant 0 : index
    %get3A_3 = vector.load %arg1[%get3A, %get3A_2] : memref<576x384xf32, #tpu.memory_space<vmem>>, vector<576x384xf32>
    %mul3A = arith.mulf %get3A_3, %get3A_3 : vector<576x384xf32>
    %reduce_sum3A = arith.constant dense<0.000000e+00> : vector<576xf32>
    %reduce_sum3A_4 = vector.multi_reduction <add>, %mul3A, %reduce_sum3A [1] : vector<576x384xf32> to vector<576xf32>
    %broadcast_in_dim3A = vector.shape_cast %reduce_sum3A_4 : vector<576xf32> to vector<576x1xf32>
    %mul3A_5 = arith.constant -2.000000e+00 : f32
    %mul3A_6 = vector.broadcast %mul3A_5 : f32 to vector<576x384xf32>
    %mul3A_7 = arith.mulf %mul3A_6, %get3A_3 : vector<576x384xf32>
    %convert_element_type3A_8 = arith.truncf %mul3A_7 : vector<576x384xf32> to vector<576x384xbf16>
    %get3A_9 = arith.constant 0 : index
    %get3A_10 = arith.constant 0 : index
    %get3A_11 = vector.load %arg4[%get3A_9, %get3A_10] : memref<8192x384xbf16, #tpu.memory_space<vmem>>, vector<4096x384xbf16>
    %dot_general3A = arith.constant dense<0.000000e+00> : vector<576x4096xf32>
    %dot_general3A_12 = tpu.matmul %convert_element_type3A_8, %get3A_11, %dot_general3A {dimension_numbers = #tpu.dot_dimension_numbers<[1], [1], [0], [0], [0, 0, 1, 0], [], []>, transpose_lhs_hint = false} : vector<576x384xbf16>, vector<4096x384xbf16>, vector<576x4096xf32> -> vector<576x4096xf32>
    %get3A_13 = arith.constant 4096 : index
    %get3A_14 = arith.constant 0 : index
    %get3A_15 = vector.load %arg4[%get3A_13, %get3A_14] : memref<8192x384xbf16, #tpu.memory_space<vmem>>, vector<4096x384xbf16>
    %dot_general3A_16 = arith.constant dense<0.000000e+00> : vector<576x4096xf32>
    %dot_general3A_17 = tpu.matmul %convert_element_type3A_8, %get3A_15, %dot_general3A_16 {dimension_numbers = #tpu.dot_dimension_numbers<[1], [1], [0], [0], [0, 0, 1, 0], [], []>, transpose_lhs_hint = false} : vector<576x384xbf16>, vector<4096x384xbf16>, vector<576x4096xf32> -> vector<576x4096xf32>
    %get3A_18 = arith.constant 0 : index
    %get3A_19 = arith.constant 0 : index
    %get3A_20 = vector.load %arg5[%get3A_18, %get3A_19] : memref<64x128xf32, #tpu.memory_space<vmem>>, vector<1x128xf32>
    %add3A = vector.broadcast %broadcast_in_dim3A : vector<576x1xf32> to vector<576x128xf32>
    %add3A_21 = vector.broadcast %get3A_20 : vector<1x128xf32> to vector<576x128xf32>
    %add3A_22 = arith.addf %add3A, %add3A_21 : vector<576x128xf32>
    %slice3A = vector.extract_strided_slice %dot_general3A_12 {offsets = [0, 0], sizes = [576, 128], strides = [1, 1]} : vector<576x4096xf32> to vector<576x128xf32>
    %add3A_23 = arith.addf %add3A_22, %slice3A : vector<576x128xf32>
    %broadcast_in_dim3A_24 = arith.constant 0 : i32
    %broadcast_in_dim3A_25 = vector.broadcast %broadcast_in_dim3A_24 : i32 to vector<576x128xi32>
    %get3A_26 = arith.constant 1 : index
    %get3A_27 = arith.constant 0 : index
    %get3A_28 = vector.load %arg5[%get3A_26, %get3A_27] : memref<64x128xf32, #tpu.memory_space<vmem>>, vector<1x128xf32>
    %add3A_29 = vector.broadcast %broadcast_in_dim3A : vector<576x1xf32> to vector<576x128xf32>
    %add3A_30 = vector.broadcast %get3A_28 : vector<1x128xf32> to vector<576x128xf32>
    %add3A_31 = arith.addf %add3A_29, %add3A_30 : vector<576x128xf32>
    %slice3A_32 = vector.extract_strided_slice %dot_general3A_12 {offsets = [0, 128], sizes = [576, 128], strides = [1, 1]} : vector<576x4096xf32> to vector<576x128xf32>
    %add3A_33 = arith.addf %add3A_31, %slice3A_32 : vector<576x128xf32>
    %lt3A = arith.cmpf olt, %add3A_33, %add3A_23 : vector<576x128xf32>
    %select_n3A = arith.select %lt3A, %add3A_33, %add3A_23 : vector<576x128xi1>, vector<576x128xf32>
    %jit3A = arith.constant 1 : i32
    %broadcast_in_dim3A_34 = vector.broadcast %jit3A : i32 to vector<576x128xi32>
    %select_n3A_35 = arith.select %lt3A, %broadcast_in_dim3A_34, %broadcast_in_dim3A_25 : vector<576x128xi1>, vector<576x128xi32>
    %get3A_36 = arith.constant 2 : index
    %get3A_37 = arith.constant 0 : index
    %get3A_38 = vector.load %arg5[%get3A_36, %get3A_37] : memref<64x128xf32, #tpu.memory_space<vmem>>, vector<1x128xf32>
    %add3A_39 = vector.broadcast %broadcast_in_dim3A : vector<576x1xf32> to vector<576x128xf32>
    %add3A_40 = vector.broadcast %get3A_38 : vector<1x128xf32> to vector<576x128xf32>
    %add3A_41 = arith.addf %add3A_39, %add3A_40 : vector<576x128xf32>
    %slice3A_42 = vector.extract_strided_slice %dot_general3A_12 {offsets = [0, 256], sizes = [576, 128], strides = [1, 1]} : vector<576x4096xf32> to vector<576x128xf32>
    %add3A_43 = arith.addf %add3A_41, %slice3A_42 : vector<576x128xf32>
    %lt3A_44 = arith.cmpf olt, %add3A_43, %select_n3A : vector<576x128xf32>
    %select_n3A_45 = arith.select %lt3A_44, %add3A_43, %select_n3A : vector<576x128xi1>, vector<576x128xf32>
    %jit3A_46 = arith.constant 2 : i32
    %broadcast_in_dim3A_47 = vector.broadcast %jit3A_46 : i32 to vector<576x128xi32>
    %select_n3A_48 = arith.select %lt3A_44, %broadcast_in_dim3A_47, %select_n3A_35 : vector<576x128xi1>, vector<576x128xi32>
    %get3A_49 = arith.constant 3 : index
    %get3A_50 = arith.constant 0 : index
    %get3A_51 = vector.load %arg5[%get3A_49, %get3A_50] : memref<64x128xf32, #tpu.memory_space<vmem>>, vector<1x128xf32>
    %add3A_52 = vector.broadcast %broadcast_in_dim3A : vector<576x1xf32> to vector<576x128xf32>
    %add3A_53 = vector.broadcast %get3A_51 : vector<1x128xf32> to vector<576x128xf32>
    %add3A_54 = arith.addf %add3A_52, %add3A_53 : vector<576x128xf32>
    %slice3A_55 = vector.extract_strided_slice %dot_general3A_12 {offsets = [0, 384], sizes = [576, 128], strides = [1, 1]} : vector<576x4096xf32> to vector<576x128xf32>
    %add3A_56 = arith.addf %add3A_54, %slice3A_55 : vector<576x128xf32>
    %lt3A_57 = arith.cmpf olt, %add3A_56, %select_n3A_45 : vector<576x128xf32>
    %select_n3A_58 = arith.select %lt3A_57, %add3A_56, %select_n3A_45 : vector<576x128xi1>, vector<576x128xf32>
    %jit3A_59 = arith.constant 3 : i32
    %broadcast_in_dim3A_60 = vector.broadcast %jit3A_59 : i32 to vector<576x128xi32>
    %select_n3A_61 = arith.select %lt3A_57, %broadcast_in_dim3A_60, %select_n3A_48 : vector<576x128xi1>, vector<576x128xi32>
    %get3A_62 = arith.constant 4 : index
    %get3A_63 = arith.constant 0 : index
    %get3A_64 = vector.load %arg5[%get3A_62, %get3A_63] : memref<64x128xf32, #tpu.memory_space<vmem>>, vector<1x128xf32>
    %add3A_65 = vector.broadcast %broadcast_in_dim3A : vector<576x1xf32> to vector<576x128xf32>
    %add3A_66 = vector.broadcast %get3A_64 : vector<1x128xf32> to vector<576x128xf32>
    %add3A_67 = arith.addf %add3A_65, %add3A_66 : vector<576x128xf32>
    %slice3A_68 = vector.extract_strided_slice %dot_general3A_12 {offsets = [0, 512], sizes = [576, 128], strides = [1, 1]} : vector<576x4096xf32> to vector<576x128xf32>
    %add3A_69 = arith.addf %add3A_67, %slice3A_68 : vector<576x128xf32>
    %lt3A_70 = arith.cmpf olt, %add3A_69, %select_n3A_58 : vector<576x128xf32>
    %select_n3A_71 = arith.select %lt3A_70, %add3A_69, %select_n3A_58 : vector<576x128xi1>, vector<576x128xf32>
    %jit3A_72 = arith.constant 4 : i32
    %broadcast_in_dim3A_73 = vector.broadcast %jit3A_72 : i32 to vector<576x128xi32>
    %select_n3A_74 = arith.select %lt3A_70, %broadcast_in_dim3A_73, %select_n3A_61 : vector<576x128xi1>, vector<576x128xi32>
    %get3A_75 = arith.constant 5 : index
    %get3A_76 = arith.constant 0 : index
    %get3A_77 = vector.load %arg5[%get3A_75, %get3A_76] : memref<64x128xf32, #tpu.memory_space<vmem>>, vector<1x128xf32>
    %add3A_78 = vector.broadcast %broadcast_in_dim3A : vector<576x1xf32> to vector<576x128xf32>
    %add3A_79 = vector.broadcast %get3A_77 : vector<1x128xf32> to vector<576x128xf32>
    %add3A_80 = arith.addf %add3A_78, %add3A_79 : vector<576x128xf32>
    %slice3A_81 = vector.extract_strided_slice %dot_general3A_12 {offsets = [0, 640], sizes = [576, 128], strides = [1, 1]} : vector<576x4096xf32> to vector<576x128xf32>
    %add3A_82 = arith.addf %add3A_80, %slice3A_81 : vector<576x128xf32>
    %lt3A_83 = arith.cmpf olt, %add3A_82, %select_n3A_71 : vector<576x128xf32>
    %select_n3A_84 = arith.select %lt3A_83, %add3A_82, %select_n3A_71 : vector<576x128xi1>, vector<576x128xf32>
    %jit3A_85 = arith.constant 5 : i32
    %broadcast_in_dim3A_86 = vector.broadcast %jit3A_85 : i32 to vector<576x128xi32>
    %select_n3A_87 = arith.select %lt3A_83, %broadcast_in_dim3A_86, %select_n3A_74 : vector<576x128xi1>, vector<576x128xi32>
    %get3A_88 = arith.constant 6 : index
    %get3A_89 = arith.constant 0 : index
    %get3A_90 = vector.load %arg5[%get3A_88, %get3A_89] : memref<64x128xf32, #tpu.memory_space<vmem>>, vector<1x128xf32>
    %add3A_91 = vector.broadcast %broadcast_in_dim3A : vector<576x1xf32> to vector<576x128xf32>
    %add3A_92 = vector.broadcast %get3A_90 : vector<1x128xf32> to vector<576x128xf32>
    %add3A_93 = arith.addf %add3A_91, %add3A_92 : vector<576x128xf32>
    %slice3A_94 = vector.extract_strided_slice %dot_general3A_12 {offsets = [0, 768], sizes = [576, 128], strides = [1, 1]} : vector<576x4096xf32> to vector<576x128xf32>
    %add3A_95 = arith.addf %add3A_93, %slice3A_94 : vector<576x128xf32>
    %lt3A_96 = arith.cmpf olt, %add3A_95, %select_n3A_84 : vector<576x128xf32>
    %select_n3A_97 = arith.select %lt3A_96, %add3A_95, %select_n3A_84 : vector<576x128xi1>, vector<576x128xf32>
    %jit3A_98 = arith.constant 6 : i32
    %broadcast_in_dim3A_99 = vector.broadcast %jit3A_98 : i32 to vector<576x128xi32>
    %select_n3A_100 = arith.select %lt3A_96, %broadcast_in_dim3A_99, %select_n3A_87 : vector<576x128xi1>, vector<576x128xi32>
    %get3A_101 = arith.constant 7 : index
    %get3A_102 = arith.constant 0 : index
    %get3A_103 = vector.load %arg5[%get3A_101, %get3A_102] : memref<64x128xf32, #tpu.memory_space<vmem>>, vector<1x128xf32>
    %add3A_104 = vector.broadcast %broadcast_in_dim3A : vector<576x1xf32> to vector<576x128xf32>
    %add3A_105 = vector.broadcast %get3A_103 : vector<1x128xf32> to vector<576x128xf32>
    %add3A_106 = arith.addf %add3A_104, %add3A_105 : vector<576x128xf32>
    %slice3A_107 = vector.extract_strided_slice %dot_general3A_12 {offsets = [0, 896], sizes = [576, 128], strides = [1, 1]} : vector<576x4096xf32> to vector<576x128xf32>
    %add3A_108 = arith.addf %add3A_106, %slice3A_107 : vector<576x128xf32>
    %lt3A_109 = arith.cmpf olt, %add3A_108, %select_n3A_97 : vector<576x128xf32>
    %select_n3A_110 = arith.select %lt3A_109, %add3A_108, %select_n3A_97 : vector<576x128xi1>, vector<576x128xf32>
    %jit3A_111 = arith.constant 7 : i32
    %broadcast_in_dim3A_112 = vector.broadcast %jit3A_111 : i32 to vector<576x128xi32>
    %select_n3A_113 = arith.select %lt3A_109, %broadcast_in_dim3A_112, %select_n3A_100 : vector<576x128xi1>, vector<576x128xi32>
    %get3A_114 = arith.constant 8 : index
    %get3A_115 = arith.constant 0 : index
    %get3A_116 = vector.load %arg5[%get3A_114, %get3A_115] : memref<64x128xf32, #tpu.memory_space<vmem>>, vector<1x128xf32>
    %add3A_117 = vector.broadcast %broadcast_in_dim3A : vector<576x1xf32> to vector<576x128xf32>
    %add3A_118 = vector.broadcast %get3A_116 : vector<1x128xf32> to vector<576x128xf32>
    %add3A_119 = arith.addf %add3A_117, %add3A_118 : vector<576x128xf32>
    %slice3A_120 = vector.extract_strided_slice %dot_general3A_12 {offsets = [0, 1024], sizes = [576, 128], strides = [1, 1]} : vector<576x4096xf32> to vector<576x128xf32>
    %add3A_121 = arith.addf %add3A_119, %slice3A_120 : vector<576x128xf32>
    %lt3A_122 = arith.cmpf olt, %add3A_121, %select_n3A_110 : vector<576x128xf32>
    %select_n3A_123 = arith.select %lt3A_122, %add3A_121, %select_n3A_110 : vector<576x128xi1>, vector<576x128xf32>
    %jit3A_124 = arith.constant 8 : i32
    %broadcast_in_dim3A_125 = vector.broadcast %jit3A_124 : i32 to vector<576x128xi32>
    %select_n3A_126 = arith.select %lt3A_122, %broadcast_in_dim3A_125, %select_n3A_113 : vector<576x128xi1>, vector<576x128xi32>
    %get3A_127 = arith.constant 9 : index
    %get3A_128 = arith.constant 0 : index
    %get3A_129 = vector.load %arg5[%get3A_127, %get3A_128] : memref<64x128xf32, #tpu.memory_space<vmem>>, vector<1x128xf32>
    %add3A_130 = vector.broadcast %broadcast_in_dim3A : vector<576x1xf32> to vector<576x128xf32>
    %add3A_131 = vector.broadcast %get3A_129 : vector<1x128xf32> to vector<576x128xf32>
    %add3A_132 = arith.addf %add3A_130, %add3A_131 : vector<576x128xf32>
    %slice3A_133 = vector.extract_strided_slice %dot_general3A_12 {offsets = [0, 1152], sizes = [576, 128], strides = [1, 1]} : vector<576x4096xf32> to vector<576x128xf32>
    %add3A_134 = arith.addf %add3A_132, %slice3A_133 : vector<576x128xf32>
    %lt3A_135 = arith.cmpf olt, %add3A_134, %select_n3A_123 : vector<576x128xf32>
    %select_n3A_136 = arith.select %lt3A_135, %add3A_134, %select_n3A_123 : vector<576x128xi1>, vector<576x128xf32>
    %jit3A_137 = arith.constant 9 : i32
    %broadcast_in_dim3A_138 = vector.broadcast %jit3A_137 : i32 to vector<576x128xi32>
    %select_n3A_139 = arith.select %lt3A_135, %broadcast_in_dim3A_138, %select_n3A_126 : vector<576x128xi1>, vector<576x128xi32>
    %get3A_140 = arith.constant 10 : index
    %get3A_141 = arith.constant 0 : index
    %get3A_142 = vector.load %arg5[%get3A_140, %get3A_141] : memref<64x128xf32, #tpu.memory_space<vmem>>, vector<1x128xf32>
    %add3A_143 = vector.broadcast %broadcast_in_dim3A : vector<576x1xf32> to vector<576x128xf32>
    %add3A_144 = vector.broadcast %get3A_142 : vector<1x128xf32> to vector<576x128xf32>
    %add3A_145 = arith.addf %add3A_143, %add3A_144 : vector<576x128xf32>
    %slice3A_146 = vector.extract_strided_slice %dot_general3A_12 {offsets = [0, 1280], sizes = [576, 128], strides = [1, 1]} : vector<576x4096xf32> to vector<576x128xf32>
    %add3A_147 = arith.addf %add3A_145, %slice3A_146 : vector<576x128xf32>
    %lt3A_148 = arith.cmpf olt, %add3A_147, %select_n3A_136 : vector<576x128xf32>
    %select_n3A_149 = arith.select %lt3A_148, %add3A_147, %select_n3A_136 : vector<576x128xi1>, vector<576x128xf32>
    %jit3A_150 = arith.constant 10 : i32
    %broadcast_in_dim3A_151 = vector.broadcast %jit3A_150 : i32 to vector<576x128xi32>
    %select_n3A_152 = arith.select %lt3A_148, %broadcast_in_dim3A_151, %select_n3A_139 : vector<576x128xi1>, vector<576x128xi32>
    %get3A_153 = arith.constant 11 : index
    %get3A_154 = arith.constant 0 : index
    %get3A_155 = vector.load %arg5[%get3A_153, %get3A_154] : memref<64x128xf32, #tpu.memory_space<vmem>>, vector<1x128xf32>
    %add3A_156 = vector.broadcast %broadcast_in_dim3A : vector<576x1xf32> to vector<576x128xf32>
    %add3A_157 = vector.broadcast %get3A_155 : vector<1x128xf32> to vector<576x128xf32>
    %add3A_158 = arith.addf %add3A_156, %add3A_157 : vector<576x128xf32>
    %slice3A_159 = vector.extract_strided_slice %dot_general3A_12 {offsets = [0, 1408], sizes = [576, 128], strides = [1, 1]} : vector<576x4096xf32> to vector<576x128xf32>
    %add3A_160 = arith.addf %add3A_158, %slice3A_159 : vector<576x128xf32>
    %lt3A_161 = arith.cmpf olt, %add3A_160, %select_n3A_149 : vector<576x128xf32>
    %select_n3A_162 = arith.select %lt3A_161, %add3A_160, %select_n3A_149 : vector<576x128xi1>, vector<576x128xf32>
    %jit3A_163 = arith.constant 11 : i32
    %broadcast_in_dim3A_164 = vector.broadcast %jit3A_163 : i32 to vector<576x128xi32>
    %select_n3A_165 = arith.select %lt3A_161, %broadcast_in_dim3A_164, %select_n3A_152 : vector<576x128xi1>, vector<576x128xi32>
    %get3A_166 = arith.constant 12 : index
    %get3A_167 = arith.constant 0 : index
    %get3A_168 = vector.load %arg5[%get3A_166, %get3A_167] : memref<64x128xf32, #tpu.memory_space<vmem>>, vector<1x128xf32>
    %add3A_169 = vector.broadcast %broadcast_in_dim3A : vector<576x1xf32> to vector<576x128xf32>
    %add3A_170 = vector.broadcast %get3A_168 : vector<1x128xf32> to vector<576x128xf32>
    %add3A_171 = arith.addf %add3A_169, %add3A_170 : vector<576x128xf32>
    %slice3A_172 = vector.extract_strided_slice %dot_general3A_12 {offsets = [0, 1536], sizes = [576, 128], strides = [1, 1]} : vector<576x4096xf32> to vector<576x128xf32>
    %add3A_173 = arith.addf %add3A_171, %slice3A_172 : vector<576x128xf32>
    %lt3A_174 = arith.cmpf olt, %add3A_173, %select_n3A_162 : vector<576x128xf32>
    %select_n3A_175 = arith.select %lt3A_174, %add3A_173, %select_n3A_162 : vector<576x128xi1>, vector<576x128xf32>
    %jit3A_176 = arith.constant 12 : i32
    %broadcast_in_dim3A_177 = vector.broadcast %jit3A_176 : i32 to vector<576x128xi32>
    %select_n3A_178 = arith.select %lt3A_174, %broadcast_in_dim3A_177, %select_n3A_165 : vector<576x128xi1>, vector<576x128xi32>
    %get3A_179 = arith.constant 13 : index
    %get3A_180 = arith.constant 0 : index
    %get3A_181 = vector.load %arg5[%get3A_179, %get3A_180] : memref<64x128xf32, #tpu.memory_space<vmem>>, vector<1x128xf32>
    %add3A_182 = vector.broadcast %broadcast_in_dim3A : vector<576x1xf32> to vector<576x128xf32>
    %add3A_183 = vector.broadcast %get3A_181 : vector<1x128xf32> to vector<576x128xf32>
    %add3A_184 = arith.addf %add3A_182, %add3A_183 : vector<576x128xf32>
    %slice3A_185 = vector.extract_strided_slice %dot_general3A_12 {offsets = [0, 1664], sizes = [576, 128], strides = [1, 1]} : vector<576x4096xf32> to vector<576x128xf32>
    %add3A_186 = arith.addf %add3A_184, %slice3A_185 : vector<576x128xf32>
    %lt3A_187 = arith.cmpf olt, %add3A_186, %select_n3A_175 : vector<576x128xf32>
    %select_n3A_188 = arith.select %lt3A_187, %add3A_186, %select_n3A_175 : vector<576x128xi1>, vector<576x128xf32>
    %jit3A_189 = arith.constant 13 : i32
    %broadcast_in_dim3A_190 = vector.broadcast %jit3A_189 : i32 to vector<576x128xi32>
    %select_n3A_191 = arith.select %lt3A_187, %broadcast_in_dim3A_190, %select_n3A_178 : vector<576x128xi1>, vector<576x128xi32>
    %get3A_192 = arith.constant 14 : index
    %get3A_193 = arith.constant 0 : index
    %get3A_194 = vector.load %arg5[%get3A_192, %get3A_193] : memref<64x128xf32, #tpu.memory_space<vmem>>, vector<1x128xf32>
    %add3A_195 = vector.broadcast %broadcast_in_dim3A : vector<576x1xf32> to vector<576x128xf32>
    %add3A_196 = vector.broadcast %get3A_194 : vector<1x128xf32> to vector<576x128xf32>
    %add3A_197 = arith.addf %add3A_195, %add3A_196 : vector<576x128xf32>
    %slice3A_198 = vector.extract_strided_slice %dot_general3A_12 {offsets = [0, 1792], sizes = [576, 128], strides = [1, 1]} : vector<576x4096xf32> to vector<576x128xf32>
    %add3A_199 = arith.addf %add3A_197, %slice3A_198 : vector<576x128xf32>
    %lt3A_200 = arith.cmpf olt, %add3A_199, %select_n3A_188 : vector<576x128xf32>
    %select_n3A_201 = arith.select %lt3A_200, %add3A_199, %select_n3A_188 : vector<576x128xi1>, vector<576x128xf32>
    %jit3A_202 = arith.constant 14 : i32
    %broadcast_in_dim3A_203 = vector.broadcast %jit3A_202 : i32 to vector<576x128xi32>
    %select_n3A_204 = arith.select %lt3A_200, %broadcast_in_dim3A_203, %select_n3A_191 : vector<576x128xi1>, vector<576x128xi32>
    %get3A_205 = arith.constant 15 : index
    %get3A_206 = arith.constant 0 : index
    %get3A_207 = vector.load %arg5[%get3A_205, %get3A_206] : memref<64x128xf32, #tpu.memory_space<vmem>>, vector<1x128xf32>
    %add3A_208 = vector.broadcast %broadcast_in_dim3A : vector<576x1xf32> to vector<576x128xf32>
    %add3A_209 = vector.broadcast %get3A_207 : vector<1x128xf32> to vector<576x128xf32>
    %add3A_210 = arith.addf %add3A_208, %add3A_209 : vector<576x128xf32>
    %slice3A_211 = vector.extract_strided_slice %dot_general3A_12 {offsets = [0, 1920], sizes = [576, 128], strides = [1, 1]} : vector<576x4096xf32> to vector<576x128xf32>
    %add3A_212 = arith.addf %add3A_210, %slice3A_211 : vector<576x128xf32>
    %lt3A_213 = arith.cmpf olt, %add3A_212, %select_n3A_201 : vector<576x128xf32>
    %select_n3A_214 = arith.select %lt3A_213, %add3A_212, %select_n3A_201 : vector<576x128xi1>, vector<576x128xf32>
    %jit3A_215 = arith.constant 15 : i32
    %broadcast_in_dim3A_216 = vector.broadcast %jit3A_215 : i32 to vector<576x128xi32>
    %select_n3A_217 = arith.select %lt3A_213, %broadcast_in_dim3A_216, %select_n3A_204 : vector<576x128xi1>, vector<576x128xi32>
    %get3A_218 = arith.constant 16 : index
    %get3A_219 = arith.constant 0 : index
    %get3A_220 = vector.load %arg5[%get3A_218, %get3A_219] : memref<64x128xf32, #tpu.memory_space<vmem>>, vector<1x128xf32>
    %add3A_221 = vector.broadcast %broadcast_in_dim3A : vector<576x1xf32> to vector<576x128xf32>
    %add3A_222 = vector.broadcast %get3A_220 : vector<1x128xf32> to vector<576x128xf32>
    %add3A_223 = arith.addf %add3A_221, %add3A_222 : vector<576x128xf32>
    %slice3A_224 = vector.extract_strided_slice %dot_general3A_12 {offsets = [0, 2048], sizes = [576, 128], strides = [1, 1]} : vector<576x4096xf32> to vector<576x128xf32>
    %add3A_225 = arith.addf %add3A_223, %slice3A_224 : vector<576x128xf32>
    %lt3A_226 = arith.cmpf olt, %add3A_225, %select_n3A_214 : vector<576x128xf32>
    %select_n3A_227 = arith.select %lt3A_226, %add3A_225, %select_n3A_214 : vector<576x128xi1>, vector<576x128xf32>
    %jit3A_228 = arith.constant 16 : i32
    %broadcast_in_dim3A_229 = vector.broadcast %jit3A_228 : i32 to vector<576x128xi32>
    %select_n3A_230 = arith.select %lt3A_226, %broadcast_in_dim3A_229, %select_n3A_217 : vector<576x128xi1>, vector<576x128xi32>
    %get3A_231 = arith.constant 17 : index
    %get3A_232 = arith.constant 0 : index
    %get3A_233 = vector.load %arg5[%get3A_231, %get3A_232] : memref<64x128xf32, #tpu.memory_space<vmem>>, vector<1x128xf32>
    %add3A_234 = vector.broadcast %broadcast_in_dim3A : vector<576x1xf32> to vector<576x128xf32>
    %add3A_235 = vector.broadcast %get3A_233 : vector<1x128xf32> to vector<576x128xf32>
    %add3A_236 = arith.addf %add3A_234, %add3A_235 : vector<576x128xf32>
    %slice3A_237 = vector.extract_strided_slice %dot_general3A_12 {offsets = [0, 2176], sizes = [576, 128], strides = [1, 1]} : vector<576x4096xf32> to vector<576x128xf32>
    %add3A_238 = arith.addf %add3A_236, %slice3A_237 : vector<576x128xf32>
    %lt3A_239 = arith.cmpf olt, %add3A_238, %select_n3A_227 : vector<576x128xf32>
    %select_n3A_240 = arith.select %lt3A_239, %add3A_238, %select_n3A_227 : vector<576x128xi1>, vector<576x128xf32>
    %jit3A_241 = arith.constant 17 : i32
    %broadcast_in_dim3A_242 = vector.broadcast %jit3A_241 : i32 to vector<576x128xi32>
    %select_n3A_243 = arith.select %lt3A_239, %broadcast_in_dim3A_242, %select_n3A_230 : vector<576x128xi1>, vector<576x128xi32>
    %get3A_244 = arith.constant 18 : index
    %get3A_245 = arith.constant 0 : index
    %get3A_246 = vector.load %arg5[%get3A_244, %get3A_245] : memref<64x128xf32, #tpu.memory_space<vmem>>, vector<1x128xf32>
    %add3A_247 = vector.broadcast %broadcast_in_dim3A : vector<576x1xf32> to vector<576x128xf32>
    %add3A_248 = vector.broadcast %get3A_246 : vector<1x128xf32> to vector<576x128xf32>
    %add3A_249 = arith.addf %add3A_247, %add3A_248 : vector<576x128xf32>
    %slice3A_250 = vector.extract_strided_slice %dot_general3A_12 {offsets = [0, 2304], sizes = [576, 128], strides = [1, 1]} : vector<576x4096xf32> to vector<576x128xf32>
    %add3A_251 = arith.addf %add3A_249, %slice3A_250 : vector<576x128xf32>
    %lt3A_252 = arith.cmpf olt, %add3A_251, %select_n3A_240 : vector<576x128xf32>
    %select_n3A_253 = arith.select %lt3A_252, %add3A_251, %select_n3A_240 : vector<576x128xi1>, vector<576x128xf32>
    %jit3A_254 = arith.constant 18 : i32
    %broadcast_in_dim3A_255 = vector.broadcast %jit3A_254 : i32 to vector<576x128xi32>
    %select_n3A_256 = arith.select %lt3A_252, %broadcast_in_dim3A_255, %select_n3A_243 : vector<576x128xi1>, vector<576x128xi32>
    %get3A_257 = arith.constant 19 : index
    %get3A_258 = arith.constant 0 : index
    %get3A_259 = vector.load %arg5[%get3A_257, %get3A_258] : memref<64x128xf32, #tpu.memory_space<vmem>>, vector<1x128xf32>
    %add3A_260 = vector.broadcast %broadcast_in_dim3A : vector<576x1xf32> to vector<576x128xf32>
    %add3A_261 = vector.broadcast %get3A_259 : vector<1x128xf32> to vector<576x128xf32>
    %add3A_262 = arith.addf %add3A_260, %add3A_261 : vector<576x128xf32>
    %slice3A_263 = vector.extract_strided_slice %dot_general3A_12 {offsets = [0, 2432], sizes = [576, 128], strides = [1, 1]} : vector<576x4096xf32> to vector<576x128xf32>
    %add3A_264 = arith.addf %add3A_262, %slice3A_263 : vector<576x128xf32>
    %lt3A_265 = arith.cmpf olt, %add3A_264, %select_n3A_253 : vector<576x128xf32>
    %select_n3A_266 = arith.select %lt3A_265, %add3A_264, %select_n3A_253 : vector<576x128xi1>, vector<576x128xf32>
    %jit3A_267 = arith.constant 19 : i32
    %broadcast_in_dim3A_268 = vector.broadcast %jit3A_267 : i32 to vector<576x128xi32>
    %select_n3A_269 = arith.select %lt3A_265, %broadcast_in_dim3A_268, %select_n3A_256 : vector<576x128xi1>, vector<576x128xi32>
    %get3A_270 = arith.constant 20 : index
    %get3A_271 = arith.constant 0 : index
    %get3A_272 = vector.load %arg5[%get3A_270, %get3A_271] : memref<64x128xf32, #tpu.memory_space<vmem>>, vector<1x128xf32>
    %add3A_273 = vector.broadcast %broadcast_in_dim3A : vector<576x1xf32> to vector<576x128xf32>
    %add3A_274 = vector.broadcast %get3A_272 : vector<1x128xf32> to vector<576x128xf32>
    %add3A_275 = arith.addf %add3A_273, %add3A_274 : vector<576x128xf32>
    %slice3A_276 = vector.extract_strided_slice %dot_general3A_12 {offsets = [0, 2560], sizes = [576, 128], strides = [1, 1]} : vector<576x4096xf32> to vector<576x128xf32>
    %add3A_277 = arith.addf %add3A_275, %slice3A_276 : vector<576x128xf32>
    %lt3A_278 = arith.cmpf olt, %add3A_277, %select_n3A_266 : vector<576x128xf32>
    %select_n3A_279 = arith.select %lt3A_278, %add3A_277, %select_n3A_266 : vector<576x128xi1>, vector<576x128xf32>
    %jit3A_280 = arith.constant 20 : i32
    %broadcast_in_dim3A_281 = vector.broadcast %jit3A_280 : i32 to vector<576x128xi32>
    %select_n3A_282 = arith.select %lt3A_278, %broadcast_in_dim3A_281, %select_n3A_269 : vector<576x128xi1>, vector<576x128xi32>
    %get3A_283 = arith.constant 21 : index
    %get3A_284 = arith.constant 0 : index
    %get3A_285 = vector.load %arg5[%get3A_283, %get3A_284] : memref<64x128xf32, #tpu.memory_space<vmem>>, vector<1x128xf32>
    %add3A_286 = vector.broadcast %broadcast_in_dim3A : vector<576x1xf32> to vector<576x128xf32>
    %add3A_287 = vector.broadcast %get3A_285 : vector<1x128xf32> to vector<576x128xf32>
    %add3A_288 = arith.addf %add3A_286, %add3A_287 : vector<576x128xf32>
    %slice3A_289 = vector.extract_strided_slice %dot_general3A_12 {offsets = [0, 2688], sizes = [576, 128], strides = [1, 1]} : vector<576x4096xf32> to vector<576x128xf32>
    %add3A_290 = arith.addf %add3A_288, %slice3A_289 : vector<576x128xf32>
    %lt3A_291 = arith.cmpf olt, %add3A_290, %select_n3A_279 : vector<576x128xf32>
    %select_n3A_292 = arith.select %lt3A_291, %add3A_290, %select_n3A_279 : vector<576x128xi1>, vector<576x128xf32>
    %jit3A_293 = arith.constant 21 : i32
    %broadcast_in_dim3A_294 = vector.broadcast %jit3A_293 : i32 to vector<576x128xi32>
    %select_n3A_295 = arith.select %lt3A_291, %broadcast_in_dim3A_294, %select_n3A_282 : vector<576x128xi1>, vector<576x128xi32>
    %get3A_296 = arith.constant 22 : index
    %get3A_297 = arith.constant 0 : index
    %get3A_298 = vector.load %arg5[%get3A_296, %get3A_297] : memref<64x128xf32, #tpu.memory_space<vmem>>, vector<1x128xf32>
    %add3A_299 = vector.broadcast %broadcast_in_dim3A : vector<576x1xf32> to vector<576x128xf32>
    %add3A_300 = vector.broadcast %get3A_298 : vector<1x128xf32> to vector<576x128xf32>
    %add3A_301 = arith.addf %add3A_299, %add3A_300 : vector<576x128xf32>
    %slice3A_302 = vector.extract_strided_slice %dot_general3A_12 {offsets = [0, 2816], sizes = [576, 128], strides = [1, 1]} : vector<576x4096xf32> to vector<576x128xf32>
    %add3A_303 = arith.addf %add3A_301, %slice3A_302 : vector<576x128xf32>
    %lt3A_304 = arith.cmpf olt, %add3A_303, %select_n3A_292 : vector<576x128xf32>
    %select_n3A_305 = arith.select %lt3A_304, %add3A_303, %select_n3A_292 : vector<576x128xi1>, vector<576x128xf32>
    %jit3A_306 = arith.constant 22 : i32
    %broadcast_in_dim3A_307 = vector.broadcast %jit3A_306 : i32 to vector<576x128xi32>
    %select_n3A_308 = arith.select %lt3A_304, %broadcast_in_dim3A_307, %select_n3A_295 : vector<576x128xi1>, vector<576x128xi32>
    %get3A_309 = arith.constant 23 : index
    %get3A_310 = arith.constant 0 : index
    %get3A_311 = vector.load %arg5[%get3A_309, %get3A_310] : memref<64x128xf32, #tpu.memory_space<vmem>>, vector<1x128xf32>
    %add3A_312 = vector.broadcast %broadcast_in_dim3A : vector<576x1xf32> to vector<576x128xf32>
    %add3A_313 = vector.broadcast %get3A_311 : vector<1x128xf32> to vector<576x128xf32>
    %add3A_314 = arith.addf %add3A_312, %add3A_313 : vector<576x128xf32>
    %slice3A_315 = vector.extract_strided_slice %dot_general3A_12 {offsets = [0, 2944], sizes = [576, 128], strides = [1, 1]} : vector<576x4096xf32> to vector<576x128xf32>
    %add3A_316 = arith.addf %add3A_314, %slice3A_315 : vector<576x128xf32>
    %lt3A_317 = arith.cmpf olt, %add3A_316, %select_n3A_305 : vector<576x128xf32>
    %select_n3A_318 = arith.select %lt3A_317, %add3A_316, %select_n3A_305 : vector<576x128xi1>, vector<576x128xf32>
    %jit3A_319 = arith.constant 23 : i32
    %broadcast_in_dim3A_320 = vector.broadcast %jit3A_319 : i32 to vector<576x128xi32>
    %select_n3A_321 = arith.select %lt3A_317, %broadcast_in_dim3A_320, %select_n3A_308 : vector<576x128xi1>, vector<576x128xi32>
    %get3A_322 = arith.constant 24 : index
    %get3A_323 = arith.constant 0 : index
    %get3A_324 = vector.load %arg5[%get3A_322, %get3A_323] : memref<64x128xf32, #tpu.memory_space<vmem>>, vector<1x128xf32>
    %add3A_325 = vector.broadcast %broadcast_in_dim3A : vector<576x1xf32> to vector<576x128xf32>
    %add3A_326 = vector.broadcast %get3A_324 : vector<1x128xf32> to vector<576x128xf32>
    %add3A_327 = arith.addf %add3A_325, %add3A_326 : vector<576x128xf32>
    %slice3A_328 = vector.extract_strided_slice %dot_general3A_12 {offsets = [0, 3072], sizes = [576, 128], strides = [1, 1]} : vector<576x4096xf32> to vector<576x128xf32>
    %add3A_329 = arith.addf %add3A_327, %slice3A_328 : vector<576x128xf32>
    %lt3A_330 = arith.cmpf olt, %add3A_329, %select_n3A_318 : vector<576x128xf32>
    %select_n3A_331 = arith.select %lt3A_330, %add3A_329, %select_n3A_318 : vector<576x128xi1>, vector<576x128xf32>
    %jit3A_332 = arith.constant 24 : i32
    %broadcast_in_dim3A_333 = vector.broadcast %jit3A_332 : i32 to vector<576x128xi32>
    %select_n3A_334 = arith.select %lt3A_330, %broadcast_in_dim3A_333, %select_n3A_321 : vector<576x128xi1>, vector<576x128xi32>
    %get3A_335 = arith.constant 25 : index
    %get3A_336 = arith.constant 0 : index
    %get3A_337 = vector.load %arg5[%get3A_335, %get3A_336] : memref<64x128xf32, #tpu.memory_space<vmem>>, vector<1x128xf32>
    %add3A_338 = vector.broadcast %broadcast_in_dim3A : vector<576x1xf32> to vector<576x128xf32>
    %add3A_339 = vector.broadcast %get3A_337 : vector<1x128xf32> to vector<576x128xf32>
    %add3A_340 = arith.addf %add3A_338, %add3A_339 : vector<576x128xf32>
    %slice3A_341 = vector.extract_strided_slice %dot_general3A_12 {offsets = [0, 3200], sizes = [576, 128], strides = [1, 1]} : vector<576x4096xf32> to vector<576x128xf32>
    %add3A_342 = arith.addf %add3A_340, %slice3A_341 : vector<576x128xf32>
    %lt3A_343 = arith.cmpf olt, %add3A_342, %select_n3A_331 : vector<576x128xf32>
    %select_n3A_344 = arith.select %lt3A_343, %add3A_342, %select_n3A_331 : vector<576x128xi1>, vector<576x128xf32>
    %jit3A_345 = arith.constant 25 : i32
    %broadcast_in_dim3A_346 = vector.broadcast %jit3A_345 : i32 to vector<576x128xi32>
    %select_n3A_347 = arith.select %lt3A_343, %broadcast_in_dim3A_346, %select_n3A_334 : vector<576x128xi1>, vector<576x128xi32>
    %get3A_348 = arith.constant 26 : index
    %get3A_349 = arith.constant 0 : index
    %get3A_350 = vector.load %arg5[%get3A_348, %get3A_349] : memref<64x128xf32, #tpu.memory_space<vmem>>, vector<1x128xf32>
    %add3A_351 = vector.broadcast %broadcast_in_dim3A : vector<576x1xf32> to vector<576x128xf32>
    %add3A_352 = vector.broadcast %get3A_350 : vector<1x128xf32> to vector<576x128xf32>
    %add3A_353 = arith.addf %add3A_351, %add3A_352 : vector<576x128xf32>
    %slice3A_354 = vector.extract_strided_slice %dot_general3A_12 {offsets = [0, 3328], sizes = [576, 128], strides = [1, 1]} : vector<576x4096xf32> to vector<576x128xf32>
    %add3A_355 = arith.addf %add3A_353, %slice3A_354 : vector<576x128xf32>
    %lt3A_356 = arith.cmpf olt, %add3A_355, %select_n3A_344 : vector<576x128xf32>
    %select_n3A_357 = arith.select %lt3A_356, %add3A_355, %select_n3A_344 : vector<576x128xi1>, vector<576x128xf32>
    %jit3A_358 = arith.constant 26 : i32
    %broadcast_in_dim3A_359 = vector.broadcast %jit3A_358 : i32 to vector<576x128xi32>
    %select_n3A_360 = arith.select %lt3A_356, %broadcast_in_dim3A_359, %select_n3A_347 : vector<576x128xi1>, vector<576x128xi32>
    %get3A_361 = arith.constant 27 : index
    %get3A_362 = arith.constant 0 : index
    %get3A_363 = vector.load %arg5[%get3A_361, %get3A_362] : memref<64x128xf32, #tpu.memory_space<vmem>>, vector<1x128xf32>
    %add3A_364 = vector.broadcast %broadcast_in_dim3A : vector<576x1xf32> to vector<576x128xf32>
    %add3A_365 = vector.broadcast %get3A_363 : vector<1x128xf32> to vector<576x128xf32>
    %add3A_366 = arith.addf %add3A_364, %add3A_365 : vector<576x128xf32>
    %slice3A_367 = vector.extract_strided_slice %dot_general3A_12 {offsets = [0, 3456], sizes = [576, 128], strides = [1, 1]} : vector<576x4096xf32> to vector<576x128xf32>
    %add3A_368 = arith.addf %add3A_366, %slice3A_367 : vector<576x128xf32>
    %lt3A_369 = arith.cmpf olt, %add3A_368, %select_n3A_357 : vector<576x128xf32>
    %select_n3A_370 = arith.select %lt3A_369, %add3A_368, %select_n3A_357 : vector<576x128xi1>, vector<576x128xf32>
    %jit3A_371 = arith.constant 27 : i32
    %broadcast_in_dim3A_372 = vector.broadcast %jit3A_371 : i32 to vector<576x128xi32>
    %select_n3A_373 = arith.select %lt3A_369, %broadcast_in_dim3A_372, %select_n3A_360 : vector<576x128xi1>, vector<576x128xi32>
    %get3A_374 = arith.constant 28 : index
    %get3A_375 = arith.constant 0 : index
    %get3A_376 = vector.load %arg5[%get3A_374, %get3A_375] : memref<64x128xf32, #tpu.memory_space<vmem>>, vector<1x128xf32>
    %add3A_377 = vector.broadcast %broadcast_in_dim3A : vector<576x1xf32> to vector<576x128xf32>
    %add3A_378 = vector.broadcast %get3A_376 : vector<1x128xf32> to vector<576x128xf32>
    %add3A_379 = arith.addf %add3A_377, %add3A_378 : vector<576x128xf32>
    %slice3A_380 = vector.extract_strided_slice %dot_general3A_12 {offsets = [0, 3584], sizes = [576, 128], strides = [1, 1]} : vector<576x4096xf32> to vector<576x128xf32>
    %add3A_381 = arith.addf %add3A_379, %slice3A_380 : vector<576x128xf32>
    %lt3A_382 = arith.cmpf olt, %add3A_381, %select_n3A_370 : vector<576x128xf32>
    %select_n3A_383 = arith.select %lt3A_382, %add3A_381, %select_n3A_370 : vector<576x128xi1>, vector<576x128xf32>
    %jit3A_384 = arith.constant 28 : i32
    %broadcast_in_dim3A_385 = vector.broadcast %jit3A_384 : i32 to vector<576x128xi32>
    %select_n3A_386 = arith.select %lt3A_382, %broadcast_in_dim3A_385, %select_n3A_373 : vector<576x128xi1>, vector<576x128xi32>
    %get3A_387 = arith.constant 29 : index
    %get3A_388 = arith.constant 0 : index
    %get3A_389 = vector.load %arg5[%get3A_387, %get3A_388] : memref<64x128xf32, #tpu.memory_space<vmem>>, vector<1x128xf32>
    %add3A_390 = vector.broadcast %broadcast_in_dim3A : vector<576x1xf32> to vector<576x128xf32>
    %add3A_391 = vector.broadcast %get3A_389 : vector<1x128xf32> to vector<576x128xf32>
    %add3A_392 = arith.addf %add3A_390, %add3A_391 : vector<576x128xf32>
    %slice3A_393 = vector.extract_strided_slice %dot_general3A_12 {offsets = [0, 3712], sizes = [576, 128], strides = [1, 1]} : vector<576x4096xf32> to vector<576x128xf32>
    %add3A_394 = arith.addf %add3A_392, %slice3A_393 : vector<576x128xf32>
    %lt3A_395 = arith.cmpf olt, %add3A_394, %select_n3A_383 : vector<576x128xf32>
    %select_n3A_396 = arith.select %lt3A_395, %add3A_394, %select_n3A_383 : vector<576x128xi1>, vector<576x128xf32>
    %jit3A_397 = arith.constant 29 : i32
    %broadcast_in_dim3A_398 = vector.broadcast %jit3A_397 : i32 to vector<576x128xi32>
    %select_n3A_399 = arith.select %lt3A_395, %broadcast_in_dim3A_398, %select_n3A_386 : vector<576x128xi1>, vector<576x128xi32>
    %get3A_400 = arith.constant 30 : index
    %get3A_401 = arith.constant 0 : index
    %get3A_402 = vector.load %arg5[%get3A_400, %get3A_401] : memref<64x128xf32, #tpu.memory_space<vmem>>, vector<1x128xf32>
    %add3A_403 = vector.broadcast %broadcast_in_dim3A : vector<576x1xf32> to vector<576x128xf32>
    %add3A_404 = vector.broadcast %get3A_402 : vector<1x128xf32> to vector<576x128xf32>
    %add3A_405 = arith.addf %add3A_403, %add3A_404 : vector<576x128xf32>
    %slice3A_406 = vector.extract_strided_slice %dot_general3A_12 {offsets = [0, 3840], sizes = [576, 128], strides = [1, 1]} : vector<576x4096xf32> to vector<576x128xf32>
    %add3A_407 = arith.addf %add3A_405, %slice3A_406 : vector<576x128xf32>
    %lt3A_408 = arith.cmpf olt, %add3A_407, %select_n3A_396 : vector<576x128xf32>
    %select_n3A_409 = arith.select %lt3A_408, %add3A_407, %select_n3A_396 : vector<576x128xi1>, vector<576x128xf32>
    %jit3A_410 = arith.constant 30 : i32
    %broadcast_in_dim3A_411 = vector.broadcast %jit3A_410 : i32 to vector<576x128xi32>
    %select_n3A_412 = arith.select %lt3A_408, %broadcast_in_dim3A_411, %select_n3A_399 : vector<576x128xi1>, vector<576x128xi32>
    %get3A_413 = arith.constant 31 : index
    %get3A_414 = arith.constant 0 : index
    %get3A_415 = vector.load %arg5[%get3A_413, %get3A_414] : memref<64x128xf32, #tpu.memory_space<vmem>>, vector<1x128xf32>
    %add3A_416 = vector.broadcast %broadcast_in_dim3A : vector<576x1xf32> to vector<576x128xf32>
    %add3A_417 = vector.broadcast %get3A_415 : vector<1x128xf32> to vector<576x128xf32>
    %add3A_418 = arith.addf %add3A_416, %add3A_417 : vector<576x128xf32>
    %slice3A_419 = vector.extract_strided_slice %dot_general3A_12 {offsets = [0, 3968], sizes = [576, 128], strides = [1, 1]} : vector<576x4096xf32> to vector<576x128xf32>
    %add3A_420 = arith.addf %add3A_418, %slice3A_419 : vector<576x128xf32>
    %lt3A_421 = arith.cmpf olt, %add3A_420, %select_n3A_409 : vector<576x128xf32>
    %select_n3A_422 = arith.select %lt3A_421, %add3A_420, %select_n3A_409 : vector<576x128xi1>, vector<576x128xf32>
    %jit3A_423 = arith.constant 31 : i32
    %broadcast_in_dim3A_424 = vector.broadcast %jit3A_423 : i32 to vector<576x128xi32>
    %select_n3A_425 = arith.select %lt3A_421, %broadcast_in_dim3A_424, %select_n3A_412 : vector<576x128xi1>, vector<576x128xi32>
    %reduce_min3A = arith.constant dense<0x7F800000> : vector<576xf32>
    %reduce_min3A_426 = vector.multi_reduction <minimumf>, %select_n3A_422, %reduce_min3A [1] : vector<576x128xf32> to vector<576xf32>
    %broadcast_in_dim3A_427 = vector.shape_cast %reduce_min3A_426 : vector<576xf32> to vector<576x1xf32>
    %iota3A = tpu.iota {dimensions = array<i32: 1>} : vector<576x128xi32>
    %mul3A_428 = arith.constant 128 : i32
    %mul3A_429 = vector.broadcast %mul3A_428 : i32 to vector<576x128xi32>
    %mul3A_430 = arith.muli %select_n3A_425, %mul3A_429 : vector<576x128xi32>
    %add3A_431 = arith.addi %mul3A_430, %iota3A : vector<576x128xi32>
    %eq3A_432 = vector.broadcast %broadcast_in_dim3A_427 : vector<576x1xf32> to vector<576x128xf32>
    %eq3A_433 = arith.cmpf oeq, %select_n3A_422, %eq3A_432 : vector<576x128xf32>
    %jit3A_434 = arith.constant 1073741824 : i32
    %broadcast_in_dim3A_435 = vector.broadcast %jit3A_434 : i32 to vector<576x128xi32>
    %select_n3A_436 = arith.select %eq3A_433, %add3A_431, %broadcast_in_dim3A_435 : vector<576x128xi1>, vector<576x128xi32>
    %reduce_min3A_437 = arith.constant dense<2147483647> : vector<576xi32>
    %reduce_min3A_438 = vector.multi_reduction <minsi>, %select_n3A_436, %reduce_min3A_437 [1] : vector<576x128xi32> to vector<576xi32>
    %broadcast_in_dim3A_439 = vector.shape_cast %reduce_min3A_438 : vector<576xi32> to vector<576x1xi32>
    %add3A_440 = arith.constant 0 : i32
    %add3A_441 = vector.broadcast %add3A_440 : i32 to vector<576x1xi32>
    %add3A_442 = arith.addi %broadcast_in_dim3A_439, %add3A_441 : vector<576x1xi32>
    %get3A_443 = arith.constant 32 : index
    %get3A_444 = arith.constant 0 : index
    %get3A_445 = vector.load %arg5[%get3A_443, %get3A_444] : memref<64x128xf32, #tpu.memory_space<vmem>>, vector<1x128xf32>
    %add3A_446 = vector.broadcast %broadcast_in_dim3A : vector<576x1xf32> to vector<576x128xf32>
    %add3A_447 = vector.broadcast %get3A_445 : vector<1x128xf32> to vector<576x128xf32>
    %add3A_448 = arith.addf %add3A_446, %add3A_447 : vector<576x128xf32>
    %slice3A_449 = vector.extract_strided_slice %dot_general3A_17 {offsets = [0, 0], sizes = [576, 128], strides = [1, 1]} : vector<576x4096xf32> to vector<576x128xf32>
    %add3A_450 = arith.addf %add3A_448, %slice3A_449 : vector<576x128xf32>
    %broadcast_in_dim3A_451 = arith.constant 0 : i32
    %broadcast_in_dim3A_452 = vector.broadcast %broadcast_in_dim3A_451 : i32 to vector<576x128xi32>
    %get3A_453 = arith.constant 33 : index
    %get3A_454 = arith.constant 0 : index
    %get3A_455 = vector.load %arg5[%get3A_453, %get3A_454] : memref<64x128xf32, #tpu.memory_space<vmem>>, vector<1x128xf32>
    %add3A_456 = vector.broadcast %broadcast_in_dim3A : vector<576x1xf32> to vector<576x128xf32>
    %add3A_457 = vector.broadcast %get3A_455 : vector<1x128xf32> to vector<576x128xf32>
    %add3A_458 = arith.addf %add3A_456, %add3A_457 : vector<576x128xf32>
    %slice3A_459 = vector.extract_strided_slice %dot_general3A_17 {offsets = [0, 128], sizes = [576, 128], strides = [1, 1]} : vector<576x4096xf32> to vector<576x128xf32>
    %add3A_460 = arith.addf %add3A_458, %slice3A_459 : vector<576x128xf32>
    %lt3A_461 = arith.cmpf olt, %add3A_460, %add3A_450 : vector<576x128xf32>
    %select_n3A_462 = arith.select %lt3A_461, %add3A_460, %add3A_450 : vector<576x128xi1>, vector<576x128xf32>
    %jit3A_463 = arith.constant 1 : i32
    %broadcast_in_dim3A_464 = vector.broadcast %jit3A_463 : i32 to vector<576x128xi32>
    %select_n3A_465 = arith.select %lt3A_461, %broadcast_in_dim3A_464, %broadcast_in_dim3A_452 : vector<576x128xi1>, vector<576x128xi32>
    %get3A_466 = arith.constant 34 : index
    %get3A_467 = arith.constant 0 : index
    %get3A_468 = vector.load %arg5[%get3A_466, %get3A_467] : memref<64x128xf32, #tpu.memory_space<vmem>>, vector<1x128xf32>
    %add3A_469 = vector.broadcast %broadcast_in_dim3A : vector<576x1xf32> to vector<576x128xf32>
    %add3A_470 = vector.broadcast %get3A_468 : vector<1x128xf32> to vector<576x128xf32>
    %add3A_471 = arith.addf %add3A_469, %add3A_470 : vector<576x128xf32>
    %slice3A_472 = vector.extract_strided_slice %dot_general3A_17 {offsets = [0, 256], sizes = [576, 128], strides = [1, 1]} : vector<576x4096xf32> to vector<576x128xf32>
    %add3A_473 = arith.addf %add3A_471, %slice3A_472 : vector<576x128xf32>
    %lt3A_474 = arith.cmpf olt, %add3A_473, %select_n3A_462 : vector<576x128xf32>
    %select_n3A_475 = arith.select %lt3A_474, %add3A_473, %select_n3A_462 : vector<576x128xi1>, vector<576x128xf32>
    %jit3A_476 = arith.constant 2 : i32
    %broadcast_in_dim3A_477 = vector.broadcast %jit3A_476 : i32 to vector<576x128xi32>
    %select_n3A_478 = arith.select %lt3A_474, %broadcast_in_dim3A_477, %select_n3A_465 : vector<576x128xi1>, vector<576x128xi32>
    %get3A_479 = arith.constant 35 : index
    %get3A_480 = arith.constant 0 : index
    %get3A_481 = vector.load %arg5[%get3A_479, %get3A_480] : memref<64x128xf32, #tpu.memory_space<vmem>>, vector<1x128xf32>
    %add3A_482 = vector.broadcast %broadcast_in_dim3A : vector<576x1xf32> to vector<576x128xf32>
    %add3A_483 = vector.broadcast %get3A_481 : vector<1x128xf32> to vector<576x128xf32>
    %add3A_484 = arith.addf %add3A_482, %add3A_483 : vector<576x128xf32>
    %slice3A_485 = vector.extract_strided_slice %dot_general3A_17 {offsets = [0, 384], sizes = [576, 128], strides = [1, 1]} : vector<576x4096xf32> to vector<576x128xf32>
    %add3A_486 = arith.addf %add3A_484, %slice3A_485 : vector<576x128xf32>
    %lt3A_487 = arith.cmpf olt, %add3A_486, %select_n3A_475 : vector<576x128xf32>
    %select_n3A_488 = arith.select %lt3A_487, %add3A_486, %select_n3A_475 : vector<576x128xi1>, vector<576x128xf32>
    %jit3A_489 = arith.constant 3 : i32
    %broadcast_in_dim3A_490 = vector.broadcast %jit3A_489 : i32 to vector<576x128xi32>
    %select_n3A_491 = arith.select %lt3A_487, %broadcast_in_dim3A_490, %select_n3A_478 : vector<576x128xi1>, vector<576x128xi32>
    %get3A_492 = arith.constant 36 : index
    %get3A_493 = arith.constant 0 : index
    %get3A_494 = vector.load %arg5[%get3A_492, %get3A_493] : memref<64x128xf32, #tpu.memory_space<vmem>>, vector<1x128xf32>
    %add3A_495 = vector.broadcast %broadcast_in_dim3A : vector<576x1xf32> to vector<576x128xf32>
    %add3A_496 = vector.broadcast %get3A_494 : vector<1x128xf32> to vector<576x128xf32>
    %add3A_497 = arith.addf %add3A_495, %add3A_496 : vector<576x128xf32>
    %slice3A_498 = vector.extract_strided_slice %dot_general3A_17 {offsets = [0, 512], sizes = [576, 128], strides = [1, 1]} : vector<576x4096xf32> to vector<576x128xf32>
    %add3A_499 = arith.addf %add3A_497, %slice3A_498 : vector<576x128xf32>
    %lt3A_500 = arith.cmpf olt, %add3A_499, %select_n3A_488 : vector<576x128xf32>
    %select_n3A_501 = arith.select %lt3A_500, %add3A_499, %select_n3A_488 : vector<576x128xi1>, vector<576x128xf32>
    %jit3A_502 = arith.constant 4 : i32
    %broadcast_in_dim3A_503 = vector.broadcast %jit3A_502 : i32 to vector<576x128xi32>
    %select_n3A_504 = arith.select %lt3A_500, %broadcast_in_dim3A_503, %select_n3A_491 : vector<576x128xi1>, vector<576x128xi32>
    %get3A_505 = arith.constant 37 : index
    %get3A_506 = arith.constant 0 : index
    %get3A_507 = vector.load %arg5[%get3A_505, %get3A_506] : memref<64x128xf32, #tpu.memory_space<vmem>>, vector<1x128xf32>
    %add3A_508 = vector.broadcast %broadcast_in_dim3A : vector<576x1xf32> to vector<576x128xf32>
    %add3A_509 = vector.broadcast %get3A_507 : vector<1x128xf32> to vector<576x128xf32>
    %add3A_510 = arith.addf %add3A_508, %add3A_509 : vector<576x128xf32>
    %slice3A_511 = vector.extract_strided_slice %dot_general3A_17 {offsets = [0, 640], sizes = [576, 128], strides = [1, 1]} : vector<576x4096xf32> to vector<576x128xf32>
    %add3A_512 = arith.addf %add3A_510, %slice3A_511 : vector<576x128xf32>
    %lt3A_513 = arith.cmpf olt, %add3A_512, %select_n3A_501 : vector<576x128xf32>
    %select_n3A_514 = arith.select %lt3A_513, %add3A_512, %select_n3A_501 : vector<576x128xi1>, vector<576x128xf32>
    %jit3A_515 = arith.constant 5 : i32
    %broadcast_in_dim3A_516 = vector.broadcast %jit3A_515 : i32 to vector<576x128xi32>
    %select_n3A_517 = arith.select %lt3A_513, %broadcast_in_dim3A_516, %select_n3A_504 : vector<576x128xi1>, vector<576x128xi32>
    %get3A_518 = arith.constant 38 : index
    %get3A_519 = arith.constant 0 : index
    %get3A_520 = vector.load %arg5[%get3A_518, %get3A_519] : memref<64x128xf32, #tpu.memory_space<vmem>>, vector<1x128xf32>
    %add3A_521 = vector.broadcast %broadcast_in_dim3A : vector<576x1xf32> to vector<576x128xf32>
    %add3A_522 = vector.broadcast %get3A_520 : vector<1x128xf32> to vector<576x128xf32>
    %add3A_523 = arith.addf %add3A_521, %add3A_522 : vector<576x128xf32>
    %slice3A_524 = vector.extract_strided_slice %dot_general3A_17 {offsets = [0, 768], sizes = [576, 128], strides = [1, 1]} : vector<576x4096xf32> to vector<576x128xf32>
    %add3A_525 = arith.addf %add3A_523, %slice3A_524 : vector<576x128xf32>
    %lt3A_526 = arith.cmpf olt, %add3A_525, %select_n3A_514 : vector<576x128xf32>
    %select_n3A_527 = arith.select %lt3A_526, %add3A_525, %select_n3A_514 : vector<576x128xi1>, vector<576x128xf32>
    %jit3A_528 = arith.constant 6 : i32
    %broadcast_in_dim3A_529 = vector.broadcast %jit3A_528 : i32 to vector<576x128xi32>
    %select_n3A_530 = arith.select %lt3A_526, %broadcast_in_dim3A_529, %select_n3A_517 : vector<576x128xi1>, vector<576x128xi32>
    %get3A_531 = arith.constant 39 : index
    %get3A_532 = arith.constant 0 : index
    %get3A_533 = vector.load %arg5[%get3A_531, %get3A_532] : memref<64x128xf32, #tpu.memory_space<vmem>>, vector<1x128xf32>
    %add3A_534 = vector.broadcast %broadcast_in_dim3A : vector<576x1xf32> to vector<576x128xf32>
    %add3A_535 = vector.broadcast %get3A_533 : vector<1x128xf32> to vector<576x128xf32>
    %add3A_536 = arith.addf %add3A_534, %add3A_535 : vector<576x128xf32>
    %slice3A_537 = vector.extract_strided_slice %dot_general3A_17 {offsets = [0, 896], sizes = [576, 128], strides = [1, 1]} : vector<576x4096xf32> to vector<576x128xf32>
    %add3A_538 = arith.addf %add3A_536, %slice3A_537 : vector<576x128xf32>
    %lt3A_539 = arith.cmpf olt, %add3A_538, %select_n3A_527 : vector<576x128xf32>
    %select_n3A_540 = arith.select %lt3A_539, %add3A_538, %select_n3A_527 : vector<576x128xi1>, vector<576x128xf32>
    %jit3A_541 = arith.constant 7 : i32
    %broadcast_in_dim3A_542 = vector.broadcast %jit3A_541 : i32 to vector<576x128xi32>
    %select_n3A_543 = arith.select %lt3A_539, %broadcast_in_dim3A_542, %select_n3A_530 : vector<576x128xi1>, vector<576x128xi32>
    %get3A_544 = arith.constant 40 : index
    %get3A_545 = arith.constant 0 : index
    %get3A_546 = vector.load %arg5[%get3A_544, %get3A_545] : memref<64x128xf32, #tpu.memory_space<vmem>>, vector<1x128xf32>
    %add3A_547 = vector.broadcast %broadcast_in_dim3A : vector<576x1xf32> to vector<576x128xf32>
    %add3A_548 = vector.broadcast %get3A_546 : vector<1x128xf32> to vector<576x128xf32>
    %add3A_549 = arith.addf %add3A_547, %add3A_548 : vector<576x128xf32>
    %slice3A_550 = vector.extract_strided_slice %dot_general3A_17 {offsets = [0, 1024], sizes = [576, 128], strides = [1, 1]} : vector<576x4096xf32> to vector<576x128xf32>
    %add3A_551 = arith.addf %add3A_549, %slice3A_550 : vector<576x128xf32>
    %lt3A_552 = arith.cmpf olt, %add3A_551, %select_n3A_540 : vector<576x128xf32>
    %select_n3A_553 = arith.select %lt3A_552, %add3A_551, %select_n3A_540 : vector<576x128xi1>, vector<576x128xf32>
    %jit3A_554 = arith.constant 8 : i32
    %broadcast_in_dim3A_555 = vector.broadcast %jit3A_554 : i32 to vector<576x128xi32>
    %select_n3A_556 = arith.select %lt3A_552, %broadcast_in_dim3A_555, %select_n3A_543 : vector<576x128xi1>, vector<576x128xi32>
    %get3A_557 = arith.constant 41 : index
    %get3A_558 = arith.constant 0 : index
    %get3A_559 = vector.load %arg5[%get3A_557, %get3A_558] : memref<64x128xf32, #tpu.memory_space<vmem>>, vector<1x128xf32>
    %add3A_560 = vector.broadcast %broadcast_in_dim3A : vector<576x1xf32> to vector<576x128xf32>
    %add3A_561 = vector.broadcast %get3A_559 : vector<1x128xf32> to vector<576x128xf32>
    %add3A_562 = arith.addf %add3A_560, %add3A_561 : vector<576x128xf32>
    %slice3A_563 = vector.extract_strided_slice %dot_general3A_17 {offsets = [0, 1152], sizes = [576, 128], strides = [1, 1]} : vector<576x4096xf32> to vector<576x128xf32>
    %add3A_564 = arith.addf %add3A_562, %slice3A_563 : vector<576x128xf32>
    %lt3A_565 = arith.cmpf olt, %add3A_564, %select_n3A_553 : vector<576x128xf32>
    %select_n3A_566 = arith.select %lt3A_565, %add3A_564, %select_n3A_553 : vector<576x128xi1>, vector<576x128xf32>
    %jit3A_567 = arith.constant 9 : i32
    %broadcast_in_dim3A_568 = vector.broadcast %jit3A_567 : i32 to vector<576x128xi32>
    %select_n3A_569 = arith.select %lt3A_565, %broadcast_in_dim3A_568, %select_n3A_556 : vector<576x128xi1>, vector<576x128xi32>
    %get3A_570 = arith.constant 42 : index
    %get3A_571 = arith.constant 0 : index
    %get3A_572 = vector.load %arg5[%get3A_570, %get3A_571] : memref<64x128xf32, #tpu.memory_space<vmem>>, vector<1x128xf32>
    %add3A_573 = vector.broadcast %broadcast_in_dim3A : vector<576x1xf32> to vector<576x128xf32>
    %add3A_574 = vector.broadcast %get3A_572 : vector<1x128xf32> to vector<576x128xf32>
    %add3A_575 = arith.addf %add3A_573, %add3A_574 : vector<576x128xf32>
    %slice3A_576 = vector.extract_strided_slice %dot_general3A_17 {offsets = [0, 1280], sizes = [576, 128], strides = [1, 1]} : vector<576x4096xf32> to vector<576x128xf32>
    %add3A_577 = arith.addf %add3A_575, %slice3A_576 : vector<576x128xf32>
    %lt3A_578 = arith.cmpf olt, %add3A_577, %select_n3A_566 : vector<576x128xf32>
    %select_n3A_579 = arith.select %lt3A_578, %add3A_577, %select_n3A_566 : vector<576x128xi1>, vector<576x128xf32>
    %jit3A_580 = arith.constant 10 : i32
    %broadcast_in_dim3A_581 = vector.broadcast %jit3A_580 : i32 to vector<576x128xi32>
    %select_n3A_582 = arith.select %lt3A_578, %broadcast_in_dim3A_581, %select_n3A_569 : vector<576x128xi1>, vector<576x128xi32>
    %get3A_583 = arith.constant 43 : index
    %get3A_584 = arith.constant 0 : index
    %get3A_585 = vector.load %arg5[%get3A_583, %get3A_584] : memref<64x128xf32, #tpu.memory_space<vmem>>, vector<1x128xf32>
    %add3A_586 = vector.broadcast %broadcast_in_dim3A : vector<576x1xf32> to vector<576x128xf32>
    %add3A_587 = vector.broadcast %get3A_585 : vector<1x128xf32> to vector<576x128xf32>
    %add3A_588 = arith.addf %add3A_586, %add3A_587 : vector<576x128xf32>
    %slice3A_589 = vector.extract_strided_slice %dot_general3A_17 {offsets = [0, 1408], sizes = [576, 128], strides = [1, 1]} : vector<576x4096xf32> to vector<576x128xf32>
    %add3A_590 = arith.addf %add3A_588, %slice3A_589 : vector<576x128xf32>
    %lt3A_591 = arith.cmpf olt, %add3A_590, %select_n3A_579 : vector<576x128xf32>
    %select_n3A_592 = arith.select %lt3A_591, %add3A_590, %select_n3A_579 : vector<576x128xi1>, vector<576x128xf32>
    %jit3A_593 = arith.constant 11 : i32
    %broadcast_in_dim3A_594 = vector.broadcast %jit3A_593 : i32 to vector<576x128xi32>
    %select_n3A_595 = arith.select %lt3A_591, %broadcast_in_dim3A_594, %select_n3A_582 : vector<576x128xi1>, vector<576x128xi32>
    %get3A_596 = arith.constant 44 : index
    %get3A_597 = arith.constant 0 : index
    %get3A_598 = vector.load %arg5[%get3A_596, %get3A_597] : memref<64x128xf32, #tpu.memory_space<vmem>>, vector<1x128xf32>
    %add3A_599 = vector.broadcast %broadcast_in_dim3A : vector<576x1xf32> to vector<576x128xf32>
    %add3A_600 = vector.broadcast %get3A_598 : vector<1x128xf32> to vector<576x128xf32>
    %add3A_601 = arith.addf %add3A_599, %add3A_600 : vector<576x128xf32>
    %slice3A_602 = vector.extract_strided_slice %dot_general3A_17 {offsets = [0, 1536], sizes = [576, 128], strides = [1, 1]} : vector<576x4096xf32> to vector<576x128xf32>
    %add3A_603 = arith.addf %add3A_601, %slice3A_602 : vector<576x128xf32>
    %lt3A_604 = arith.cmpf olt, %add3A_603, %select_n3A_592 : vector<576x128xf32>
    %select_n3A_605 = arith.select %lt3A_604, %add3A_603, %select_n3A_592 : vector<576x128xi1>, vector<576x128xf32>
    %jit3A_606 = arith.constant 12 : i32
    %broadcast_in_dim3A_607 = vector.broadcast %jit3A_606 : i32 to vector<576x128xi32>
    %select_n3A_608 = arith.select %lt3A_604, %broadcast_in_dim3A_607, %select_n3A_595 : vector<576x128xi1>, vector<576x128xi32>
    %get3A_609 = arith.constant 45 : index
    %get3A_610 = arith.constant 0 : index
    %get3A_611 = vector.load %arg5[%get3A_609, %get3A_610] : memref<64x128xf32, #tpu.memory_space<vmem>>, vector<1x128xf32>
    %add3A_612 = vector.broadcast %broadcast_in_dim3A : vector<576x1xf32> to vector<576x128xf32>
    %add3A_613 = vector.broadcast %get3A_611 : vector<1x128xf32> to vector<576x128xf32>
    %add3A_614 = arith.addf %add3A_612, %add3A_613 : vector<576x128xf32>
    %slice3A_615 = vector.extract_strided_slice %dot_general3A_17 {offsets = [0, 1664], sizes = [576, 128], strides = [1, 1]} : vector<576x4096xf32> to vector<576x128xf32>
    %add3A_616 = arith.addf %add3A_614, %slice3A_615 : vector<576x128xf32>
    %lt3A_617 = arith.cmpf olt, %add3A_616, %select_n3A_605 : vector<576x128xf32>
    %select_n3A_618 = arith.select %lt3A_617, %add3A_616, %select_n3A_605 : vector<576x128xi1>, vector<576x128xf32>
    %jit3A_619 = arith.constant 13 : i32
    %broadcast_in_dim3A_620 = vector.broadcast %jit3A_619 : i32 to vector<576x128xi32>
    %select_n3A_621 = arith.select %lt3A_617, %broadcast_in_dim3A_620, %select_n3A_608 : vector<576x128xi1>, vector<576x128xi32>
    %get3A_622 = arith.constant 46 : index
    %get3A_623 = arith.constant 0 : index
    %get3A_624 = vector.load %arg5[%get3A_622, %get3A_623] : memref<64x128xf32, #tpu.memory_space<vmem>>, vector<1x128xf32>
    %add3A_625 = vector.broadcast %broadcast_in_dim3A : vector<576x1xf32> to vector<576x128xf32>
    %add3A_626 = vector.broadcast %get3A_624 : vector<1x128xf32> to vector<576x128xf32>
    %add3A_627 = arith.addf %add3A_625, %add3A_626 : vector<576x128xf32>
    %slice3A_628 = vector.extract_strided_slice %dot_general3A_17 {offsets = [0, 1792], sizes = [576, 128], strides = [1, 1]} : vector<576x4096xf32> to vector<576x128xf32>
    %add3A_629 = arith.addf %add3A_627, %slice3A_628 : vector<576x128xf32>
    %lt3A_630 = arith.cmpf olt, %add3A_629, %select_n3A_618 : vector<576x128xf32>
    %select_n3A_631 = arith.select %lt3A_630, %add3A_629, %select_n3A_618 : vector<576x128xi1>, vector<576x128xf32>
    %jit3A_632 = arith.constant 14 : i32
    %broadcast_in_dim3A_633 = vector.broadcast %jit3A_632 : i32 to vector<576x128xi32>
    %select_n3A_634 = arith.select %lt3A_630, %broadcast_in_dim3A_633, %select_n3A_621 : vector<576x128xi1>, vector<576x128xi32>
    %get3A_635 = arith.constant 47 : index
    %get3A_636 = arith.constant 0 : index
    %get3A_637 = vector.load %arg5[%get3A_635, %get3A_636] : memref<64x128xf32, #tpu.memory_space<vmem>>, vector<1x128xf32>
    %add3A_638 = vector.broadcast %broadcast_in_dim3A : vector<576x1xf32> to vector<576x128xf32>
    %add3A_639 = vector.broadcast %get3A_637 : vector<1x128xf32> to vector<576x128xf32>
    %add3A_640 = arith.addf %add3A_638, %add3A_639 : vector<576x128xf32>
    %slice3A_641 = vector.extract_strided_slice %dot_general3A_17 {offsets = [0, 1920], sizes = [576, 128], strides = [1, 1]} : vector<576x4096xf32> to vector<576x128xf32>
    %add3A_642 = arith.addf %add3A_640, %slice3A_641 : vector<576x128xf32>
    %lt3A_643 = arith.cmpf olt, %add3A_642, %select_n3A_631 : vector<576x128xf32>
    %select_n3A_644 = arith.select %lt3A_643, %add3A_642, %select_n3A_631 : vector<576x128xi1>, vector<576x128xf32>
    %jit3A_645 = arith.constant 15 : i32
    %broadcast_in_dim3A_646 = vector.broadcast %jit3A_645 : i32 to vector<576x128xi32>
    %select_n3A_647 = arith.select %lt3A_643, %broadcast_in_dim3A_646, %select_n3A_634 : vector<576x128xi1>, vector<576x128xi32>
    %get3A_648 = arith.constant 48 : index
    %get3A_649 = arith.constant 0 : index
    %get3A_650 = vector.load %arg5[%get3A_648, %get3A_649] : memref<64x128xf32, #tpu.memory_space<vmem>>, vector<1x128xf32>
    %add3A_651 = vector.broadcast %broadcast_in_dim3A : vector<576x1xf32> to vector<576x128xf32>
    %add3A_652 = vector.broadcast %get3A_650 : vector<1x128xf32> to vector<576x128xf32>
    %add3A_653 = arith.addf %add3A_651, %add3A_652 : vector<576x128xf32>
    %slice3A_654 = vector.extract_strided_slice %dot_general3A_17 {offsets = [0, 2048], sizes = [576, 128], strides = [1, 1]} : vector<576x4096xf32> to vector<576x128xf32>
    %add3A_655 = arith.addf %add3A_653, %slice3A_654 : vector<576x128xf32>
    %lt3A_656 = arith.cmpf olt, %add3A_655, %select_n3A_644 : vector<576x128xf32>
    %select_n3A_657 = arith.select %lt3A_656, %add3A_655, %select_n3A_644 : vector<576x128xi1>, vector<576x128xf32>
    %jit3A_658 = arith.constant 16 : i32
    %broadcast_in_dim3A_659 = vector.broadcast %jit3A_658 : i32 to vector<576x128xi32>
    %select_n3A_660 = arith.select %lt3A_656, %broadcast_in_dim3A_659, %select_n3A_647 : vector<576x128xi1>, vector<576x128xi32>
    %get3A_661 = arith.constant 49 : index
    %get3A_662 = arith.constant 0 : index
    %get3A_663 = vector.load %arg5[%get3A_661, %get3A_662] : memref<64x128xf32, #tpu.memory_space<vmem>>, vector<1x128xf32>
    %add3A_664 = vector.broadcast %broadcast_in_dim3A : vector<576x1xf32> to vector<576x128xf32>
    %add3A_665 = vector.broadcast %get3A_663 : vector<1x128xf32> to vector<576x128xf32>
    %add3A_666 = arith.addf %add3A_664, %add3A_665 : vector<576x128xf32>
    %slice3A_667 = vector.extract_strided_slice %dot_general3A_17 {offsets = [0, 2176], sizes = [576, 128], strides = [1, 1]} : vector<576x4096xf32> to vector<576x128xf32>
    %add3A_668 = arith.addf %add3A_666, %slice3A_667 : vector<576x128xf32>
    %lt3A_669 = arith.cmpf olt, %add3A_668, %select_n3A_657 : vector<576x128xf32>
    %select_n3A_670 = arith.select %lt3A_669, %add3A_668, %select_n3A_657 : vector<576x128xi1>, vector<576x128xf32>
    %jit3A_671 = arith.constant 17 : i32
    %broadcast_in_dim3A_672 = vector.broadcast %jit3A_671 : i32 to vector<576x128xi32>
    %select_n3A_673 = arith.select %lt3A_669, %broadcast_in_dim3A_672, %select_n3A_660 : vector<576x128xi1>, vector<576x128xi32>
    %get3A_674 = arith.constant 50 : index
    %get3A_675 = arith.constant 0 : index
    %get3A_676 = vector.load %arg5[%get3A_674, %get3A_675] : memref<64x128xf32, #tpu.memory_space<vmem>>, vector<1x128xf32>
    %add3A_677 = vector.broadcast %broadcast_in_dim3A : vector<576x1xf32> to vector<576x128xf32>
    %add3A_678 = vector.broadcast %get3A_676 : vector<1x128xf32> to vector<576x128xf32>
    %add3A_679 = arith.addf %add3A_677, %add3A_678 : vector<576x128xf32>
    %slice3A_680 = vector.extract_strided_slice %dot_general3A_17 {offsets = [0, 2304], sizes = [576, 128], strides = [1, 1]} : vector<576x4096xf32> to vector<576x128xf32>
    %add3A_681 = arith.addf %add3A_679, %slice3A_680 : vector<576x128xf32>
    %lt3A_682 = arith.cmpf olt, %add3A_681, %select_n3A_670 : vector<576x128xf32>
    %select_n3A_683 = arith.select %lt3A_682, %add3A_681, %select_n3A_670 : vector<576x128xi1>, vector<576x128xf32>
    %jit3A_684 = arith.constant 18 : i32
    %broadcast_in_dim3A_685 = vector.broadcast %jit3A_684 : i32 to vector<576x128xi32>
    %select_n3A_686 = arith.select %lt3A_682, %broadcast_in_dim3A_685, %select_n3A_673 : vector<576x128xi1>, vector<576x128xi32>
    %get3A_687 = arith.constant 51 : index
    %get3A_688 = arith.constant 0 : index
    %get3A_689 = vector.load %arg5[%get3A_687, %get3A_688] : memref<64x128xf32, #tpu.memory_space<vmem>>, vector<1x128xf32>
    %add3A_690 = vector.broadcast %broadcast_in_dim3A : vector<576x1xf32> to vector<576x128xf32>
    %add3A_691 = vector.broadcast %get3A_689 : vector<1x128xf32> to vector<576x128xf32>
    %add3A_692 = arith.addf %add3A_690, %add3A_691 : vector<576x128xf32>
    %slice3A_693 = vector.extract_strided_slice %dot_general3A_17 {offsets = [0, 2432], sizes = [576, 128], strides = [1, 1]} : vector<576x4096xf32> to vector<576x128xf32>
    %add3A_694 = arith.addf %add3A_692, %slice3A_693 : vector<576x128xf32>
    %lt3A_695 = arith.cmpf olt, %add3A_694, %select_n3A_683 : vector<576x128xf32>
    %select_n3A_696 = arith.select %lt3A_695, %add3A_694, %select_n3A_683 : vector<576x128xi1>, vector<576x128xf32>
    %jit3A_697 = arith.constant 19 : i32
    %broadcast_in_dim3A_698 = vector.broadcast %jit3A_697 : i32 to vector<576x128xi32>
    %select_n3A_699 = arith.select %lt3A_695, %broadcast_in_dim3A_698, %select_n3A_686 : vector<576x128xi1>, vector<576x128xi32>
    %get3A_700 = arith.constant 52 : index
    %get3A_701 = arith.constant 0 : index
    %get3A_702 = vector.load %arg5[%get3A_700, %get3A_701] : memref<64x128xf32, #tpu.memory_space<vmem>>, vector<1x128xf32>
    %add3A_703 = vector.broadcast %broadcast_in_dim3A : vector<576x1xf32> to vector<576x128xf32>
    %add3A_704 = vector.broadcast %get3A_702 : vector<1x128xf32> to vector<576x128xf32>
    %add3A_705 = arith.addf %add3A_703, %add3A_704 : vector<576x128xf32>
    %slice3A_706 = vector.extract_strided_slice %dot_general3A_17 {offsets = [0, 2560], sizes = [576, 128], strides = [1, 1]} : vector<576x4096xf32> to vector<576x128xf32>
    %add3A_707 = arith.addf %add3A_705, %slice3A_706 : vector<576x128xf32>
    %lt3A_708 = arith.cmpf olt, %add3A_707, %select_n3A_696 : vector<576x128xf32>
    %select_n3A_709 = arith.select %lt3A_708, %add3A_707, %select_n3A_696 : vector<576x128xi1>, vector<576x128xf32>
    %jit3A_710 = arith.constant 20 : i32
    %broadcast_in_dim3A_711 = vector.broadcast %jit3A_710 : i32 to vector<576x128xi32>
    %select_n3A_712 = arith.select %lt3A_708, %broadcast_in_dim3A_711, %select_n3A_699 : vector<576x128xi1>, vector<576x128xi32>
    %get3A_713 = arith.constant 53 : index
    %get3A_714 = arith.constant 0 : index
    %get3A_715 = vector.load %arg5[%get3A_713, %get3A_714] : memref<64x128xf32, #tpu.memory_space<vmem>>, vector<1x128xf32>
    %add3A_716 = vector.broadcast %broadcast_in_dim3A : vector<576x1xf32> to vector<576x128xf32>
    %add3A_717 = vector.broadcast %get3A_715 : vector<1x128xf32> to vector<576x128xf32>
    %add3A_718 = arith.addf %add3A_716, %add3A_717 : vector<576x128xf32>
    %slice3A_719 = vector.extract_strided_slice %dot_general3A_17 {offsets = [0, 2688], sizes = [576, 128], strides = [1, 1]} : vector<576x4096xf32> to vector<576x128xf32>
    %add3A_720 = arith.addf %add3A_718, %slice3A_719 : vector<576x128xf32>
    %lt3A_721 = arith.cmpf olt, %add3A_720, %select_n3A_709 : vector<576x128xf32>
    %select_n3A_722 = arith.select %lt3A_721, %add3A_720, %select_n3A_709 : vector<576x128xi1>, vector<576x128xf32>
    %jit3A_723 = arith.constant 21 : i32
    %broadcast_in_dim3A_724 = vector.broadcast %jit3A_723 : i32 to vector<576x128xi32>
    %select_n3A_725 = arith.select %lt3A_721, %broadcast_in_dim3A_724, %select_n3A_712 : vector<576x128xi1>, vector<576x128xi32>
    %get3A_726 = arith.constant 54 : index
    %get3A_727 = arith.constant 0 : index
    %get3A_728 = vector.load %arg5[%get3A_726, %get3A_727] : memref<64x128xf32, #tpu.memory_space<vmem>>, vector<1x128xf32>
    %add3A_729 = vector.broadcast %broadcast_in_dim3A : vector<576x1xf32> to vector<576x128xf32>
    %add3A_730 = vector.broadcast %get3A_728 : vector<1x128xf32> to vector<576x128xf32>
    %add3A_731 = arith.addf %add3A_729, %add3A_730 : vector<576x128xf32>
    %slice3A_732 = vector.extract_strided_slice %dot_general3A_17 {offsets = [0, 2816], sizes = [576, 128], strides = [1, 1]} : vector<576x4096xf32> to vector<576x128xf32>
    %add3A_733 = arith.addf %add3A_731, %slice3A_732 : vector<576x128xf32>
    %lt3A_734 = arith.cmpf olt, %add3A_733, %select_n3A_722 : vector<576x128xf32>
    %select_n3A_735 = arith.select %lt3A_734, %add3A_733, %select_n3A_722 : vector<576x128xi1>, vector<576x128xf32>
    %jit3A_736 = arith.constant 22 : i32
    %broadcast_in_dim3A_737 = vector.broadcast %jit3A_736 : i32 to vector<576x128xi32>
    %select_n3A_738 = arith.select %lt3A_734, %broadcast_in_dim3A_737, %select_n3A_725 : vector<576x128xi1>, vector<576x128xi32>
    %get3A_739 = arith.constant 55 : index
    %get3A_740 = arith.constant 0 : index
    %get3A_741 = vector.load %arg5[%get3A_739, %get3A_740] : memref<64x128xf32, #tpu.memory_space<vmem>>, vector<1x128xf32>
    %add3A_742 = vector.broadcast %broadcast_in_dim3A : vector<576x1xf32> to vector<576x128xf32>
    %add3A_743 = vector.broadcast %get3A_741 : vector<1x128xf32> to vector<576x128xf32>
    %add3A_744 = arith.addf %add3A_742, %add3A_743 : vector<576x128xf32>
    %slice3A_745 = vector.extract_strided_slice %dot_general3A_17 {offsets = [0, 2944], sizes = [576, 128], strides = [1, 1]} : vector<576x4096xf32> to vector<576x128xf32>
    %add3A_746 = arith.addf %add3A_744, %slice3A_745 : vector<576x128xf32>
    %lt3A_747 = arith.cmpf olt, %add3A_746, %select_n3A_735 : vector<576x128xf32>
    %select_n3A_748 = arith.select %lt3A_747, %add3A_746, %select_n3A_735 : vector<576x128xi1>, vector<576x128xf32>
    %jit3A_749 = arith.constant 23 : i32
    %broadcast_in_dim3A_750 = vector.broadcast %jit3A_749 : i32 to vector<576x128xi32>
    %select_n3A_751 = arith.select %lt3A_747, %broadcast_in_dim3A_750, %select_n3A_738 : vector<576x128xi1>, vector<576x128xi32>
    %get3A_752 = arith.constant 56 : index
    %get3A_753 = arith.constant 0 : index
    %get3A_754 = vector.load %arg5[%get3A_752, %get3A_753] : memref<64x128xf32, #tpu.memory_space<vmem>>, vector<1x128xf32>
    %add3A_755 = vector.broadcast %broadcast_in_dim3A : vector<576x1xf32> to vector<576x128xf32>
    %add3A_756 = vector.broadcast %get3A_754 : vector<1x128xf32> to vector<576x128xf32>
    %add3A_757 = arith.addf %add3A_755, %add3A_756 : vector<576x128xf32>
    %slice3A_758 = vector.extract_strided_slice %dot_general3A_17 {offsets = [0, 3072], sizes = [576, 128], strides = [1, 1]} : vector<576x4096xf32> to vector<576x128xf32>
    %add3A_759 = arith.addf %add3A_757, %slice3A_758 : vector<576x128xf32>
    %lt3A_760 = arith.cmpf olt, %add3A_759, %select_n3A_748 : vector<576x128xf32>
    %select_n3A_761 = arith.select %lt3A_760, %add3A_759, %select_n3A_748 : vector<576x128xi1>, vector<576x128xf32>
    %jit3A_762 = arith.constant 24 : i32
    %broadcast_in_dim3A_763 = vector.broadcast %jit3A_762 : i32 to vector<576x128xi32>
    %select_n3A_764 = arith.select %lt3A_760, %broadcast_in_dim3A_763, %select_n3A_751 : vector<576x128xi1>, vector<576x128xi32>
    %get3A_765 = arith.constant 57 : index
    %get3A_766 = arith.constant 0 : index
    %get3A_767 = vector.load %arg5[%get3A_765, %get3A_766] : memref<64x128xf32, #tpu.memory_space<vmem>>, vector<1x128xf32>
    %add3A_768 = vector.broadcast %broadcast_in_dim3A : vector<576x1xf32> to vector<576x128xf32>
    %add3A_769 = vector.broadcast %get3A_767 : vector<1x128xf32> to vector<576x128xf32>
    %add3A_770 = arith.addf %add3A_768, %add3A_769 : vector<576x128xf32>
    %slice3A_771 = vector.extract_strided_slice %dot_general3A_17 {offsets = [0, 3200], sizes = [576, 128], strides = [1, 1]} : vector<576x4096xf32> to vector<576x128xf32>
    %add3A_772 = arith.addf %add3A_770, %slice3A_771 : vector<576x128xf32>
    %lt3A_773 = arith.cmpf olt, %add3A_772, %select_n3A_761 : vector<576x128xf32>
    %select_n3A_774 = arith.select %lt3A_773, %add3A_772, %select_n3A_761 : vector<576x128xi1>, vector<576x128xf32>
    %jit3A_775 = arith.constant 25 : i32
    %broadcast_in_dim3A_776 = vector.broadcast %jit3A_775 : i32 to vector<576x128xi32>
    %select_n3A_777 = arith.select %lt3A_773, %broadcast_in_dim3A_776, %select_n3A_764 : vector<576x128xi1>, vector<576x128xi32>
    %get3A_778 = arith.constant 58 : index
    %get3A_779 = arith.constant 0 : index
    %get3A_780 = vector.load %arg5[%get3A_778, %get3A_779] : memref<64x128xf32, #tpu.memory_space<vmem>>, vector<1x128xf32>
    %add3A_781 = vector.broadcast %broadcast_in_dim3A : vector<576x1xf32> to vector<576x128xf32>
    %add3A_782 = vector.broadcast %get3A_780 : vector<1x128xf32> to vector<576x128xf32>
    %add3A_783 = arith.addf %add3A_781, %add3A_782 : vector<576x128xf32>
    %slice3A_784 = vector.extract_strided_slice %dot_general3A_17 {offsets = [0, 3328], sizes = [576, 128], strides = [1, 1]} : vector<576x4096xf32> to vector<576x128xf32>
    %add3A_785 = arith.addf %add3A_783, %slice3A_784 : vector<576x128xf32>
    %lt3A_786 = arith.cmpf olt, %add3A_785, %select_n3A_774 : vector<576x128xf32>
    %select_n3A_787 = arith.select %lt3A_786, %add3A_785, %select_n3A_774 : vector<576x128xi1>, vector<576x128xf32>
    %jit3A_788 = arith.constant 26 : i32
    %broadcast_in_dim3A_789 = vector.broadcast %jit3A_788 : i32 to vector<576x128xi32>
    %select_n3A_790 = arith.select %lt3A_786, %broadcast_in_dim3A_789, %select_n3A_777 : vector<576x128xi1>, vector<576x128xi32>
    %get3A_791 = arith.constant 59 : index
    %get3A_792 = arith.constant 0 : index
    %get3A_793 = vector.load %arg5[%get3A_791, %get3A_792] : memref<64x128xf32, #tpu.memory_space<vmem>>, vector<1x128xf32>
    %add3A_794 = vector.broadcast %broadcast_in_dim3A : vector<576x1xf32> to vector<576x128xf32>
    %add3A_795 = vector.broadcast %get3A_793 : vector<1x128xf32> to vector<576x128xf32>
    %add3A_796 = arith.addf %add3A_794, %add3A_795 : vector<576x128xf32>
    %slice3A_797 = vector.extract_strided_slice %dot_general3A_17 {offsets = [0, 3456], sizes = [576, 128], strides = [1, 1]} : vector<576x4096xf32> to vector<576x128xf32>
    %add3A_798 = arith.addf %add3A_796, %slice3A_797 : vector<576x128xf32>
    %lt3A_799 = arith.cmpf olt, %add3A_798, %select_n3A_787 : vector<576x128xf32>
    %select_n3A_800 = arith.select %lt3A_799, %add3A_798, %select_n3A_787 : vector<576x128xi1>, vector<576x128xf32>
    %jit3A_801 = arith.constant 27 : i32
    %broadcast_in_dim3A_802 = vector.broadcast %jit3A_801 : i32 to vector<576x128xi32>
    %select_n3A_803 = arith.select %lt3A_799, %broadcast_in_dim3A_802, %select_n3A_790 : vector<576x128xi1>, vector<576x128xi32>
    %get3A_804 = arith.constant 60 : index
    %get3A_805 = arith.constant 0 : index
    %get3A_806 = vector.load %arg5[%get3A_804, %get3A_805] : memref<64x128xf32, #tpu.memory_space<vmem>>, vector<1x128xf32>
    %add3A_807 = vector.broadcast %broadcast_in_dim3A : vector<576x1xf32> to vector<576x128xf32>
    %add3A_808 = vector.broadcast %get3A_806 : vector<1x128xf32> to vector<576x128xf32>
    %add3A_809 = arith.addf %add3A_807, %add3A_808 : vector<576x128xf32>
    %slice3A_810 = vector.extract_strided_slice %dot_general3A_17 {offsets = [0, 3584], sizes = [576, 128], strides = [1, 1]} : vector<576x4096xf32> to vector<576x128xf32>
    %add3A_811 = arith.addf %add3A_809, %slice3A_810 : vector<576x128xf32>
    %lt3A_812 = arith.cmpf olt, %add3A_811, %select_n3A_800 : vector<576x128xf32>
    %select_n3A_813 = arith.select %lt3A_812, %add3A_811, %select_n3A_800 : vector<576x128xi1>, vector<576x128xf32>
    %jit3A_814 = arith.constant 28 : i32
    %broadcast_in_dim3A_815 = vector.broadcast %jit3A_814 : i32 to vector<576x128xi32>
    %select_n3A_816 = arith.select %lt3A_812, %broadcast_in_dim3A_815, %select_n3A_803 : vector<576x128xi1>, vector<576x128xi32>
    %get3A_817 = arith.constant 61 : index
    %get3A_818 = arith.constant 0 : index
    %get3A_819 = vector.load %arg5[%get3A_817, %get3A_818] : memref<64x128xf32, #tpu.memory_space<vmem>>, vector<1x128xf32>
    %add3A_820 = vector.broadcast %broadcast_in_dim3A : vector<576x1xf32> to vector<576x128xf32>
    %add3A_821 = vector.broadcast %get3A_819 : vector<1x128xf32> to vector<576x128xf32>
    %add3A_822 = arith.addf %add3A_820, %add3A_821 : vector<576x128xf32>
    %slice3A_823 = vector.extract_strided_slice %dot_general3A_17 {offsets = [0, 3712], sizes = [576, 128], strides = [1, 1]} : vector<576x4096xf32> to vector<576x128xf32>
    %add3A_824 = arith.addf %add3A_822, %slice3A_823 : vector<576x128xf32>
    %lt3A_825 = arith.cmpf olt, %add3A_824, %select_n3A_813 : vector<576x128xf32>
    %select_n3A_826 = arith.select %lt3A_825, %add3A_824, %select_n3A_813 : vector<576x128xi1>, vector<576x128xf32>
    %jit3A_827 = arith.constant 29 : i32
    %broadcast_in_dim3A_828 = vector.broadcast %jit3A_827 : i32 to vector<576x128xi32>
    %select_n3A_829 = arith.select %lt3A_825, %broadcast_in_dim3A_828, %select_n3A_816 : vector<576x128xi1>, vector<576x128xi32>
    %get3A_830 = arith.constant 62 : index
    %get3A_831 = arith.constant 0 : index
    %get3A_832 = vector.load %arg5[%get3A_830, %get3A_831] : memref<64x128xf32, #tpu.memory_space<vmem>>, vector<1x128xf32>
    %add3A_833 = vector.broadcast %broadcast_in_dim3A : vector<576x1xf32> to vector<576x128xf32>
    %add3A_834 = vector.broadcast %get3A_832 : vector<1x128xf32> to vector<576x128xf32>
    %add3A_835 = arith.addf %add3A_833, %add3A_834 : vector<576x128xf32>
    %slice3A_836 = vector.extract_strided_slice %dot_general3A_17 {offsets = [0, 3840], sizes = [576, 128], strides = [1, 1]} : vector<576x4096xf32> to vector<576x128xf32>
    %add3A_837 = arith.addf %add3A_835, %slice3A_836 : vector<576x128xf32>
    %lt3A_838 = arith.cmpf olt, %add3A_837, %select_n3A_826 : vector<576x128xf32>
    %select_n3A_839 = arith.select %lt3A_838, %add3A_837, %select_n3A_826 : vector<576x128xi1>, vector<576x128xf32>
    %jit3A_840 = arith.constant 30 : i32
    %broadcast_in_dim3A_841 = vector.broadcast %jit3A_840 : i32 to vector<576x128xi32>
    %select_n3A_842 = arith.select %lt3A_838, %broadcast_in_dim3A_841, %select_n3A_829 : vector<576x128xi1>, vector<576x128xi32>
    %get3A_843 = arith.constant 63 : index
    %get3A_844 = arith.constant 0 : index
    %get3A_845 = vector.load %arg5[%get3A_843, %get3A_844] : memref<64x128xf32, #tpu.memory_space<vmem>>, vector<1x128xf32>
    %add3A_846 = vector.broadcast %broadcast_in_dim3A : vector<576x1xf32> to vector<576x128xf32>
    %add3A_847 = vector.broadcast %get3A_845 : vector<1x128xf32> to vector<576x128xf32>
    %add3A_848 = arith.addf %add3A_846, %add3A_847 : vector<576x128xf32>
    %slice3A_849 = vector.extract_strided_slice %dot_general3A_17 {offsets = [0, 3968], sizes = [576, 128], strides = [1, 1]} : vector<576x4096xf32> to vector<576x128xf32>
    %add3A_850 = arith.addf %add3A_848, %slice3A_849 : vector<576x128xf32>
    %lt3A_851 = arith.cmpf olt, %add3A_850, %select_n3A_839 : vector<576x128xf32>
    %select_n3A_852 = arith.select %lt3A_851, %add3A_850, %select_n3A_839 : vector<576x128xi1>, vector<576x128xf32>
    %jit3A_853 = arith.constant 31 : i32
    %broadcast_in_dim3A_854 = vector.broadcast %jit3A_853 : i32 to vector<576x128xi32>
    %select_n3A_855 = arith.select %lt3A_851, %broadcast_in_dim3A_854, %select_n3A_842 : vector<576x128xi1>, vector<576x128xi32>
    %reduce_min3A_856 = arith.constant dense<0x7F800000> : vector<576xf32>
    %reduce_min3A_857 = vector.multi_reduction <minimumf>, %select_n3A_852, %reduce_min3A_856 [1] : vector<576x128xf32> to vector<576xf32>
    %broadcast_in_dim3A_858 = vector.shape_cast %reduce_min3A_857 : vector<576xf32> to vector<576x1xf32>
    %iota3A_859 = tpu.iota {dimensions = array<i32: 1>} : vector<576x128xi32>
    %mul3A_860 = arith.constant 128 : i32
    %mul3A_861 = vector.broadcast %mul3A_860 : i32 to vector<576x128xi32>
    %mul3A_862 = arith.muli %select_n3A_855, %mul3A_861 : vector<576x128xi32>
    %add3A_863 = arith.addi %mul3A_862, %iota3A_859 : vector<576x128xi32>
    %eq3A_864 = vector.broadcast %broadcast_in_dim3A_858 : vector<576x1xf32> to vector<576x128xf32>
    %eq3A_865 = arith.cmpf oeq, %select_n3A_852, %eq3A_864 : vector<576x128xf32>
    %jit3A_866 = arith.constant 1073741824 : i32
    %broadcast_in_dim3A_867 = vector.broadcast %jit3A_866 : i32 to vector<576x128xi32>
    %select_n3A_868 = arith.select %eq3A_865, %add3A_863, %broadcast_in_dim3A_867 : vector<576x128xi1>, vector<576x128xi32>
    %reduce_min3A_869 = arith.constant dense<2147483647> : vector<576xi32>
    %reduce_min3A_870 = vector.multi_reduction <minsi>, %select_n3A_868, %reduce_min3A_869 [1] : vector<576x128xi32> to vector<576xi32>
    %broadcast_in_dim3A_871 = vector.shape_cast %reduce_min3A_870 : vector<576xi32> to vector<576x1xi32>
    %add3A_872 = arith.constant 4096 : i32
    %add3A_873 = vector.broadcast %add3A_872 : i32 to vector<576x1xi32>
    %add3A_874 = arith.addi %broadcast_in_dim3A_871, %add3A_873 : vector<576x1xi32>
    %lt3A_875 = arith.cmpf olt, %broadcast_in_dim3A_858, %broadcast_in_dim3A_427 : vector<576x1xf32>
    %select_n3A_876 = arith.select %lt3A_875, %add3A_874, %add3A_442 : vector<576x1xi1>, vector<576x1xi32>
    %swap3A = arith.constant 0 : index
    %swap3A_877 = arith.constant 0 : index
    %swap3A_878 = vector.load %arg3[%swap3A, %swap3A_877] : memref<576x1xi32, #tpu.memory_space<vmem>>, vector<576x1xi32>
    tpu.vector_store %arg3[%swap3A, %swap3A_877], %select_n3A_876 {strides = array<i32>} : memref<576x1xi32, #tpu.memory_space<vmem>>, vector<576x1xi32>,
    return
  }
  func.func @transform_0(%arg0: i32) -> (i32, i32) {
    %c0_i32 = arith.constant 0 : i32
    %c0_i32_0 = arith.constant 0 : i32
    return %arg0, %c0_i32 : i32, i32
  }
  func.func @transform_1(%arg0: i32) -> (i32, i32) {
    %c0_i32 = arith.constant 0 : i32
    %c0_i32_0 = arith.constant 0 : i32
    %c0_i32_1 = arith.constant 0 : i32
    return %c0_i32, %c0_i32_0 : i32, i32
  }
  func.func @transform_2(%arg0: i32) -> (i32, i32) {
    %c0_i32 = arith.constant 0 : i32
    %c0_i32_0 = arith.constant 0 : i32
    return %arg0, %c0_i32 : i32, i32
  }
}

module attributes {stable_mosaic.version = 14 : i64} {
  func.func @_argmin_body(%arg0: i32, %arg1: memref<576x384xf32, #tpu.memory_space<vmem>>, %arg2: memref<8192x384xf32, #tpu.memory_space<vmem>>, %arg3: memref<576x1xi32, #tpu.memory_space<vmem>>, %arg4: memref<8192x384xbf16, #tpu.memory_space<vmem>>, %arg5: memref<64x128xf32, #tpu.memory_space<vmem>>) attributes {dimension_semantics = [#tpu.dimension_semantics<arbitrary>], iteration_bounds = array<i64: 8>, scalar_prefetch = 0 : i64, scratch_operands = 2 : i64, tpu.core_type = #tpu.core_type<tc>, window_params = [{transform_indices = @transform_0, window_bounds = array<i64: 576, 384>}, {pipeline_mode = #tpu.pipeline_mode<synchronous>, transform_indices = @transform_1, window_bounds = array<i64: 8192, 384>}, {transform_indices = @transform_2, window_bounds = array<i64: 576, 1>}]} {
    %eq3A = arith.constant 0 : i32
    %eq3A_0 = arith.cmpi eq, %arg0, %eq3A : i32
    %convert_element_type3A = arith.extui %eq3A_0 : i1 to i32
    %cond3A = arith.constant 0 : i32
    %cond3A_1 = arith.cmpi ne, %convert_element_type3A, %cond3A : i32
    scf.if %cond3A_1 {
      %get3A_879 = arith.constant 0 : index
      %get3A_880 = arith.constant 0 : index
      %get3A_881 = vector.load %arg2[%get3A_879, %get3A_880] : memref<8192x384xf32, #tpu.memory_space<vmem>>, vector<8192x384xf32>
      %convert_element_type3A_882 = arith.truncf %get3A_881 : vector<8192x384xf32> to vector<8192x384xbf16>
      %swap3A_883 = arith.constant 0 : index
      %swap3A_884 = arith.constant 0 : index
      %swap3A_885 = vector.load %arg4[%swap3A_883, %swap3A_884] : memref<8192x384xbf16, #tpu.memory_space<vmem>>, vector<8192x384xbf16>
      tpu.vector_store %arg4[%swap3A_883, %swap3A_884], %convert_element_type3A_882 {strides = array<i32>} : memref<8192x384xbf16, #tpu.memory_space<vmem>>, vector<8192x384xbf16>,
      %reshape3A = vector.shape_cast %get3A_881 : vector<8192x384xf32> to vector<64x128x384xf32>
      %mul3A_886 = arith.mulf %reshape3A, %reshape3A : vector<64x128x384xf32>
      %reduce_sum3A_887 = arith.constant dense<0.000000e+00> : vector<64x128xf32>
      %reduce_sum3A_888 = vector.multi_reduction <add>, %mul3A_886, %reduce_sum3A_887 [2] : vector<64x128x384xf32> to vector<64x128xf32>
      %swap3A_889 = arith.constant 0 : index
      %swap3A_890 = arith.constant 0 : index
      %swap3A_891 = vector.load %arg5[%swap3A_889, %swap3A_890] : memref<64x128xf32, #tpu.memory_space<vmem>>, vector<64x128xf32>
      tpu.vector_store %arg5[%swap3A_889, %swap3A_890], %reduce_sum3A_888 {strides = array<i32>} : memref<64x128xf32, #tpu.memory_space<vmem>>, vector<64x128xf32>,
    } else {
    }
    %get3A = arith.constant 0 : index
    %get3A_2 = arith.constant 0 : index
    %get3A_3 = vector.load %arg1[%get3A, %get3A_2] : memref<576x384xf32, #tpu.memory_space<vmem>>, vector<576x384xf32>
    %mul3A = arith.mulf %get3A_3, %get3A_3 : vector<576x384xf32>
    %reduce_sum3A = arith.constant dense<0.000000e+00> : vector<576xf32>
    %reduce_sum3A_4 = vector.multi_reduction <add>, %mul3A, %reduce_sum3A [1] : vector<576x384xf32> to vector<576xf32>
    %broadcast_in_dim3A = vector.shape_cast %reduce_sum3A_4 : vector<576xf32> to vector<576x1xf32>
    %mul3A_5 = arith.constant -2.000000e+00 : f32
    %mul3A_6 = vector.broadcast %mul3A_5 : f32 to vector<576x384xf32>
    %mul3A_7 = arith.mulf %mul3A_6, %get3A_3 : vector<576x384xf32>
    %convert_element_type3A_8 = arith.truncf %mul3A_7 : vector<576x384xf32> to vector<576x384xbf16>
    %get3A_9 = arith.constant 0 : index
    %get3A_10 = arith.constant 0 : index
    %get3A_11 = vector.load %arg4[%get3A_9, %get3A_10] : memref<8192x384xbf16, #tpu.memory_space<vmem>>, vector<4096x384xbf16>
    %dot_general3A = arith.constant dense<0.000000e+00> : vector<576x4096xf32>
    %dot_general3A_12 = tpu.matmul %convert_element_type3A_8, %get3A_11, %dot_general3A {dimension_numbers = #tpu.dot_dimension_numbers<[1], [1], [0], [0], [0, 0, 1, 0], [], []>, transpose_lhs_hint = false} : vector<576x384xbf16>, vector<4096x384xbf16>, vector<576x4096xf32> -> vector<576x4096xf32>
    %get3A_13 = arith.constant 4096 : index
    %get3A_14 = arith.constant 0 : index
    %get3A_15 = vector.load %arg4[%get3A_13, %get3A_14] : memref<8192x384xbf16, #tpu.memory_space<vmem>>, vector<4096x384xbf16>
    %dot_general3A_16 = arith.constant dense<0.000000e+00> : vector<576x4096xf32>
    %dot_general3A_17 = tpu.matmul %convert_element_type3A_8, %get3A_15, %dot_general3A_16 {dimension_numbers = #tpu.dot_dimension_numbers<[1], [1], [0], [0], [0, 0, 1, 0], [], []>, transpose_lhs_hint = false} : vector<576x384xbf16>, vector<4096x384xbf16>, vector<576x4096xf32> -> vector<576x4096xf32>
    %get3A_18 = arith.constant 0 : index
    %get3A_19 = arith.constant 0 : index
    %get3A_20 = vector.load %arg5[%get3A_18, %get3A_19] : memref<64x128xf32, #tpu.memory_space<vmem>>, vector<1x128xf32>
    %add3A = vector.broadcast %broadcast_in_dim3A : vector<576x1xf32> to vector<576x128xf32>
    %add3A_21 = vector.broadcast %get3A_20 : vector<1x128xf32> to vector<576x128xf32>
    %add3A_22 = arith.addf %add3A, %add3A_21 : vector<576x128xf32>
    %slice3A = vector.extract_strided_slice %dot_general3A_12 {offsets = [0, 0], sizes = [576, 128], strides = [1, 1]} : vector<576x4096xf32> to vector<576x128xf32>
    %add3A_23 = arith.addf %add3A_22, %slice3A : vector<576x128xf32>
    %broadcast_in_dim3A_24 = arith.constant 0 : i32
    %broadcast_in_dim3A_25 = vector.broadcast %broadcast_in_dim3A_24 : i32 to vector<576x128xi32>
    %get3A_26 = arith.constant 1 : index
    %get3A_27 = arith.constant 0 : index
    %get3A_28 = vector.load %arg5[%get3A_26, %get3A_27] : memref<64x128xf32, #tpu.memory_space<vmem>>, vector<1x128xf32>
    %add3A_29 = vector.broadcast %broadcast_in_dim3A : vector<576x1xf32> to vector<576x128xf32>
    %add3A_30 = vector.broadcast %get3A_28 : vector<1x128xf32> to vector<576x128xf32>
    %add3A_31 = arith.addf %add3A_29, %add3A_30 : vector<576x128xf32>
    %slice3A_32 = vector.extract_strided_slice %dot_general3A_12 {offsets = [0, 128], sizes = [576, 128], strides = [1, 1]} : vector<576x4096xf32> to vector<576x128xf32>
    %add3A_33 = arith.addf %add3A_31, %slice3A_32 : vector<576x128xf32>
    %lt3A = arith.cmpf olt, %add3A_33, %add3A_23 : vector<576x128xf32>
    %select_n3A = arith.select %lt3A, %add3A_33, %add3A_23 : vector<576x128xi1>, vector<576x128xf32>
    %jit3A = arith.constant 1 : i32
    %broadcast_in_dim3A_34 = vector.broadcast %jit3A : i32 to vector<576x128xi32>
    %select_n3A_35 = arith.select %lt3A, %broadcast_in_dim3A_34, %broadcast_in_dim3A_25 : vector<576x128xi1>, vector<576x128xi32>
    %get3A_36 = arith.constant 2 : index
    %get3A_37 = arith.constant 0 : index
    %get3A_38 = vector.load %arg5[%get3A_36, %get3A_37] : memref<64x128xf32, #tpu.memory_space<vmem>>, vector<1x128xf32>
    %add3A_39 = vector.broadcast %broadcast_in_dim3A : vector<576x1xf32> to vector<576x128xf32>
    %add3A_40 = vector.broadcast %get3A_38 : vector<1x128xf32> to vector<576x128xf32>
    %add3A_41 = arith.addf %add3A_39, %add3A_40 : vector<576x128xf32>
    %slice3A_42 = vector.extract_strided_slice %dot_general3A_12 {offsets = [0, 256], sizes = [576, 128], strides = [1, 1]} : vector<576x4096xf32> to vector<576x128xf32>
    %add3A_43 = arith.addf %add3A_41, %slice3A_42 : vector<576x128xf32>
    %lt3A_44 = arith.cmpf olt, %add3A_43, %select_n3A : vector<576x128xf32>
    %select_n3A_45 = arith.select %lt3A_44, %add3A_43, %select_n3A : vector<576x128xi1>, vector<576x128xf32>
    %jit3A_46 = arith.constant 2 : i32
    %broadcast_in_dim3A_47 = vector.broadcast %jit3A_46 : i32 to vector<576x128xi32>
    %select_n3A_48 = arith.select %lt3A_44, %broadcast_in_dim3A_47, %select_n3A_35 : vector<576x128xi1>, vector<576x128xi32>
    %get3A_49 = arith.constant 3 : index
    %get3A_50 = arith.constant 0 : index
    %get3A_51 = vector.load %arg5[%get3A_49, %get3A_50] : memref<64x128xf32, #tpu.memory_space<vmem>>, vector<1x128xf32>
    %add3A_52 = vector.broadcast %broadcast_in_dim3A : vector<576x1xf32> to vector<576x128xf32>
    %add3A_53 = vector.broadcast %get3A_51 : vector<1x128xf32> to vector<576x128xf32>
    %add3A_54 = arith.addf %add3A_52, %add3A_53 : vector<576x128xf32>
    %slice3A_55 = vector.extract_strided_slice %dot_general3A_12 {offsets = [0, 384], sizes = [576, 128], strides = [1, 1]} : vector<576x4096xf32> to vector<576x128xf32>
    %add3A_56 = arith.addf %add3A_54, %slice3A_55 : vector<576x128xf32>
    %lt3A_57 = arith.cmpf olt, %add3A_56, %select_n3A_45 : vector<576x128xf32>
    %select_n3A_58 = arith.select %lt3A_57, %add3A_56, %select_n3A_45 : vector<576x128xi1>, vector<576x128xf32>
    %jit3A_59 = arith.constant 3 : i32
    %broadcast_in_dim3A_60 = vector.broadcast %jit3A_59 : i32 to vector<576x128xi32>
    %select_n3A_61 = arith.select %lt3A_57, %broadcast_in_dim3A_60, %select_n3A_48 : vector<576x128xi1>, vector<576x128xi32>
    %get3A_62 = arith.constant 4 : index
    %get3A_63 = arith.constant 0 : index
    %get3A_64 = vector.load %arg5[%get3A_62, %get3A_63] : memref<64x128xf32, #tpu.memory_space<vmem>>, vector<1x128xf32>
    %add3A_65 = vector.broadcast %broadcast_in_dim3A : vector<576x1xf32> to vector<576x128xf32>
    %add3A_66 = vector.broadcast %get3A_64 : vector<1x128xf32> to vector<576x128xf32>
    %add3A_67 = arith.addf %add3A_65, %add3A_66 : vector<576x128xf32>
    %slice3A_68 = vector.extract_strided_slice %dot_general3A_12 {offsets = [0, 512], sizes = [576, 128], strides = [1, 1]} : vector<576x4096xf32> to vector<576x128xf32>
    %add3A_69 = arith.addf %add3A_67, %slice3A_68 : vector<576x128xf32>
    %lt3A_70 = arith.cmpf olt, %add3A_69, %select_n3A_58 : vector<576x128xf32>
    %select_n3A_71 = arith.select %lt3A_70, %add3A_69, %select_n3A_58 : vector<576x128xi1>, vector<576x128xf32>
    %jit3A_72 = arith.constant 4 : i32
    %broadcast_in_dim3A_73 = vector.broadcast %jit3A_72 : i32 to vector<576x128xi32>
    %select_n3A_74 = arith.select %lt3A_70, %broadcast_in_dim3A_73, %select_n3A_61 : vector<576x128xi1>, vector<576x128xi32>
    %get3A_75 = arith.constant 5 : index
    %get3A_76 = arith.constant 0 : index
    %get3A_77 = vector.load %arg5[%get3A_75, %get3A_76] : memref<64x128xf32, #tpu.memory_space<vmem>>, vector<1x128xf32>
    %add3A_78 = vector.broadcast %broadcast_in_dim3A : vector<576x1xf32> to vector<576x128xf32>
    %add3A_79 = vector.broadcast %get3A_77 : vector<1x128xf32> to vector<576x128xf32>
    %add3A_80 = arith.addf %add3A_78, %add3A_79 : vector<576x128xf32>
    %slice3A_81 = vector.extract_strided_slice %dot_general3A_12 {offsets = [0, 640], sizes = [576, 128], strides = [1, 1]} : vector<576x4096xf32> to vector<576x128xf32>
    %add3A_82 = arith.addf %add3A_80, %slice3A_81 : vector<576x128xf32>
    %lt3A_83 = arith.cmpf olt, %add3A_82, %select_n3A_71 : vector<576x128xf32>
    %select_n3A_84 = arith.select %lt3A_83, %add3A_82, %select_n3A_71 : vector<576x128xi1>, vector<576x128xf32>
    %jit3A_85 = arith.constant 5 : i32
    %broadcast_in_dim3A_86 = vector.broadcast %jit3A_85 : i32 to vector<576x128xi32>
    %select_n3A_87 = arith.select %lt3A_83, %broadcast_in_dim3A_86, %select_n3A_74 : vector<576x128xi1>, vector<576x128xi32>
    %get3A_88 = arith.constant 6 : index
    %get3A_89 = arith.constant 0 : index
    %get3A_90 = vector.load %arg5[%get3A_88, %get3A_89] : memref<64x128xf32, #tpu.memory_space<vmem>>, vector<1x128xf32>
    %add3A_91 = vector.broadcast %broadcast_in_dim3A : vector<576x1xf32> to vector<576x128xf32>
    %add3A_92 = vector.broadcast %get3A_90 : vector<1x128xf32> to vector<576x128xf32>
    %add3A_93 = arith.addf %add3A_91, %add3A_92 : vector<576x128xf32>
    %slice3A_94 = vector.extract_strided_slice %dot_general3A_12 {offsets = [0, 768], sizes = [576, 128], strides = [1, 1]} : vector<576x4096xf32> to vector<576x128xf32>
    %add3A_95 = arith.addf %add3A_93, %slice3A_94 : vector<576x128xf32>
    %lt3A_96 = arith.cmpf olt, %add3A_95, %select_n3A_84 : vector<576x128xf32>
    %select_n3A_97 = arith.select %lt3A_96, %add3A_95, %select_n3A_84 : vector<576x128xi1>, vector<576x128xf32>
    %jit3A_98 = arith.constant 6 : i32
    %broadcast_in_dim3A_99 = vector.broadcast %jit3A_98 : i32 to vector<576x128xi32>
    %select_n3A_100 = arith.select %lt3A_96, %broadcast_in_dim3A_99, %select_n3A_87 : vector<576x128xi1>, vector<576x128xi32>
    %get3A_101 = arith.constant 7 : index
    %get3A_102 = arith.constant 0 : index
    %get3A_103 = vector.load %arg5[%get3A_101, %get3A_102] : memref<64x128xf32, #tpu.memory_space<vmem>>, vector<1x128xf32>
    %add3A_104 = vector.broadcast %broadcast_in_dim3A : vector<576x1xf32> to vector<576x128xf32>
    %add3A_105 = vector.broadcast %get3A_103 : vector<1x128xf32> to vector<576x128xf32>
    %add3A_106 = arith.addf %add3A_104, %add3A_105 : vector<576x128xf32>
    %slice3A_107 = vector.extract_strided_slice %dot_general3A_12 {offsets = [0, 896], sizes = [576, 128], strides = [1, 1]} : vector<576x4096xf32> to vector<576x128xf32>
    %add3A_108 = arith.addf %add3A_106, %slice3A_107 : vector<576x128xf32>
    %lt3A_109 = arith.cmpf olt, %add3A_108, %select_n3A_97 : vector<576x128xf32>
    %select_n3A_110 = arith.select %lt3A_109, %add3A_108, %select_n3A_97 : vector<576x128xi1>, vector<576x128xf32>
    %jit3A_111 = arith.constant 7 : i32
    %broadcast_in_dim3A_112 = vector.broadcast %jit3A_111 : i32 to vector<576x128xi32>
    %select_n3A_113 = arith.select %lt3A_109, %broadcast_in_dim3A_112, %select_n3A_100 : vector<576x128xi1>, vector<576x128xi32>
    %get3A_114 = arith.constant 8 : index
    %get3A_115 = arith.constant 0 : index
    %get3A_116 = vector.load %arg5[%get3A_114, %get3A_115] : memref<64x128xf32, #tpu.memory_space<vmem>>, vector<1x128xf32>
    %add3A_117 = vector.broadcast %broadcast_in_dim3A : vector<576x1xf32> to vector<576x128xf32>
    %add3A_118 = vector.broadcast %get3A_116 : vector<1x128xf32> to vector<576x128xf32>
    %add3A_119 = arith.addf %add3A_117, %add3A_118 : vector<576x128xf32>
    %slice3A_120 = vector.extract_strided_slice %dot_general3A_12 {offsets = [0, 1024], sizes = [576, 128], strides = [1, 1]} : vector<576x4096xf32> to vector<576x128xf32>
    %add3A_121 = arith.addf %add3A_119, %slice3A_120 : vector<576x128xf32>
    %lt3A_122 = arith.cmpf olt, %add3A_121, %select_n3A_110 : vector<576x128xf32>
    %select_n3A_123 = arith.select %lt3A_122, %add3A_121, %select_n3A_110 : vector<576x128xi1>, vector<576x128xf32>
    %jit3A_124 = arith.constant 8 : i32
    %broadcast_in_dim3A_125 = vector.broadcast %jit3A_124 : i32 to vector<576x128xi32>
    %select_n3A_126 = arith.select %lt3A_122, %broadcast_in_dim3A_125, %select_n3A_113 : vector<576x128xi1>, vector<576x128xi32>
    %get3A_127 = arith.constant 9 : index
    %get3A_128 = arith.constant 0 : index
    %get3A_129 = vector.load %arg5[%get3A_127, %get3A_128] : memref<64x128xf32, #tpu.memory_space<vmem>>, vector<1x128xf32>
    %add3A_130 = vector.broadcast %broadcast_in_dim3A : vector<576x1xf32> to vector<576x128xf32>
    %add3A_131 = vector.broadcast %get3A_129 : vector<1x128xf32> to vector<576x128xf32>
    %add3A_132 = arith.addf %add3A_130, %add3A_131 : vector<576x128xf32>
    %slice3A_133 = vector.extract_strided_slice %dot_general3A_12 {offsets = [0, 1152], sizes = [576, 128], strides = [1, 1]} : vector<576x4096xf32> to vector<576x128xf32>
    %add3A_134 = arith.addf %add3A_132, %slice3A_133 : vector<576x128xf32>
    %lt3A_135 = arith.cmpf olt, %add3A_134, %select_n3A_123 : vector<576x128xf32>
    %select_n3A_136 = arith.select %lt3A_135, %add3A_134, %select_n3A_123 : vector<576x128xi1>, vector<576x128xf32>
    %jit3A_137 = arith.constant 9 : i32
    %broadcast_in_dim3A_138 = vector.broadcast %jit3A_137 : i32 to vector<576x128xi32>
    %select_n3A_139 = arith.select %lt3A_135, %broadcast_in_dim3A_138, %select_n3A_126 : vector<576x128xi1>, vector<576x128xi32>
    %get3A_140 = arith.constant 10 : index
    %get3A_141 = arith.constant 0 : index
    %get3A_142 = vector.load %arg5[%get3A_140, %get3A_141] : memref<64x128xf32, #tpu.memory_space<vmem>>, vector<1x128xf32>
    %add3A_143 = vector.broadcast %broadcast_in_dim3A : vector<576x1xf32> to vector<576x128xf32>
    %add3A_144 = vector.broadcast %get3A_142 : vector<1x128xf32> to vector<576x128xf32>
    %add3A_145 = arith.addf %add3A_143, %add3A_144 : vector<576x128xf32>
    %slice3A_146 = vector.extract_strided_slice %dot_general3A_12 {offsets = [0, 1280], sizes = [576, 128], strides = [1, 1]} : vector<576x4096xf32> to vector<576x128xf32>
    %add3A_147 = arith.addf %add3A_145, %slice3A_146 : vector<576x128xf32>
    %lt3A_148 = arith.cmpf olt, %add3A_147, %select_n3A_136 : vector<576x128xf32>
    %select_n3A_149 = arith.select %lt3A_148, %add3A_147, %select_n3A_136 : vector<576x128xi1>, vector<576x128xf32>
    %jit3A_150 = arith.constant 10 : i32
    %broadcast_in_dim3A_151 = vector.broadcast %jit3A_150 : i32 to vector<576x128xi32>
    %select_n3A_152 = arith.select %lt3A_148, %broadcast_in_dim3A_151, %select_n3A_139 : vector<576x128xi1>, vector<576x128xi32>
    %get3A_153 = arith.constant 11 : index
    %get3A_154 = arith.constant 0 : index
    %get3A_155 = vector.load %arg5[%get3A_153, %get3A_154] : memref<64x128xf32, #tpu.memory_space<vmem>>, vector<1x128xf32>
    %add3A_156 = vector.broadcast %broadcast_in_dim3A : vector<576x1xf32> to vector<576x128xf32>
    %add3A_157 = vector.broadcast %get3A_155 : vector<1x128xf32> to vector<576x128xf32>
    %add3A_158 = arith.addf %add3A_156, %add3A_157 : vector<576x128xf32>
    %slice3A_159 = vector.extract_strided_slice %dot_general3A_12 {offsets = [0, 1408], sizes = [576, 128], strides = [1, 1]} : vector<576x4096xf32> to vector<576x128xf32>
    %add3A_160 = arith.addf %add3A_158, %slice3A_159 : vector<576x128xf32>
    %lt3A_161 = arith.cmpf olt, %add3A_160, %select_n3A_149 : vector<576x128xf32>
    %select_n3A_162 = arith.select %lt3A_161, %add3A_160, %select_n3A_149 : vector<576x128xi1>, vector<576x128xf32>
    %jit3A_163 = arith.constant 11 : i32
    %broadcast_in_dim3A_164 = vector.broadcast %jit3A_163 : i32 to vector<576x128xi32>
    %select_n3A_165 = arith.select %lt3A_161, %broadcast_in_dim3A_164, %select_n3A_152 : vector<576x128xi1>, vector<576x128xi32>
    %get3A_166 = arith.constant 12 : index
    %get3A_167 = arith.constant 0 : index
    %get3A_168 = vector.load %arg5[%get3A_166, %get3A_167] : memref<64x128xf32, #tpu.memory_space<vmem>>, vector<1x128xf32>
    %add3A_169 = vector.broadcast %broadcast_in_dim3A : vector<576x1xf32> to vector<576x128xf32>
    %add3A_170 = vector.broadcast %get3A_168 : vector<1x128xf32> to vector<576x128xf32>
    %add3A_171 = arith.addf %add3A_169, %add3A_170 : vector<576x128xf32>
    %slice3A_172 = vector.extract_strided_slice %dot_general3A_12 {offsets = [0, 1536], sizes = [576, 128], strides = [1, 1]} : vector<576x4096xf32> to vector<576x128xf32>
    %add3A_173 = arith.addf %add3A_171, %slice3A_172 : vector<576x128xf32>
    %lt3A_174 = arith.cmpf olt, %add3A_173, %select_n3A_162 : vector<576x128xf32>
    %select_n3A_175 = arith.select %lt3A_174, %add3A_173, %select_n3A_162 : vector<576x128xi1>, vector<576x128xf32>
    %jit3A_176 = arith.constant 12 : i32
    %broadcast_in_dim3A_177 = vector.broadcast %jit3A_176 : i32 to vector<576x128xi32>
    %select_n3A_178 = arith.select %lt3A_174, %broadcast_in_dim3A_177, %select_n3A_165 : vector<576x128xi1>, vector<576x128xi32>
    %get3A_179 = arith.constant 13 : index
    %get3A_180 = arith.constant 0 : index
    %get3A_181 = vector.load %arg5[%get3A_179, %get3A_180] : memref<64x128xf32, #tpu.memory_space<vmem>>, vector<1x128xf32>
    %add3A_182 = vector.broadcast %broadcast_in_dim3A : vector<576x1xf32> to vector<576x128xf32>
    %add3A_183 = vector.broadcast %get3A_181 : vector<1x128xf32> to vector<576x128xf32>
    %add3A_184 = arith.addf %add3A_182, %add3A_183 : vector<576x128xf32>
    %slice3A_185 = vector.extract_strided_slice %dot_general3A_12 {offsets = [0, 1664], sizes = [576, 128], strides = [1, 1]} : vector<576x4096xf32> to vector<576x128xf32>
    %add3A_186 = arith.addf %add3A_184, %slice3A_185 : vector<576x128xf32>
    %lt3A_187 = arith.cmpf olt, %add3A_186, %select_n3A_175 : vector<576x128xf32>
    %select_n3A_188 = arith.select %lt3A_187, %add3A_186, %select_n3A_175 : vector<576x128xi1>, vector<576x128xf32>
    %jit3A_189 = arith.constant 13 : i32
    %broadcast_in_dim3A_190 = vector.broadcast %jit3A_189 : i32 to vector<576x128xi32>
    %select_n3A_191 = arith.select %lt3A_187, %broadcast_in_dim3A_190, %select_n3A_178 : vector<576x128xi1>, vector<576x128xi32>
    %get3A_192 = arith.constant 14 : index
    %get3A_193 = arith.constant 0 : index
    %get3A_194 = vector.load %arg5[%get3A_192, %get3A_193] : memref<64x128xf32, #tpu.memory_space<vmem>>, vector<1x128xf32>
    %add3A_195 = vector.broadcast %broadcast_in_dim3A : vector<576x1xf32> to vector<576x128xf32>
    %add3A_196 = vector.broadcast %get3A_194 : vector<1x128xf32> to vector<576x128xf32>
    %add3A_197 = arith.addf %add3A_195, %add3A_196 : vector<576x128xf32>
    %slice3A_198 = vector.extract_strided_slice %dot_general3A_12 {offsets = [0, 1792], sizes = [576, 128], strides = [1, 1]} : vector<576x4096xf32> to vector<576x128xf32>
    %add3A_199 = arith.addf %add3A_197, %slice3A_198 : vector<576x128xf32>
    %lt3A_200 = arith.cmpf olt, %add3A_199, %select_n3A_188 : vector<576x128xf32>
    %select_n3A_201 = arith.select %lt3A_200, %add3A_199, %select_n3A_188 : vector<576x128xi1>, vector<576x128xf32>
    %jit3A_202 = arith.constant 14 : i32
    %broadcast_in_dim3A_203 = vector.broadcast %jit3A_202 : i32 to vector<576x128xi32>
    %select_n3A_204 = arith.select %lt3A_200, %broadcast_in_dim3A_203, %select_n3A_191 : vector<576x128xi1>, vector<576x128xi32>
    %get3A_205 = arith.constant 15 : index
    %get3A_206 = arith.constant 0 : index
    %get3A_207 = vector.load %arg5[%get3A_205, %get3A_206] : memref<64x128xf32, #tpu.memory_space<vmem>>, vector<1x128xf32>
    %add3A_208 = vector.broadcast %broadcast_in_dim3A : vector<576x1xf32> to vector<576x128xf32>
    %add3A_209 = vector.broadcast %get3A_207 : vector<1x128xf32> to vector<576x128xf32>
    %add3A_210 = arith.addf %add3A_208, %add3A_209 : vector<576x128xf32>
    %slice3A_211 = vector.extract_strided_slice %dot_general3A_12 {offsets = [0, 1920], sizes = [576, 128], strides = [1, 1]} : vector<576x4096xf32> to vector<576x128xf32>
    %add3A_212 = arith.addf %add3A_210, %slice3A_211 : vector<576x128xf32>
    %lt3A_213 = arith.cmpf olt, %add3A_212, %select_n3A_201 : vector<576x128xf32>
    %select_n3A_214 = arith.select %lt3A_213, %add3A_212, %select_n3A_201 : vector<576x128xi1>, vector<576x128xf32>
    %jit3A_215 = arith.constant 15 : i32
    %broadcast_in_dim3A_216 = vector.broadcast %jit3A_215 : i32 to vector<576x128xi32>
    %select_n3A_217 = arith.select %lt3A_213, %broadcast_in_dim3A_216, %select_n3A_204 : vector<576x128xi1>, vector<576x128xi32>
    %get3A_218 = arith.constant 16 : index
    %get3A_219 = arith.constant 0 : index
    %get3A_220 = vector.load %arg5[%get3A_218, %get3A_219] : memref<64x128xf32, #tpu.memory_space<vmem>>, vector<1x128xf32>
    %add3A_221 = vector.broadcast %broadcast_in_dim3A : vector<576x1xf32> to vector<576x128xf32>
    %add3A_222 = vector.broadcast %get3A_220 : vector<1x128xf32> to vector<576x128xf32>
    %add3A_223 = arith.addf %add3A_221, %add3A_222 : vector<576x128xf32>
    %slice3A_224 = vector.extract_strided_slice %dot_general3A_12 {offsets = [0, 2048], sizes = [576, 128], strides = [1, 1]} : vector<576x4096xf32> to vector<576x128xf32>
    %add3A_225 = arith.addf %add3A_223, %slice3A_224 : vector<576x128xf32>
    %lt3A_226 = arith.cmpf olt, %add3A_225, %select_n3A_214 : vector<576x128xf32>
    %select_n3A_227 = arith.select %lt3A_226, %add3A_225, %select_n3A_214 : vector<576x128xi1>, vector<576x128xf32>
    %jit3A_228 = arith.constant 16 : i32
    %broadcast_in_dim3A_229 = vector.broadcast %jit3A_228 : i32 to vector<576x128xi32>
    %select_n3A_230 = arith.select %lt3A_226, %broadcast_in_dim3A_229, %select_n3A_217 : vector<576x128xi1>, vector<576x128xi32>
    %get3A_231 = arith.constant 17 : index
    %get3A_232 = arith.constant 0 : index
    %get3A_233 = vector.load %arg5[%get3A_231, %get3A_232] : memref<64x128xf32, #tpu.memory_space<vmem>>, vector<1x128xf32>
    %add3A_234 = vector.broadcast %broadcast_in_dim3A : vector<576x1xf32> to vector<576x128xf32>
    %add3A_235 = vector.broadcast %get3A_233 : vector<1x128xf32> to vector<576x128xf32>
    %add3A_236 = arith.addf %add3A_234, %add3A_235 : vector<576x128xf32>
    %slice3A_237 = vector.extract_strided_slice %dot_general3A_12 {offsets = [0, 2176], sizes = [576, 128], strides = [1, 1]} : vector<576x4096xf32> to vector<576x128xf32>
    %add3A_238 = arith.addf %add3A_236, %slice3A_237 : vector<576x128xf32>
    %lt3A_239 = arith.cmpf olt, %add3A_238, %select_n3A_227 : vector<576x128xf32>
    %select_n3A_240 = arith.select %lt3A_239, %add3A_238, %select_n3A_227 : vector<576x128xi1>, vector<576x128xf32>
    %jit3A_241 = arith.constant 17 : i32
    %broadcast_in_dim3A_242 = vector.broadcast %jit3A_241 : i32 to vector<576x128xi32>
    %select_n3A_243 = arith.select %lt3A_239, %broadcast_in_dim3A_242, %select_n3A_230 : vector<576x128xi1>, vector<576x128xi32>
    %get3A_244 = arith.constant 18 : index
    %get3A_245 = arith.constant 0 : index
    %get3A_246 = vector.load %arg5[%get3A_244, %get3A_245] : memref<64x128xf32, #tpu.memory_space<vmem>>, vector<1x128xf32>
    %add3A_247 = vector.broadcast %broadcast_in_dim3A : vector<576x1xf32> to vector<576x128xf32>
    %add3A_248 = vector.broadcast %get3A_246 : vector<1x128xf32> to vector<576x128xf32>
    %add3A_249 = arith.addf %add3A_247, %add3A_248 : vector<576x128xf32>
    %slice3A_250 = vector.extract_strided_slice %dot_general3A_12 {offsets = [0, 2304], sizes = [576, 128], strides = [1, 1]} : vector<576x4096xf32> to vector<576x128xf32>
    %add3A_251 = arith.addf %add3A_249, %slice3A_250 : vector<576x128xf32>
    %lt3A_252 = arith.cmpf olt, %add3A_251, %select_n3A_240 : vector<576x128xf32>
    %select_n3A_253 = arith.select %lt3A_252, %add3A_251, %select_n3A_240 : vector<576x128xi1>, vector<576x128xf32>
    %jit3A_254 = arith.constant 18 : i32
    %broadcast_in_dim3A_255 = vector.broadcast %jit3A_254 : i32 to vector<576x128xi32>
    %select_n3A_256 = arith.select %lt3A_252, %broadcast_in_dim3A_255, %select_n3A_243 : vector<576x128xi1>, vector<576x128xi32>
    %get3A_257 = arith.constant 19 : index
    %get3A_258 = arith.constant 0 : index
    %get3A_259 = vector.load %arg5[%get3A_257, %get3A_258] : memref<64x128xf32, #tpu.memory_space<vmem>>, vector<1x128xf32>
    %add3A_260 = vector.broadcast %broadcast_in_dim3A : vector<576x1xf32> to vector<576x128xf32>
    %add3A_261 = vector.broadcast %get3A_259 : vector<1x128xf32> to vector<576x128xf32>
    %add3A_262 = arith.addf %add3A_260, %add3A_261 : vector<576x128xf32>
    %slice3A_263 = vector.extract_strided_slice %dot_general3A_12 {offsets = [0, 2432], sizes = [576, 128], strides = [1, 1]} : vector<576x4096xf32> to vector<576x128xf32>
    %add3A_264 = arith.addf %add3A_262, %slice3A_263 : vector<576x128xf32>
    %lt3A_265 = arith.cmpf olt, %add3A_264, %select_n3A_253 : vector<576x128xf32>
    %select_n3A_266 = arith.select %lt3A_265, %add3A_264, %select_n3A_253 : vector<576x128xi1>, vector<576x128xf32>
    %jit3A_267 = arith.constant 19 : i32
    %broadcast_in_dim3A_268 = vector.broadcast %jit3A_267 : i32 to vector<576x128xi32>
    %select_n3A_269 = arith.select %lt3A_265, %broadcast_in_dim3A_268, %select_n3A_256 : vector<576x128xi1>, vector<576x128xi32>
    %get3A_270 = arith.constant 20 : index
    %get3A_271 = arith.constant 0 : index
    %get3A_272 = vector.load %arg5[%get3A_270, %get3A_271] : memref<64x128xf32, #tpu.memory_space<vmem>>, vector<1x128xf32>
    %add3A_273 = vector.broadcast %broadcast_in_dim3A : vector<576x1xf32> to vector<576x128xf32>
    %add3A_274 = vector.broadcast %get3A_272 : vector<1x128xf32> to vector<576x128xf32>
    %add3A_275 = arith.addf %add3A_273, %add3A_274 : vector<576x128xf32>
    %slice3A_276 = vector.extract_strided_slice %dot_general3A_12 {offsets = [0, 2560], sizes = [576, 128], strides = [1, 1]} : vector<576x4096xf32> to vector<576x128xf32>
    %add3A_277 = arith.addf %add3A_275, %slice3A_276 : vector<576x128xf32>
    %lt3A_278 = arith.cmpf olt, %add3A_277, %select_n3A_266 : vector<576x128xf32>
    %select_n3A_279 = arith.select %lt3A_278, %add3A_277, %select_n3A_266 : vector<576x128xi1>, vector<576x128xf32>
    %jit3A_280 = arith.constant 20 : i32
    %broadcast_in_dim3A_281 = vector.broadcast %jit3A_280 : i32 to vector<576x128xi32>
    %select_n3A_282 = arith.select %lt3A_278, %broadcast_in_dim3A_281, %select_n3A_269 : vector<576x128xi1>, vector<576x128xi32>
    %get3A_283 = arith.constant 21 : index
    %get3A_284 = arith.constant 0 : index
    %get3A_285 = vector.load %arg5[%get3A_283, %get3A_284] : memref<64x128xf32, #tpu.memory_space<vmem>>, vector<1x128xf32>
    %add3A_286 = vector.broadcast %broadcast_in_dim3A : vector<576x1xf32> to vector<576x128xf32>
    %add3A_287 = vector.broadcast %get3A_285 : vector<1x128xf32> to vector<576x128xf32>
    %add3A_288 = arith.addf %add3A_286, %add3A_287 : vector<576x128xf32>
    %slice3A_289 = vector.extract_strided_slice %dot_general3A_12 {offsets = [0, 2688], sizes = [576, 128], strides = [1, 1]} : vector<576x4096xf32> to vector<576x128xf32>
    %add3A_290 = arith.addf %add3A_288, %slice3A_289 : vector<576x128xf32>
    %lt3A_291 = arith.cmpf olt, %add3A_290, %select_n3A_279 : vector<576x128xf32>
    %select_n3A_292 = arith.select %lt3A_291, %add3A_290, %select_n3A_279 : vector<576x128xi1>, vector<576x128xf32>
    %jit3A_293 = arith.constant 21 : i32
    %broadcast_in_dim3A_294 = vector.broadcast %jit3A_293 : i32 to vector<576x128xi32>
    %select_n3A_295 = arith.select %lt3A_291, %broadcast_in_dim3A_294, %select_n3A_282 : vector<576x128xi1>, vector<576x128xi32>
    %get3A_296 = arith.constant 22 : index
    %get3A_297 = arith.constant 0 : index
    %get3A_298 = vector.load %arg5[%get3A_296, %get3A_297] : memref<64x128xf32, #tpu.memory_space<vmem>>, vector<1x128xf32>
    %add3A_299 = vector.broadcast %broadcast_in_dim3A : vector<576x1xf32> to vector<576x128xf32>
    %add3A_300 = vector.broadcast %get3A_298 : vector<1x128xf32> to vector<576x128xf32>
    %add3A_301 = arith.addf %add3A_299, %add3A_300 : vector<576x128xf32>
    %slice3A_302 = vector.extract_strided_slice %dot_general3A_12 {offsets = [0, 2816], sizes = [576, 128], strides = [1, 1]} : vector<576x4096xf32> to vector<576x128xf32>
    %add3A_303 = arith.addf %add3A_301, %slice3A_302 : vector<576x128xf32>
    %lt3A_304 = arith.cmpf olt, %add3A_303, %select_n3A_292 : vector<576x128xf32>
    %select_n3A_305 = arith.select %lt3A_304, %add3A_303, %select_n3A_292 : vector<576x128xi1>, vector<576x128xf32>
    %jit3A_306 = arith.constant 22 : i32
    %broadcast_in_dim3A_307 = vector.broadcast %jit3A_306 : i32 to vector<576x128xi32>
    %select_n3A_308 = arith.select %lt3A_304, %broadcast_in_dim3A_307, %select_n3A_295 : vector<576x128xi1>, vector<576x128xi32>
    %get3A_309 = arith.constant 23 : index
    %get3A_310 = arith.constant 0 : index
    %get3A_311 = vector.load %arg5[%get3A_309, %get3A_310] : memref<64x128xf32, #tpu.memory_space<vmem>>, vector<1x128xf32>
    %add3A_312 = vector.broadcast %broadcast_in_dim3A : vector<576x1xf32> to vector<576x128xf32>
    %add3A_313 = vector.broadcast %get3A_311 : vector<1x128xf32> to vector<576x128xf32>
    %add3A_314 = arith.addf %add3A_312, %add3A_313 : vector<576x128xf32>
    %slice3A_315 = vector.extract_strided_slice %dot_general3A_12 {offsets = [0, 2944], sizes = [576, 128], strides = [1, 1]} : vector<576x4096xf32> to vector<576x128xf32>
    %add3A_316 = arith.addf %add3A_314, %slice3A_315 : vector<576x128xf32>
    %lt3A_317 = arith.cmpf olt, %add3A_316, %select_n3A_305 : vector<576x128xf32>
    %select_n3A_318 = arith.select %lt3A_317, %add3A_316, %select_n3A_305 : vector<576x128xi1>, vector<576x128xf32>
    %jit3A_319 = arith.constant 23 : i32
    %broadcast_in_dim3A_320 = vector.broadcast %jit3A_319 : i32 to vector<576x128xi32>
    %select_n3A_321 = arith.select %lt3A_317, %broadcast_in_dim3A_320, %select_n3A_308 : vector<576x128xi1>, vector<576x128xi32>
    %get3A_322 = arith.constant 24 : index
    %get3A_323 = arith.constant 0 : index
    %get3A_324 = vector.load %arg5[%get3A_322, %get3A_323] : memref<64x128xf32, #tpu.memory_space<vmem>>, vector<1x128xf32>
    %add3A_325 = vector.broadcast %broadcast_in_dim3A : vector<576x1xf32> to vector<576x128xf32>
    %add3A_326 = vector.broadcast %get3A_324 : vector<1x128xf32> to vector<576x128xf32>
    %add3A_327 = arith.addf %add3A_325, %add3A_326 : vector<576x128xf32>
    %slice3A_328 = vector.extract_strided_slice %dot_general3A_12 {offsets = [0, 3072], sizes = [576, 128], strides = [1, 1]} : vector<576x4096xf32> to vector<576x128xf32>
    %add3A_329 = arith.addf %add3A_327, %slice3A_328 : vector<576x128xf32>
    %lt3A_330 = arith.cmpf olt, %add3A_329, %select_n3A_318 : vector<576x128xf32>
    %select_n3A_331 = arith.select %lt3A_330, %add3A_329, %select_n3A_318 : vector<576x128xi1>, vector<576x128xf32>
    %jit3A_332 = arith.constant 24 : i32
    %broadcast_in_dim3A_333 = vector.broadcast %jit3A_332 : i32 to vector<576x128xi32>
    %select_n3A_334 = arith.select %lt3A_330, %broadcast_in_dim3A_333, %select_n3A_321 : vector<576x128xi1>, vector<576x128xi32>
    %get3A_335 = arith.constant 25 : index
    %get3A_336 = arith.constant 0 : index
    %get3A_337 = vector.load %arg5[%get3A_335, %get3A_336] : memref<64x128xf32, #tpu.memory_space<vmem>>, vector<1x128xf32>
    %add3A_338 = vector.broadcast %broadcast_in_dim3A : vector<576x1xf32> to vector<576x128xf32>
    %add3A_339 = vector.broadcast %get3A_337 : vector<1x128xf32> to vector<576x128xf32>
    %add3A_340 = arith.addf %add3A_338, %add3A_339 : vector<576x128xf32>
    %slice3A_341 = vector.extract_strided_slice %dot_general3A_12 {offsets = [0, 3200], sizes = [576, 128], strides = [1, 1]} : vector<576x4096xf32> to vector<576x128xf32>
    %add3A_342 = arith.addf %add3A_340, %slice3A_341 : vector<576x128xf32>
    %lt3A_343 = arith.cmpf olt, %add3A_342, %select_n3A_331 : vector<576x128xf32>
    %select_n3A_344 = arith.select %lt3A_343, %add3A_342, %select_n3A_331 : vector<576x128xi1>, vector<576x128xf32>
    %jit3A_345 = arith.constant 25 : i32
    %broadcast_in_dim3A_346 = vector.broadcast %jit3A_345 : i32 to vector<576x128xi32>
    %select_n3A_347 = arith.select %lt3A_343, %broadcast_in_dim3A_346, %select_n3A_334 : vector<576x128xi1>, vector<576x128xi32>
    %get3A_348 = arith.constant 26 : index
    %get3A_349 = arith.constant 0 : index
    %get3A_350 = vector.load %arg5[%get3A_348, %get3A_349] : memref<64x128xf32, #tpu.memory_space<vmem>>, vector<1x128xf32>
    %add3A_351 = vector.broadcast %broadcast_in_dim3A : vector<576x1xf32> to vector<576x128xf32>
    %add3A_352 = vector.broadcast %get3A_350 : vector<1x128xf32> to vector<576x128xf32>
    %add3A_353 = arith.addf %add3A_351, %add3A_352 : vector<576x128xf32>
    %slice3A_354 = vector.extract_strided_slice %dot_general3A_12 {offsets = [0, 3328], sizes = [576, 128], strides = [1, 1]} : vector<576x4096xf32> to vector<576x128xf32>
    %add3A_355 = arith.addf %add3A_353, %slice3A_354 : vector<576x128xf32>
    %lt3A_356 = arith.cmpf olt, %add3A_355, %select_n3A_344 : vector<576x128xf32>
    %select_n3A_357 = arith.select %lt3A_356, %add3A_355, %select_n3A_344 : vector<576x128xi1>, vector<576x128xf32>
    %jit3A_358 = arith.constant 26 : i32
    %broadcast_in_dim3A_359 = vector.broadcast %jit3A_358 : i32 to vector<576x128xi32>
    %select_n3A_360 = arith.select %lt3A_356, %broadcast_in_dim3A_359, %select_n3A_347 : vector<576x128xi1>, vector<576x128xi32>
    %get3A_361 = arith.constant 27 : index
    %get3A_362 = arith.constant 0 : index
    %get3A_363 = vector.load %arg5[%get3A_361, %get3A_362] : memref<64x128xf32, #tpu.memory_space<vmem>>, vector<1x128xf32>
    %add3A_364 = vector.broadcast %broadcast_in_dim3A : vector<576x1xf32> to vector<576x128xf32>
    %add3A_365 = vector.broadcast %get3A_363 : vector<1x128xf32> to vector<576x128xf32>
    %add3A_366 = arith.addf %add3A_364, %add3A_365 : vector<576x128xf32>
    %slice3A_367 = vector.extract_strided_slice %dot_general3A_12 {offsets = [0, 3456], sizes = [576, 128], strides = [1, 1]} : vector<576x4096xf32> to vector<576x128xf32>
    %add3A_368 = arith.addf %add3A_366, %slice3A_367 : vector<576x128xf32>
    %lt3A_369 = arith.cmpf olt, %add3A_368, %select_n3A_357 : vector<576x128xf32>
    %select_n3A_370 = arith.select %lt3A_369, %add3A_368, %select_n3A_357 : vector<576x128xi1>, vector<576x128xf32>
    %jit3A_371 = arith.constant 27 : i32
    %broadcast_in_dim3A_372 = vector.broadcast %jit3A_371 : i32 to vector<576x128xi32>
    %select_n3A_373 = arith.select %lt3A_369, %broadcast_in_dim3A_372, %select_n3A_360 : vector<576x128xi1>, vector<576x128xi32>
    %get3A_374 = arith.constant 28 : index
    %get3A_375 = arith.constant 0 : index
    %get3A_376 = vector.load %arg5[%get3A_374, %get3A_375] : memref<64x128xf32, #tpu.memory_space<vmem>>, vector<1x128xf32>
    %add3A_377 = vector.broadcast %broadcast_in_dim3A : vector<576x1xf32> to vector<576x128xf32>
    %add3A_378 = vector.broadcast %get3A_376 : vector<1x128xf32> to vector<576x128xf32>
    %add3A_379 = arith.addf %add3A_377, %add3A_378 : vector<576x128xf32>
    %slice3A_380 = vector.extract_strided_slice %dot_general3A_12 {offsets = [0, 3584], sizes = [576, 128], strides = [1, 1]} : vector<576x4096xf32> to vector<576x128xf32>
    %add3A_381 = arith.addf %add3A_379, %slice3A_380 : vector<576x128xf32>
    %lt3A_382 = arith.cmpf olt, %add3A_381, %select_n3A_370 : vector<576x128xf32>
    %select_n3A_383 = arith.select %lt3A_382, %add3A_381, %select_n3A_370 : vector<576x128xi1>, vector<576x128xf32>
    %jit3A_384 = arith.constant 28 : i32
    %broadcast_in_dim3A_385 = vector.broadcast %jit3A_384 : i32 to vector<576x128xi32>
    %select_n3A_386 = arith.select %lt3A_382, %broadcast_in_dim3A_385, %select_n3A_373 : vector<576x128xi1>, vector<576x128xi32>
    %get3A_387 = arith.constant 29 : index
    %get3A_388 = arith.constant 0 : index
    %get3A_389 = vector.load %arg5[%get3A_387, %get3A_388] : memref<64x128xf32, #tpu.memory_space<vmem>>, vector<1x128xf32>
    %add3A_390 = vector.broadcast %broadcast_in_dim3A : vector<576x1xf32> to vector<576x128xf32>
    %add3A_391 = vector.broadcast %get3A_389 : vector<1x128xf32> to vector<576x128xf32>
    %add3A_392 = arith.addf %add3A_390, %add3A_391 : vector<576x128xf32>
    %slice3A_393 = vector.extract_strided_slice %dot_general3A_12 {offsets = [0, 3712], sizes = [576, 128], strides = [1, 1]} : vector<576x4096xf32> to vector<576x128xf32>
    %add3A_394 = arith.addf %add3A_392, %slice3A_393 : vector<576x128xf32>
    %lt3A_395 = arith.cmpf olt, %add3A_394, %select_n3A_383 : vector<576x128xf32>
    %select_n3A_396 = arith.select %lt3A_395, %add3A_394, %select_n3A_383 : vector<576x128xi1>, vector<576x128xf32>
    %jit3A_397 = arith.constant 29 : i32
    %broadcast_in_dim3A_398 = vector.broadcast %jit3A_397 : i32 to vector<576x128xi32>
    %select_n3A_399 = arith.select %lt3A_395, %broadcast_in_dim3A_398, %select_n3A_386 : vector<576x128xi1>, vector<576x128xi32>
    %get3A_400 = arith.constant 30 : index
    %get3A_401 = arith.constant 0 : index
    %get3A_402 = vector.load %arg5[%get3A_400, %get3A_401] : memref<64x128xf32, #tpu.memory_space<vmem>>, vector<1x128xf32>
    %add3A_403 = vector.broadcast %broadcast_in_dim3A : vector<576x1xf32> to vector<576x128xf32>
    %add3A_404 = vector.broadcast %get3A_402 : vector<1x128xf32> to vector<576x128xf32>
    %add3A_405 = arith.addf %add3A_403, %add3A_404 : vector<576x128xf32>
    %slice3A_406 = vector.extract_strided_slice %dot_general3A_12 {offsets = [0, 3840], sizes = [576, 128], strides = [1, 1]} : vector<576x4096xf32> to vector<576x128xf32>
    %add3A_407 = arith.addf %add3A_405, %slice3A_406 : vector<576x128xf32>
    %lt3A_408 = arith.cmpf olt, %add3A_407, %select_n3A_396 : vector<576x128xf32>
    %select_n3A_409 = arith.select %lt3A_408, %add3A_407, %select_n3A_396 : vector<576x128xi1>, vector<576x128xf32>
    %jit3A_410 = arith.constant 30 : i32
    %broadcast_in_dim3A_411 = vector.broadcast %jit3A_410 : i32 to vector<576x128xi32>
    %select_n3A_412 = arith.select %lt3A_408, %broadcast_in_dim3A_411, %select_n3A_399 : vector<576x128xi1>, vector<576x128xi32>
    %get3A_413 = arith.constant 31 : index
    %get3A_414 = arith.constant 0 : index
    %get3A_415 = vector.load %arg5[%get3A_413, %get3A_414] : memref<64x128xf32, #tpu.memory_space<vmem>>, vector<1x128xf32>
    %add3A_416 = vector.broadcast %broadcast_in_dim3A : vector<576x1xf32> to vector<576x128xf32>
    %add3A_417 = vector.broadcast %get3A_415 : vector<1x128xf32> to vector<576x128xf32>
    %add3A_418 = arith.addf %add3A_416, %add3A_417 : vector<576x128xf32>
    %slice3A_419 = vector.extract_strided_slice %dot_general3A_12 {offsets = [0, 3968], sizes = [576, 128], strides = [1, 1]} : vector<576x4096xf32> to vector<576x128xf32>
    %add3A_420 = arith.addf %add3A_418, %slice3A_419 : vector<576x128xf32>
    %lt3A_421 = arith.cmpf olt, %add3A_420, %select_n3A_409 : vector<576x128xf32>
    %select_n3A_422 = arith.select %lt3A_421, %add3A_420, %select_n3A_409 : vector<576x128xi1>, vector<576x128xf32>
    %jit3A_423 = arith.constant 31 : i32
    %broadcast_in_dim3A_424 = vector.broadcast %jit3A_423 : i32 to vector<576x128xi32>
    %select_n3A_425 = arith.select %lt3A_421, %broadcast_in_dim3A_424, %select_n3A_412 : vector<576x128xi1>, vector<576x128xi32>
    %reduce_min3A = arith.constant dense<0x7F800000> : vector<576xf32>
    %reduce_min3A_426 = vector.multi_reduction <minimumf>, %select_n3A_422, %reduce_min3A [1] : vector<576x128xf32> to vector<576xf32>
    %broadcast_in_dim3A_427 = vector.shape_cast %reduce_min3A_426 : vector<576xf32> to vector<576x1xf32>
    %iota3A = tpu.iota {dimensions = array<i32: 1>} : vector<576x128xi32>
    %mul3A_428 = arith.constant 128 : i32
    %mul3A_429 = vector.broadcast %mul3A_428 : i32 to vector<576x128xi32>
    %mul3A_430 = arith.muli %select_n3A_425, %mul3A_429 : vector<576x128xi32>
    %add3A_431 = arith.addi %mul3A_430, %iota3A : vector<576x128xi32>
    %eq3A_432 = vector.broadcast %broadcast_in_dim3A_427 : vector<576x1xf32> to vector<576x128xf32>
    %eq3A_433 = arith.cmpf oeq, %select_n3A_422, %eq3A_432 : vector<576x128xf32>
    %jit3A_434 = arith.constant 1073741824 : i32
    %broadcast_in_dim3A_435 = vector.broadcast %jit3A_434 : i32 to vector<576x128xi32>
    %select_n3A_436 = arith.select %eq3A_433, %add3A_431, %broadcast_in_dim3A_435 : vector<576x128xi1>, vector<576x128xi32>
    %reduce_min3A_437 = arith.constant dense<2147483647> : vector<576xi32>
    %reduce_min3A_438 = vector.multi_reduction <minsi>, %select_n3A_436, %reduce_min3A_437 [1] : vector<576x128xi32> to vector<576xi32>
    %broadcast_in_dim3A_439 = vector.shape_cast %reduce_min3A_438 : vector<576xi32> to vector<576x1xi32>
    %add3A_440 = arith.constant 0 : i32
    %add3A_441 = vector.broadcast %add3A_440 : i32 to vector<576x1xi32>
    %add3A_442 = arith.addi %broadcast_in_dim3A_439, %add3A_441 : vector<576x1xi32>
    %get3A_443 = arith.constant 32 : index
    %get3A_444 = arith.constant 0 : index
    %get3A_445 = vector.load %arg5[%get3A_443, %get3A_444] : memref<64x128xf32, #tpu.memory_space<vmem>>, vector<1x128xf32>
    %add3A_446 = vector.broadcast %broadcast_in_dim3A : vector<576x1xf32> to vector<576x128xf32>
    %add3A_447 = vector.broadcast %get3A_445 : vector<1x128xf32> to vector<576x128xf32>
    %add3A_448 = arith.addf %add3A_446, %add3A_447 : vector<576x128xf32>
    %slice3A_449 = vector.extract_strided_slice %dot_general3A_17 {offsets = [0, 0], sizes = [576, 128], strides = [1, 1]} : vector<576x4096xf32> to vector<576x128xf32>
    %add3A_450 = arith.addf %add3A_448, %slice3A_449 : vector<576x128xf32>
    %broadcast_in_dim3A_451 = arith.constant 0 : i32
    %broadcast_in_dim3A_452 = vector.broadcast %broadcast_in_dim3A_451 : i32 to vector<576x128xi32>
    %get3A_453 = arith.constant 33 : index
    %get3A_454 = arith.constant 0 : index
    %get3A_455 = vector.load %arg5[%get3A_453, %get3A_454] : memref<64x128xf32, #tpu.memory_space<vmem>>, vector<1x128xf32>
    %add3A_456 = vector.broadcast %broadcast_in_dim3A : vector<576x1xf32> to vector<576x128xf32>
    %add3A_457 = vector.broadcast %get3A_455 : vector<1x128xf32> to vector<576x128xf32>
    %add3A_458 = arith.addf %add3A_456, %add3A_457 : vector<576x128xf32>
    %slice3A_459 = vector.extract_strided_slice %dot_general3A_17 {offsets = [0, 128], sizes = [576, 128], strides = [1, 1]} : vector<576x4096xf32> to vector<576x128xf32>
    %add3A_460 = arith.addf %add3A_458, %slice3A_459 : vector<576x128xf32>
    %lt3A_461 = arith.cmpf olt, %add3A_460, %add3A_450 : vector<576x128xf32>
    %select_n3A_462 = arith.select %lt3A_461, %add3A_460, %add3A_450 : vector<576x128xi1>, vector<576x128xf32>
    %jit3A_463 = arith.constant 1 : i32
    %broadcast_in_dim3A_464 = vector.broadcast %jit3A_463 : i32 to vector<576x128xi32>
    %select_n3A_465 = arith.select %lt3A_461, %broadcast_in_dim3A_464, %broadcast_in_dim3A_452 : vector<576x128xi1>, vector<576x128xi32>
    %get3A_466 = arith.constant 34 : index
    %get3A_467 = arith.constant 0 : index
    %get3A_468 = vector.load %arg5[%get3A_466, %get3A_467] : memref<64x128xf32, #tpu.memory_space<vmem>>, vector<1x128xf32>
    %add3A_469 = vector.broadcast %broadcast_in_dim3A : vector<576x1xf32> to vector<576x128xf32>
    %add3A_470 = vector.broadcast %get3A_468 : vector<1x128xf32> to vector<576x128xf32>
    %add3A_471 = arith.addf %add3A_469, %add3A_470 : vector<576x128xf32>
    %slice3A_472 = vector.extract_strided_slice %dot_general3A_17 {offsets = [0, 256], sizes = [576, 128], strides = [1, 1]} : vector<576x4096xf32> to vector<576x128xf32>
    %add3A_473 = arith.addf %add3A_471, %slice3A_472 : vector<576x128xf32>
    %lt3A_474 = arith.cmpf olt, %add3A_473, %select_n3A_462 : vector<576x128xf32>
    %select_n3A_475 = arith.select %lt3A_474, %add3A_473, %select_n3A_462 : vector<576x128xi1>, vector<576x128xf32>
    %jit3A_476 = arith.constant 2 : i32
    %broadcast_in_dim3A_477 = vector.broadcast %jit3A_476 : i32 to vector<576x128xi32>
    %select_n3A_478 = arith.select %lt3A_474, %broadcast_in_dim3A_477, %select_n3A_465 : vector<576x128xi1>, vector<576x128xi32>
    %get3A_479 = arith.constant 35 : index
    %get3A_480 = arith.constant 0 : index
    %get3A_481 = vector.load %arg5[%get3A_479, %get3A_480] : memref<64x128xf32, #tpu.memory_space<vmem>>, vector<1x128xf32>
    %add3A_482 = vector.broadcast %broadcast_in_dim3A : vector<576x1xf32> to vector<576x128xf32>
    %add3A_483 = vector.broadcast %get3A_481 : vector<1x128xf32> to vector<576x128xf32>
    %add3A_484 = arith.addf %add3A_482, %add3A_483 : vector<576x128xf32>
    %slice3A_485 = vector.extract_strided_slice %dot_general3A_17 {offsets = [0, 384], sizes = [576, 128], strides = [1, 1]} : vector<576x4096xf32> to vector<576x128xf32>
    %add3A_486 = arith.addf %add3A_484, %slice3A_485 : vector<576x128xf32>
    %lt3A_487 = arith.cmpf olt, %add3A_486, %select_n3A_475 : vector<576x128xf32>
    %select_n3A_488 = arith.select %lt3A_487, %add3A_486, %select_n3A_475 : vector<576x128xi1>, vector<576x128xf32>
    %jit3A_489 = arith.constant 3 : i32
    %broadcast_in_dim3A_490 = vector.broadcast %jit3A_489 : i32 to vector<576x128xi32>
    %select_n3A_491 = arith.select %lt3A_487, %broadcast_in_dim3A_490, %select_n3A_478 : vector<576x128xi1>, vector<576x128xi32>
    %get3A_492 = arith.constant 36 : index
    %get3A_493 = arith.constant 0 : index
    %get3A_494 = vector.load %arg5[%get3A_492, %get3A_493] : memref<64x128xf32, #tpu.memory_space<vmem>>, vector<1x128xf32>
    %add3A_495 = vector.broadcast %broadcast_in_dim3A : vector<576x1xf32> to vector<576x128xf32>
    %add3A_496 = vector.broadcast %get3A_494 : vector<1x128xf32> to vector<576x128xf32>
    %add3A_497 = arith.addf %add3A_495, %add3A_496 : vector<576x128xf32>
    %slice3A_498 = vector.extract_strided_slice %dot_general3A_17 {offsets = [0, 512], sizes = [576, 128], strides = [1, 1]} : vector<576x4096xf32> to vector<576x128xf32>
    %add3A_499 = arith.addf %add3A_497, %slice3A_498 : vector<576x128xf32>
    %lt3A_500 = arith.cmpf olt, %add3A_499, %select_n3A_488 : vector<576x128xf32>
    %select_n3A_501 = arith.select %lt3A_500, %add3A_499, %select_n3A_488 : vector<576x128xi1>, vector<576x128xf32>
    %jit3A_502 = arith.constant 4 : i32
    %broadcast_in_dim3A_503 = vector.broadcast %jit3A_502 : i32 to vector<576x128xi32>
    %select_n3A_504 = arith.select %lt3A_500, %broadcast_in_dim3A_503, %select_n3A_491 : vector<576x128xi1>, vector<576x128xi32>
    %get3A_505 = arith.constant 37 : index
    %get3A_506 = arith.constant 0 : index
    %get3A_507 = vector.load %arg5[%get3A_505, %get3A_506] : memref<64x128xf32, #tpu.memory_space<vmem>>, vector<1x128xf32>
    %add3A_508 = vector.broadcast %broadcast_in_dim3A : vector<576x1xf32> to vector<576x128xf32>
    %add3A_509 = vector.broadcast %get3A_507 : vector<1x128xf32> to vector<576x128xf32>
    %add3A_510 = arith.addf %add3A_508, %add3A_509 : vector<576x128xf32>
    %slice3A_511 = vector.extract_strided_slice %dot_general3A_17 {offsets = [0, 640], sizes = [576, 128], strides = [1, 1]} : vector<576x4096xf32> to vector<576x128xf32>
    %add3A_512 = arith.addf %add3A_510, %slice3A_511 : vector<576x128xf32>
    %lt3A_513 = arith.cmpf olt, %add3A_512, %select_n3A_501 : vector<576x128xf32>
    %select_n3A_514 = arith.select %lt3A_513, %add3A_512, %select_n3A_501 : vector<576x128xi1>, vector<576x128xf32>
    %jit3A_515 = arith.constant 5 : i32
    %broadcast_in_dim3A_516 = vector.broadcast %jit3A_515 : i32 to vector<576x128xi32>
    %select_n3A_517 = arith.select %lt3A_513, %broadcast_in_dim3A_516, %select_n3A_504 : vector<576x128xi1>, vector<576x128xi32>
    %get3A_518 = arith.constant 38 : index
    %get3A_519 = arith.constant 0 : index
    %get3A_520 = vector.load %arg5[%get3A_518, %get3A_519] : memref<64x128xf32, #tpu.memory_space<vmem>>, vector<1x128xf32>
    %add3A_521 = vector.broadcast %broadcast_in_dim3A : vector<576x1xf32> to vector<576x128xf32>
    %add3A_522 = vector.broadcast %get3A_520 : vector<1x128xf32> to vector<576x128xf32>
    %add3A_523 = arith.addf %add3A_521, %add3A_522 : vector<576x128xf32>
    %slice3A_524 = vector.extract_strided_slice %dot_general3A_17 {offsets = [0, 768], sizes = [576, 128], strides = [1, 1]} : vector<576x4096xf32> to vector<576x128xf32>
    %add3A_525 = arith.addf %add3A_523, %slice3A_524 : vector<576x128xf32>
    %lt3A_526 = arith.cmpf olt, %add3A_525, %select_n3A_514 : vector<576x128xf32>
    %select_n3A_527 = arith.select %lt3A_526, %add3A_525, %select_n3A_514 : vector<576x128xi1>, vector<576x128xf32>
    %jit3A_528 = arith.constant 6 : i32
    %broadcast_in_dim3A_529 = vector.broadcast %jit3A_528 : i32 to vector<576x128xi32>
    %select_n3A_530 = arith.select %lt3A_526, %broadcast_in_dim3A_529, %select_n3A_517 : vector<576x128xi1>, vector<576x128xi32>
    %get3A_531 = arith.constant 39 : index
    %get3A_532 = arith.constant 0 : index
    %get3A_533 = vector.load %arg5[%get3A_531, %get3A_532] : memref<64x128xf32, #tpu.memory_space<vmem>>, vector<1x128xf32>
    %add3A_534 = vector.broadcast %broadcast_in_dim3A : vector<576x1xf32> to vector<576x128xf32>
    %add3A_535 = vector.broadcast %get3A_533 : vector<1x128xf32> to vector<576x128xf32>
    %add3A_536 = arith.addf %add3A_534, %add3A_535 : vector<576x128xf32>
    %slice3A_537 = vector.extract_strided_slice %dot_general3A_17 {offsets = [0, 896], sizes = [576, 128], strides = [1, 1]} : vector<576x4096xf32> to vector<576x128xf32>
    %add3A_538 = arith.addf %add3A_536, %slice3A_537 : vector<576x128xf32>
    %lt3A_539 = arith.cmpf olt, %add3A_538, %select_n3A_527 : vector<576x128xf32>
    %select_n3A_540 = arith.select %lt3A_539, %add3A_538, %select_n3A_527 : vector<576x128xi1>, vector<576x128xf32>
    %jit3A_541 = arith.constant 7 : i32
    %broadcast_in_dim3A_542 = vector.broadcast %jit3A_541 : i32 to vector<576x128xi32>
    %select_n3A_543 = arith.select %lt3A_539, %broadcast_in_dim3A_542, %select_n3A_530 : vector<576x128xi1>, vector<576x128xi32>
    %get3A_544 = arith.constant 40 : index
    %get3A_545 = arith.constant 0 : index
    %get3A_546 = vector.load %arg5[%get3A_544, %get3A_545] : memref<64x128xf32, #tpu.memory_space<vmem>>, vector<1x128xf32>
    %add3A_547 = vector.broadcast %broadcast_in_dim3A : vector<576x1xf32> to vector<576x128xf32>
    %add3A_548 = vector.broadcast %get3A_546 : vector<1x128xf32> to vector<576x128xf32>
    %add3A_549 = arith.addf %add3A_547, %add3A_548 : vector<576x128xf32>
    %slice3A_550 = vector.extract_strided_slice %dot_general3A_17 {offsets = [0, 1024], sizes = [576, 128], strides = [1, 1]} : vector<576x4096xf32> to vector<576x128xf32>
    %add3A_551 = arith.addf %add3A_549, %slice3A_550 : vector<576x128xf32>
    %lt3A_552 = arith.cmpf olt, %add3A_551, %select_n3A_540 : vector<576x128xf32>
    %select_n3A_553 = arith.select %lt3A_552, %add3A_551, %select_n3A_540 : vector<576x128xi1>, vector<576x128xf32>
    %jit3A_554 = arith.constant 8 : i32
    %broadcast_in_dim3A_555 = vector.broadcast %jit3A_554 : i32 to vector<576x128xi32>
    %select_n3A_556 = arith.select %lt3A_552, %broadcast_in_dim3A_555, %select_n3A_543 : vector<576x128xi1>, vector<576x128xi32>
    %get3A_557 = arith.constant 41 : index
    %get3A_558 = arith.constant 0 : index
    %get3A_559 = vector.load %arg5[%get3A_557, %get3A_558] : memref<64x128xf32, #tpu.memory_space<vmem>>, vector<1x128xf32>
    %add3A_560 = vector.broadcast %broadcast_in_dim3A : vector<576x1xf32> to vector<576x128xf32>
    %add3A_561 = vector.broadcast %get3A_559 : vector<1x128xf32> to vector<576x128xf32>
    %add3A_562 = arith.addf %add3A_560, %add3A_561 : vector<576x128xf32>
    %slice3A_563 = vector.extract_strided_slice %dot_general3A_17 {offsets = [0, 1152], sizes = [576, 128], strides = [1, 1]} : vector<576x4096xf32> to vector<576x128xf32>
    %add3A_564 = arith.addf %add3A_562, %slice3A_563 : vector<576x128xf32>
    %lt3A_565 = arith.cmpf olt, %add3A_564, %select_n3A_553 : vector<576x128xf32>
    %select_n3A_566 = arith.select %lt3A_565, %add3A_564, %select_n3A_553 : vector<576x128xi1>, vector<576x128xf32>
    %jit3A_567 = arith.constant 9 : i32
    %broadcast_in_dim3A_568 = vector.broadcast %jit3A_567 : i32 to vector<576x128xi32>
    %select_n3A_569 = arith.select %lt3A_565, %broadcast_in_dim3A_568, %select_n3A_556 : vector<576x128xi1>, vector<576x128xi32>
    %get3A_570 = arith.constant 42 : index
    %get3A_571 = arith.constant 0 : index
    %get3A_572 = vector.load %arg5[%get3A_570, %get3A_571] : memref<64x128xf32, #tpu.memory_space<vmem>>, vector<1x128xf32>
    %add3A_573 = vector.broadcast %broadcast_in_dim3A : vector<576x1xf32> to vector<576x128xf32>
    %add3A_574 = vector.broadcast %get3A_572 : vector<1x128xf32> to vector<576x128xf32>
    %add3A_575 = arith.addf %add3A_573, %add3A_574 : vector<576x128xf32>
    %slice3A_576 = vector.extract_strided_slice %dot_general3A_17 {offsets = [0, 1280], sizes = [576, 128], strides = [1, 1]} : vector<576x4096xf32> to vector<576x128xf32>
    %add3A_577 = arith.addf %add3A_575, %slice3A_576 : vector<576x128xf32>
    %lt3A_578 = arith.cmpf olt, %add3A_577, %select_n3A_566 : vector<576x128xf32>
    %select_n3A_579 = arith.select %lt3A_578, %add3A_577, %select_n3A_566 : vector<576x128xi1>, vector<576x128xf32>
    %jit3A_580 = arith.constant 10 : i32
    %broadcast_in_dim3A_581 = vector.broadcast %jit3A_580 : i32 to vector<576x128xi32>
    %select_n3A_582 = arith.select %lt3A_578, %broadcast_in_dim3A_581, %select_n3A_569 : vector<576x128xi1>, vector<576x128xi32>
    %get3A_583 = arith.constant 43 : index
    %get3A_584 = arith.constant 0 : index
    %get3A_585 = vector.load %arg5[%get3A_583, %get3A_584] : memref<64x128xf32, #tpu.memory_space<vmem>>, vector<1x128xf32>
    %add3A_586 = vector.broadcast %broadcast_in_dim3A : vector<576x1xf32> to vector<576x128xf32>
    %add3A_587 = vector.broadcast %get3A_585 : vector<1x128xf32> to vector<576x128xf32>
    %add3A_588 = arith.addf %add3A_586, %add3A_587 : vector<576x128xf32>
    %slice3A_589 = vector.extract_strided_slice %dot_general3A_17 {offsets = [0, 1408], sizes = [576, 128], strides = [1, 1]} : vector<576x4096xf32> to vector<576x128xf32>
    %add3A_590 = arith.addf %add3A_588, %slice3A_589 : vector<576x128xf32>
    %lt3A_591 = arith.cmpf olt, %add3A_590, %select_n3A_579 : vector<576x128xf32>
    %select_n3A_592 = arith.select %lt3A_591, %add3A_590, %select_n3A_579 : vector<576x128xi1>, vector<576x128xf32>
    %jit3A_593 = arith.constant 11 : i32
    %broadcast_in_dim3A_594 = vector.broadcast %jit3A_593 : i32 to vector<576x128xi32>
    %select_n3A_595 = arith.select %lt3A_591, %broadcast_in_dim3A_594, %select_n3A_582 : vector<576x128xi1>, vector<576x128xi32>
    %get3A_596 = arith.constant 44 : index
    %get3A_597 = arith.constant 0 : index
    %get3A_598 = vector.load %arg5[%get3A_596, %get3A_597] : memref<64x128xf32, #tpu.memory_space<vmem>>, vector<1x128xf32>
    %add3A_599 = vector.broadcast %broadcast_in_dim3A : vector<576x1xf32> to vector<576x128xf32>
    %add3A_600 = vector.broadcast %get3A_598 : vector<1x128xf32> to vector<576x128xf32>
    %add3A_601 = arith.addf %add3A_599, %add3A_600 : vector<576x128xf32>
    %slice3A_602 = vector.extract_strided_slice %dot_general3A_17 {offsets = [0, 1536], sizes = [576, 128], strides = [1, 1]} : vector<576x4096xf32> to vector<576x128xf32>
    %add3A_603 = arith.addf %add3A_601, %slice3A_602 : vector<576x128xf32>
    %lt3A_604 = arith.cmpf olt, %add3A_603, %select_n3A_592 : vector<576x128xf32>
    %select_n3A_605 = arith.select %lt3A_604, %add3A_603, %select_n3A_592 : vector<576x128xi1>, vector<576x128xf32>
    %jit3A_606 = arith.constant 12 : i32
    %broadcast_in_dim3A_607 = vector.broadcast %jit3A_606 : i32 to vector<576x128xi32>
    %select_n3A_608 = arith.select %lt3A_604, %broadcast_in_dim3A_607, %select_n3A_595 : vector<576x128xi1>, vector<576x128xi32>
    %get3A_609 = arith.constant 45 : index
    %get3A_610 = arith.constant 0 : index
    %get3A_611 = vector.load %arg5[%get3A_609, %get3A_610] : memref<64x128xf32, #tpu.memory_space<vmem>>, vector<1x128xf32>
    %add3A_612 = vector.broadcast %broadcast_in_dim3A : vector<576x1xf32> to vector<576x128xf32>
    %add3A_613 = vector.broadcast %get3A_611 : vector<1x128xf32> to vector<576x128xf32>
    %add3A_614 = arith.addf %add3A_612, %add3A_613 : vector<576x128xf32>
    %slice3A_615 = vector.extract_strided_slice %dot_general3A_17 {offsets = [0, 1664], sizes = [576, 128], strides = [1, 1]} : vector<576x4096xf32> to vector<576x128xf32>
    %add3A_616 = arith.addf %add3A_614, %slice3A_615 : vector<576x128xf32>
    %lt3A_617 = arith.cmpf olt, %add3A_616, %select_n3A_605 : vector<576x128xf32>
    %select_n3A_618 = arith.select %lt3A_617, %add3A_616, %select_n3A_605 : vector<576x128xi1>, vector<576x128xf32>
    %jit3A_619 = arith.constant 13 : i32
    %broadcast_in_dim3A_620 = vector.broadcast %jit3A_619 : i32 to vector<576x128xi32>
    %select_n3A_621 = arith.select %lt3A_617, %broadcast_in_dim3A_620, %select_n3A_608 : vector<576x128xi1>, vector<576x128xi32>
    %get3A_622 = arith.constant 46 : index
    %get3A_623 = arith.constant 0 : index
    %get3A_624 = vector.load %arg5[%get3A_622, %get3A_623] : memref<64x128xf32, #tpu.memory_space<vmem>>, vector<1x128xf32>
    %add3A_625 = vector.broadcast %broadcast_in_dim3A : vector<576x1xf32> to vector<576x128xf32>
    %add3A_626 = vector.broadcast %get3A_624 : vector<1x128xf32> to vector<576x128xf32>
    %add3A_627 = arith.addf %add3A_625, %add3A_626 : vector<576x128xf32>
    %slice3A_628 = vector.extract_strided_slice %dot_general3A_17 {offsets = [0, 1792], sizes = [576, 128], strides = [1, 1]} : vector<576x4096xf32> to vector<576x128xf32>
    %add3A_629 = arith.addf %add3A_627, %slice3A_628 : vector<576x128xf32>
    %lt3A_630 = arith.cmpf olt, %add3A_629, %select_n3A_618 : vector<576x128xf32>
    %select_n3A_631 = arith.select %lt3A_630, %add3A_629, %select_n3A_618 : vector<576x128xi1>, vector<576x128xf32>
    %jit3A_632 = arith.constant 14 : i32
    %broadcast_in_dim3A_633 = vector.broadcast %jit3A_632 : i32 to vector<576x128xi32>
    %select_n3A_634 = arith.select %lt3A_630, %broadcast_in_dim3A_633, %select_n3A_621 : vector<576x128xi1>, vector<576x128xi32>
    %get3A_635 = arith.constant 47 : index
    %get3A_636 = arith.constant 0 : index
    %get3A_637 = vector.load %arg5[%get3A_635, %get3A_636] : memref<64x128xf32, #tpu.memory_space<vmem>>, vector<1x128xf32>
    %add3A_638 = vector.broadcast %broadcast_in_dim3A : vector<576x1xf32> to vector<576x128xf32>
    %add3A_639 = vector.broadcast %get3A_637 : vector<1x128xf32> to vector<576x128xf32>
    %add3A_640 = arith.addf %add3A_638, %add3A_639 : vector<576x128xf32>
    %slice3A_641 = vector.extract_strided_slice %dot_general3A_17 {offsets = [0, 1920], sizes = [576, 128], strides = [1, 1]} : vector<576x4096xf32> to vector<576x128xf32>
    %add3A_642 = arith.addf %add3A_640, %slice3A_641 : vector<576x128xf32>
    %lt3A_643 = arith.cmpf olt, %add3A_642, %select_n3A_631 : vector<576x128xf32>
    %select_n3A_644 = arith.select %lt3A_643, %add3A_642, %select_n3A_631 : vector<576x128xi1>, vector<576x128xf32>
    %jit3A_645 = arith.constant 15 : i32
    %broadcast_in_dim3A_646 = vector.broadcast %jit3A_645 : i32 to vector<576x128xi32>
    %select_n3A_647 = arith.select %lt3A_643, %broadcast_in_dim3A_646, %select_n3A_634 : vector<576x128xi1>, vector<576x128xi32>
    %get3A_648 = arith.constant 48 : index
    %get3A_649 = arith.constant 0 : index
    %get3A_650 = vector.load %arg5[%get3A_648, %get3A_649] : memref<64x128xf32, #tpu.memory_space<vmem>>, vector<1x128xf32>
    %add3A_651 = vector.broadcast %broadcast_in_dim3A : vector<576x1xf32> to vector<576x128xf32>
    %add3A_652 = vector.broadcast %get3A_650 : vector<1x128xf32> to vector<576x128xf32>
    %add3A_653 = arith.addf %add3A_651, %add3A_652 : vector<576x128xf32>
    %slice3A_654 = vector.extract_strided_slice %dot_general3A_17 {offsets = [0, 2048], sizes = [576, 128], strides = [1, 1]} : vector<576x4096xf32> to vector<576x128xf32>
    %add3A_655 = arith.addf %add3A_653, %slice3A_654 : vector<576x128xf32>
    %lt3A_656 = arith.cmpf olt, %add3A_655, %select_n3A_644 : vector<576x128xf32>
    %select_n3A_657 = arith.select %lt3A_656, %add3A_655, %select_n3A_644 : vector<576x128xi1>, vector<576x128xf32>
    %jit3A_658 = arith.constant 16 : i32
    %broadcast_in_dim3A_659 = vector.broadcast %jit3A_658 : i32 to vector<576x128xi32>
    %select_n3A_660 = arith.select %lt3A_656, %broadcast_in_dim3A_659, %select_n3A_647 : vector<576x128xi1>, vector<576x128xi32>
    %get3A_661 = arith.constant 49 : index
    %get3A_662 = arith.constant 0 : index
    %get3A_663 = vector.load %arg5[%get3A_661, %get3A_662] : memref<64x128xf32, #tpu.memory_space<vmem>>, vector<1x128xf32>
    %add3A_664 = vector.broadcast %broadcast_in_dim3A : vector<576x1xf32> to vector<576x128xf32>
    %add3A_665 = vector.broadcast %get3A_663 : vector<1x128xf32> to vector<576x128xf32>
    %add3A_666 = arith.addf %add3A_664, %add3A_665 : vector<576x128xf32>
    %slice3A_667 = vector.extract_strided_slice %dot_general3A_17 {offsets = [0, 2176], sizes = [576, 128], strides = [1, 1]} : vector<576x4096xf32> to vector<576x128xf32>
    %add3A_668 = arith.addf %add3A_666, %slice3A_667 : vector<576x128xf32>
    %lt3A_669 = arith.cmpf olt, %add3A_668, %select_n3A_657 : vector<576x128xf32>
    %select_n3A_670 = arith.select %lt3A_669, %add3A_668, %select_n3A_657 : vector<576x128xi1>, vector<576x128xf32>
    %jit3A_671 = arith.constant 17 : i32
    %broadcast_in_dim3A_672 = vector.broadcast %jit3A_671 : i32 to vector<576x128xi32>
    %select_n3A_673 = arith.select %lt3A_669, %broadcast_in_dim3A_672, %select_n3A_660 : vector<576x128xi1>, vector<576x128xi32>
    %get3A_674 = arith.constant 50 : index
    %get3A_675 = arith.constant 0 : index
    %get3A_676 = vector.load %arg5[%get3A_674, %get3A_675] : memref<64x128xf32, #tpu.memory_space<vmem>>, vector<1x128xf32>
    %add3A_677 = vector.broadcast %broadcast_in_dim3A : vector<576x1xf32> to vector<576x128xf32>
    %add3A_678 = vector.broadcast %get3A_676 : vector<1x128xf32> to vector<576x128xf32>
    %add3A_679 = arith.addf %add3A_677, %add3A_678 : vector<576x128xf32>
    %slice3A_680 = vector.extract_strided_slice %dot_general3A_17 {offsets = [0, 2304], sizes = [576, 128], strides = [1, 1]} : vector<576x4096xf32> to vector<576x128xf32>
    %add3A_681 = arith.addf %add3A_679, %slice3A_680 : vector<576x128xf32>
    %lt3A_682 = arith.cmpf olt, %add3A_681, %select_n3A_670 : vector<576x128xf32>
    %select_n3A_683 = arith.select %lt3A_682, %add3A_681, %select_n3A_670 : vector<576x128xi1>, vector<576x128xf32>
    %jit3A_684 = arith.constant 18 : i32
    %broadcast_in_dim3A_685 = vector.broadcast %jit3A_684 : i32 to vector<576x128xi32>
    %select_n3A_686 = arith.select %lt3A_682, %broadcast_in_dim3A_685, %select_n3A_673 : vector<576x128xi1>, vector<576x128xi32>
    %get3A_687 = arith.constant 51 : index
    %get3A_688 = arith.constant 0 : index
    %get3A_689 = vector.load %arg5[%get3A_687, %get3A_688] : memref<64x128xf32, #tpu.memory_space<vmem>>, vector<1x128xf32>
    %add3A_690 = vector.broadcast %broadcast_in_dim3A : vector<576x1xf32> to vector<576x128xf32>
    %add3A_691 = vector.broadcast %get3A_689 : vector<1x128xf32> to vector<576x128xf32>
    %add3A_692 = arith.addf %add3A_690, %add3A_691 : vector<576x128xf32>
    %slice3A_693 = vector.extract_strided_slice %dot_general3A_17 {offsets = [0, 2432], sizes = [576, 128], strides = [1, 1]} : vector<576x4096xf32> to vector<576x128xf32>
    %add3A_694 = arith.addf %add3A_692, %slice3A_693 : vector<576x128xf32>
    %lt3A_695 = arith.cmpf olt, %add3A_694, %select_n3A_683 : vector<576x128xf32>
    %select_n3A_696 = arith.select %lt3A_695, %add3A_694, %select_n3A_683 : vector<576x128xi1>, vector<576x128xf32>
    %jit3A_697 = arith.constant 19 : i32
    %broadcast_in_dim3A_698 = vector.broadcast %jit3A_697 : i32 to vector<576x128xi32>
    %select_n3A_699 = arith.select %lt3A_695, %broadcast_in_dim3A_698, %select_n3A_686 : vector<576x128xi1>, vector<576x128xi32>
    %get3A_700 = arith.constant 52 : index
    %get3A_701 = arith.constant 0 : index
    %get3A_702 = vector.load %arg5[%get3A_700, %get3A_701] : memref<64x128xf32, #tpu.memory_space<vmem>>, vector<1x128xf32>
    %add3A_703 = vector.broadcast %broadcast_in_dim3A : vector<576x1xf32> to vector<576x128xf32>
    %add3A_704 = vector.broadcast %get3A_702 : vector<1x128xf32> to vector<576x128xf32>
    %add3A_705 = arith.addf %add3A_703, %add3A_704 : vector<576x128xf32>
    %slice3A_706 = vector.extract_strided_slice %dot_general3A_17 {offsets = [0, 2560], sizes = [576, 128], strides = [1, 1]} : vector<576x4096xf32> to vector<576x128xf32>
    %add3A_707 = arith.addf %add3A_705, %slice3A_706 : vector<576x128xf32>
    %lt3A_708 = arith.cmpf olt, %add3A_707, %select_n3A_696 : vector<576x128xf32>
    %select_n3A_709 = arith.select %lt3A_708, %add3A_707, %select_n3A_696 : vector<576x128xi1>, vector<576x128xf32>
    %jit3A_710 = arith.constant 20 : i32
    %broadcast_in_dim3A_711 = vector.broadcast %jit3A_710 : i32 to vector<576x128xi32>
    %select_n3A_712 = arith.select %lt3A_708, %broadcast_in_dim3A_711, %select_n3A_699 : vector<576x128xi1>, vector<576x128xi32>
    %get3A_713 = arith.constant 53 : index
    %get3A_714 = arith.constant 0 : index
    %get3A_715 = vector.load %arg5[%get3A_713, %get3A_714] : memref<64x128xf32, #tpu.memory_space<vmem>>, vector<1x128xf32>
    %add3A_716 = vector.broadcast %broadcast_in_dim3A : vector<576x1xf32> to vector<576x128xf32>
    %add3A_717 = vector.broadcast %get3A_715 : vector<1x128xf32> to vector<576x128xf32>
    %add3A_718 = arith.addf %add3A_716, %add3A_717 : vector<576x128xf32>
    %slice3A_719 = vector.extract_strided_slice %dot_general3A_17 {offsets = [0, 2688], sizes = [576, 128], strides = [1, 1]} : vector<576x4096xf32> to vector<576x128xf32>
    %add3A_720 = arith.addf %add3A_718, %slice3A_719 : vector<576x128xf32>
    %lt3A_721 = arith.cmpf olt, %add3A_720, %select_n3A_709 : vector<576x128xf32>
    %select_n3A_722 = arith.select %lt3A_721, %add3A_720, %select_n3A_709 : vector<576x128xi1>, vector<576x128xf32>
    %jit3A_723 = arith.constant 21 : i32
    %broadcast_in_dim3A_724 = vector.broadcast %jit3A_723 : i32 to vector<576x128xi32>
    %select_n3A_725 = arith.select %lt3A_721, %broadcast_in_dim3A_724, %select_n3A_712 : vector<576x128xi1>, vector<576x128xi32>
    %get3A_726 = arith.constant 54 : index
    %get3A_727 = arith.constant 0 : index
    %get3A_728 = vector.load %arg5[%get3A_726, %get3A_727] : memref<64x128xf32, #tpu.memory_space<vmem>>, vector<1x128xf32>
    %add3A_729 = vector.broadcast %broadcast_in_dim3A : vector<576x1xf32> to vector<576x128xf32>
    %add3A_730 = vector.broadcast %get3A_728 : vector<1x128xf32> to vector<576x128xf32>
    %add3A_731 = arith.addf %add3A_729, %add3A_730 : vector<576x128xf32>
    %slice3A_732 = vector.extract_strided_slice %dot_general3A_17 {offsets = [0, 2816], sizes = [576, 128], strides = [1, 1]} : vector<576x4096xf32> to vector<576x128xf32>
    %add3A_733 = arith.addf %add3A_731, %slice3A_732 : vector<576x128xf32>
    %lt3A_734 = arith.cmpf olt, %add3A_733, %select_n3A_722 : vector<576x128xf32>
    %select_n3A_735 = arith.select %lt3A_734, %add3A_733, %select_n3A_722 : vector<576x128xi1>, vector<576x128xf32>
    %jit3A_736 = arith.constant 22 : i32
    %broadcast_in_dim3A_737 = vector.broadcast %jit3A_736 : i32 to vector<576x128xi32>
    %select_n3A_738 = arith.select %lt3A_734, %broadcast_in_dim3A_737, %select_n3A_725 : vector<576x128xi1>, vector<576x128xi32>
    %get3A_739 = arith.constant 55 : index
    %get3A_740 = arith.constant 0 : index
    %get3A_741 = vector.load %arg5[%get3A_739, %get3A_740] : memref<64x128xf32, #tpu.memory_space<vmem>>, vector<1x128xf32>
    %add3A_742 = vector.broadcast %broadcast_in_dim3A : vector<576x1xf32> to vector<576x128xf32>
    %add3A_743 = vector.broadcast %get3A_741 : vector<1x128xf32> to vector<576x128xf32>
    %add3A_744 = arith.addf %add3A_742, %add3A_743 : vector<576x128xf32>
    %slice3A_745 = vector.extract_strided_slice %dot_general3A_17 {offsets = [0, 2944], sizes = [576, 128], strides = [1, 1]} : vector<576x4096xf32> to vector<576x128xf32>
    %add3A_746 = arith.addf %add3A_744, %slice3A_745 : vector<576x128xf32>
    %lt3A_747 = arith.cmpf olt, %add3A_746, %select_n3A_735 : vector<576x128xf32>
    %select_n3A_748 = arith.select %lt3A_747, %add3A_746, %select_n3A_735 : vector<576x128xi1>, vector<576x128xf32>
    %jit3A_749 = arith.constant 23 : i32
    %broadcast_in_dim3A_750 = vector.broadcast %jit3A_749 : i32 to vector<576x128xi32>
    %select_n3A_751 = arith.select %lt3A_747, %broadcast_in_dim3A_750, %select_n3A_738 : vector<576x128xi1>, vector<576x128xi32>
    %get3A_752 = arith.constant 56 : index
    %get3A_753 = arith.constant 0 : index
    %get3A_754 = vector.load %arg5[%get3A_752, %get3A_753] : memref<64x128xf32, #tpu.memory_space<vmem>>, vector<1x128xf32>
    %add3A_755 = vector.broadcast %broadcast_in_dim3A : vector<576x1xf32> to vector<576x128xf32>
    %add3A_756 = vector.broadcast %get3A_754 : vector<1x128xf32> to vector<576x128xf32>
    %add3A_757 = arith.addf %add3A_755, %add3A_756 : vector<576x128xf32>
    %slice3A_758 = vector.extract_strided_slice %dot_general3A_17 {offsets = [0, 3072], sizes = [576, 128], strides = [1, 1]} : vector<576x4096xf32> to vector<576x128xf32>
    %add3A_759 = arith.addf %add3A_757, %slice3A_758 : vector<576x128xf32>
    %lt3A_760 = arith.cmpf olt, %add3A_759, %select_n3A_748 : vector<576x128xf32>
    %select_n3A_761 = arith.select %lt3A_760, %add3A_759, %select_n3A_748 : vector<576x128xi1>, vector<576x128xf32>
    %jit3A_762 = arith.constant 24 : i32
    %broadcast_in_dim3A_763 = vector.broadcast %jit3A_762 : i32 to vector<576x128xi32>
    %select_n3A_764 = arith.select %lt3A_760, %broadcast_in_dim3A_763, %select_n3A_751 : vector<576x128xi1>, vector<576x128xi32>
    %get3A_765 = arith.constant 57 : index
    %get3A_766 = arith.constant 0 : index
    %get3A_767 = vector.load %arg5[%get3A_765, %get3A_766] : memref<64x128xf32, #tpu.memory_space<vmem>>, vector<1x128xf32>
    %add3A_768 = vector.broadcast %broadcast_in_dim3A : vector<576x1xf32> to vector<576x128xf32>
    %add3A_769 = vector.broadcast %get3A_767 : vector<1x128xf32> to vector<576x128xf32>
    %add3A_770 = arith.addf %add3A_768, %add3A_769 : vector<576x128xf32>
    %slice3A_771 = vector.extract_strided_slice %dot_general3A_17 {offsets = [0, 3200], sizes = [576, 128], strides = [1, 1]} : vector<576x4096xf32> to vector<576x128xf32>
    %add3A_772 = arith.addf %add3A_770, %slice3A_771 : vector<576x128xf32>
    %lt3A_773 = arith.cmpf olt, %add3A_772, %select_n3A_761 : vector<576x128xf32>
    %select_n3A_774 = arith.select %lt3A_773, %add3A_772, %select_n3A_761 : vector<576x128xi1>, vector<576x128xf32>
    %jit3A_775 = arith.constant 25 : i32
    %broadcast_in_dim3A_776 = vector.broadcast %jit3A_775 : i32 to vector<576x128xi32>
    %select_n3A_777 = arith.select %lt3A_773, %broadcast_in_dim3A_776, %select_n3A_764 : vector<576x128xi1>, vector<576x128xi32>
    %get3A_778 = arith.constant 58 : index
    %get3A_779 = arith.constant 0 : index
    %get3A_780 = vector.load %arg5[%get3A_778, %get3A_779] : memref<64x128xf32, #tpu.memory_space<vmem>>, vector<1x128xf32>
    %add3A_781 = vector.broadcast %broadcast_in_dim3A : vector<576x1xf32> to vector<576x128xf32>
    %add3A_782 = vector.broadcast %get3A_780 : vector<1x128xf32> to vector<576x128xf32>
    %add3A_783 = arith.addf %add3A_781, %add3A_782 : vector<576x128xf32>
    %slice3A_784 = vector.extract_strided_slice %dot_general3A_17 {offsets = [0, 3328], sizes = [576, 128], strides = [1, 1]} : vector<576x4096xf32> to vector<576x128xf32>
    %add3A_785 = arith.addf %add3A_783, %slice3A_784 : vector<576x128xf32>
    %lt3A_786 = arith.cmpf olt, %add3A_785, %select_n3A_774 : vector<576x128xf32>
    %select_n3A_787 = arith.select %lt3A_786, %add3A_785, %select_n3A_774 : vector<576x128xi1>, vector<576x128xf32>
    %jit3A_788 = arith.constant 26 : i32
    %broadcast_in_dim3A_789 = vector.broadcast %jit3A_788 : i32 to vector<576x128xi32>
    %select_n3A_790 = arith.select %lt3A_786, %broadcast_in_dim3A_789, %select_n3A_777 : vector<576x128xi1>, vector<576x128xi32>
    %get3A_791 = arith.constant 59 : index
    %get3A_792 = arith.constant 0 : index
    %get3A_793 = vector.load %arg5[%get3A_791, %get3A_792] : memref<64x128xf32, #tpu.memory_space<vmem>>, vector<1x128xf32>
    %add3A_794 = vector.broadcast %broadcast_in_dim3A : vector<576x1xf32> to vector<576x128xf32>
    %add3A_795 = vector.broadcast %get3A_793 : vector<1x128xf32> to vector<576x128xf32>
    %add3A_796 = arith.addf %add3A_794, %add3A_795 : vector<576x128xf32>
    %slice3A_797 = vector.extract_strided_slice %dot_general3A_17 {offsets = [0, 3456], sizes = [576, 128], strides = [1, 1]} : vector<576x4096xf32> to vector<576x128xf32>
    %add3A_798 = arith.addf %add3A_796, %slice3A_797 : vector<576x128xf32>
    %lt3A_799 = arith.cmpf olt, %add3A_798, %select_n3A_787 : vector<576x128xf32>
    %select_n3A_800 = arith.select %lt3A_799, %add3A_798, %select_n3A_787 : vector<576x128xi1>, vector<576x128xf32>
    %jit3A_801 = arith.constant 27 : i32
    %broadcast_in_dim3A_802 = vector.broadcast %jit3A_801 : i32 to vector<576x128xi32>
    %select_n3A_803 = arith.select %lt3A_799, %broadcast_in_dim3A_802, %select_n3A_790 : vector<576x128xi1>, vector<576x128xi32>
    %get3A_804 = arith.constant 60 : index
    %get3A_805 = arith.constant 0 : index
    %get3A_806 = vector.load %arg5[%get3A_804, %get3A_805] : memref<64x128xf32, #tpu.memory_space<vmem>>, vector<1x128xf32>
    %add3A_807 = vector.broadcast %broadcast_in_dim3A : vector<576x1xf32> to vector<576x128xf32>
    %add3A_808 = vector.broadcast %get3A_806 : vector<1x128xf32> to vector<576x128xf32>
    %add3A_809 = arith.addf %add3A_807, %add3A_808 : vector<576x128xf32>
    %slice3A_810 = vector.extract_strided_slice %dot_general3A_17 {offsets = [0, 3584], sizes = [576, 128], strides = [1, 1]} : vector<576x4096xf32> to vector<576x128xf32>
    %add3A_811 = arith.addf %add3A_809, %slice3A_810 : vector<576x128xf32>
    %lt3A_812 = arith.cmpf olt, %add3A_811, %select_n3A_800 : vector<576x128xf32>
    %select_n3A_813 = arith.select %lt3A_812, %add3A_811, %select_n3A_800 : vector<576x128xi1>, vector<576x128xf32>
    %jit3A_814 = arith.constant 28 : i32
    %broadcast_in_dim3A_815 = vector.broadcast %jit3A_814 : i32 to vector<576x128xi32>
    %select_n3A_816 = arith.select %lt3A_812, %broadcast_in_dim3A_815, %select_n3A_803 : vector<576x128xi1>, vector<576x128xi32>
    %get3A_817 = arith.constant 61 : index
    %get3A_818 = arith.constant 0 : index
    %get3A_819 = vector.load %arg5[%get3A_817, %get3A_818] : memref<64x128xf32, #tpu.memory_space<vmem>>, vector<1x128xf32>
    %add3A_820 = vector.broadcast %broadcast_in_dim3A : vector<576x1xf32> to vector<576x128xf32>
    %add3A_821 = vector.broadcast %get3A_819 : vector<1x128xf32> to vector<576x128xf32>
    %add3A_822 = arith.addf %add3A_820, %add3A_821 : vector<576x128xf32>
    %slice3A_823 = vector.extract_strided_slice %dot_general3A_17 {offsets = [0, 3712], sizes = [576, 128], strides = [1, 1]} : vector<576x4096xf32> to vector<576x128xf32>
    %add3A_824 = arith.addf %add3A_822, %slice3A_823 : vector<576x128xf32>
    %lt3A_825 = arith.cmpf olt, %add3A_824, %select_n3A_813 : vector<576x128xf32>
    %select_n3A_826 = arith.select %lt3A_825, %add3A_824, %select_n3A_813 : vector<576x128xi1>, vector<576x128xf32>
    %jit3A_827 = arith.constant 29 : i32
    %broadcast_in_dim3A_828 = vector.broadcast %jit3A_827 : i32 to vector<576x128xi32>
    %select_n3A_829 = arith.select %lt3A_825, %broadcast_in_dim3A_828, %select_n3A_816 : vector<576x128xi1>, vector<576x128xi32>
    %get3A_830 = arith.constant 62 : index
    %get3A_831 = arith.constant 0 : index
    %get3A_832 = vector.load %arg5[%get3A_830, %get3A_831] : memref<64x128xf32, #tpu.memory_space<vmem>>, vector<1x128xf32>
    %add3A_833 = vector.broadcast %broadcast_in_dim3A : vector<576x1xf32> to vector<576x128xf32>
    %add3A_834 = vector.broadcast %get3A_832 : vector<1x128xf32> to vector<576x128xf32>
    %add3A_835 = arith.addf %add3A_833, %add3A_834 : vector<576x128xf32>
    %slice3A_836 = vector.extract_strided_slice %dot_general3A_17 {offsets = [0, 3840], sizes = [576, 128], strides = [1, 1]} : vector<576x4096xf32> to vector<576x128xf32>
    %add3A_837 = arith.addf %add3A_835, %slice3A_836 : vector<576x128xf32>
    %lt3A_838 = arith.cmpf olt, %add3A_837, %select_n3A_826 : vector<576x128xf32>
    %select_n3A_839 = arith.select %lt3A_838, %add3A_837, %select_n3A_826 : vector<576x128xi1>, vector<576x128xf32>
    %jit3A_840 = arith.constant 30 : i32
    %broadcast_in_dim3A_841 = vector.broadcast %jit3A_840 : i32 to vector<576x128xi32>
    %select_n3A_842 = arith.select %lt3A_838, %broadcast_in_dim3A_841, %select_n3A_829 : vector<576x128xi1>, vector<576x128xi32>
    %get3A_843 = arith.constant 63 : index
    %get3A_844 = arith.constant 0 : index
    %get3A_845 = vector.load %arg5[%get3A_843, %get3A_844] : memref<64x128xf32, #tpu.memory_space<vmem>>, vector<1x128xf32>
    %add3A_846 = vector.broadcast %broadcast_in_dim3A : vector<576x1xf32> to vector<576x128xf32>
    %add3A_847 = vector.broadcast %get3A_845 : vector<1x128xf32> to vector<576x128xf32>
    %add3A_848 = arith.addf %add3A_846, %add3A_847 : vector<576x128xf32>
    %slice3A_849 = vector.extract_strided_slice %dot_general3A_17 {offsets = [0, 3968], sizes = [576, 128], strides = [1, 1]} : vector<576x4096xf32> to vector<576x128xf32>
    %add3A_850 = arith.addf %add3A_848, %slice3A_849 : vector<576x128xf32>
    %lt3A_851 = arith.cmpf olt, %add3A_850, %select_n3A_839 : vector<576x128xf32>
    %select_n3A_852 = arith.select %lt3A_851, %add3A_850, %select_n3A_839 : vector<576x128xi1>, vector<576x128xf32>
    %jit3A_853 = arith.constant 31 : i32
    %broadcast_in_dim3A_854 = vector.broadcast %jit3A_853 : i32 to vector<576x128xi32>
    %select_n3A_855 = arith.select %lt3A_851, %broadcast_in_dim3A_854, %select_n3A_842 : vector<576x128xi1>, vector<576x128xi32>
    %reduce_min3A_856 = arith.constant dense<0x7F800000> : vector<576xf32>
    %reduce_min3A_857 = vector.multi_reduction <minimumf>, %select_n3A_852, %reduce_min3A_856 [1] : vector<576x128xf32> to vector<576xf32>
    %broadcast_in_dim3A_858 = vector.shape_cast %reduce_min3A_857 : vector<576xf32> to vector<576x1xf32>
    %iota3A_859 = tpu.iota {dimensions = array<i32: 1>} : vector<576x128xi32>
    %mul3A_860 = arith.constant 128 : i32
    %mul3A_861 = vector.broadcast %mul3A_860 : i32 to vector<576x128xi32>
    %mul3A_862 = arith.muli %select_n3A_855, %mul3A_861 : vector<576x128xi32>
    %add3A_863 = arith.addi %mul3A_862, %iota3A_859 : vector<576x128xi32>
    %eq3A_864 = vector.broadcast %broadcast_in_dim3A_858 : vector<576x1xf32> to vector<576x128xf32>
    %eq3A_865 = arith.cmpf oeq, %select_n3A_852, %eq3A_864 : vector<576x128xf32>
    %jit3A_866 = arith.constant 1073741824 : i32
    %broadcast_in_dim3A_867 = vector.broadcast %jit3A_866 : i32 to vector<576x128xi32>
    %select_n3A_868 = arith.select %eq3A_865, %add3A_863, %broadcast_in_dim3A_867 : vector<576x128xi1>, vector<576x128xi32>
    %reduce_min3A_869 = arith.constant dense<2147483647> : vector<576xi32>
    %reduce_min3A_870 = vector.multi_reduction <minsi>, %select_n3A_868, %reduce_min3A_869 [1] : vector<576x128xi32> to vector<576xi32>
    %broadcast_in_dim3A_871 = vector.shape_cast %reduce_min3A_870 : vector<576xi32> to vector<576x1xi32>
    %add3A_872 = arith.constant 4096 : i32
    %add3A_873 = vector.broadcast %add3A_872 : i32 to vector<576x1xi32>
    %add3A_874 = arith.addi %broadcast_in_dim3A_871, %add3A_873 : vector<576x1xi32>
    %lt3A_875 = arith.cmpf olt, %broadcast_in_dim3A_858, %broadcast_in_dim3A_427 : vector<576x1xf32>
    %select_n3A_876 = arith.select %lt3A_875, %add3A_874, %add3A_442 : vector<576x1xi1>, vector<576x1xi32>
    %swap3A = arith.constant 0 : index
    %swap3A_877 = arith.constant 0 : index
    %swap3A_878 = vector.load %arg3[%swap3A, %swap3A_877] : memref<576x1xi32, #tpu.memory_space<vmem>>, vector<576x1xi32>
    tpu.vector_store %arg3[%swap3A, %swap3A_877], %select_n3A_876 {strides = array<i32>} : memref<576x1xi32, #tpu.memory_space<vmem>>, vector<576x1xi32>,
    return
  }
  func.func @transform_0(%arg0: i32) -> (i32, i32) {
    %c1_i32 = arith.constant 1 : i32
    %c0_i32 = arith.constant 0 : i32
    return %arg0, %c1_i32 : i32, i32
  }
  func.func @transform_1(%arg0: i32) -> (i32, i32) {
    %c0_i32 = arith.constant 0 : i32
    %c0_i32_0 = arith.constant 0 : i32
    %c0_i32_1 = arith.constant 0 : i32
    return %c0_i32, %c0_i32_0 : i32, i32
  }
  func.func @transform_2(%arg0: i32) -> (i32, i32) {
    %c0_i32 = arith.constant 0 : i32
    %c0_i32_0 = arith.constant 0 : i32
    return %arg0, %c0_i32 : i32, i32
  }
}

</mosaic_0001>

<sc_bundles>
// kernel: kernel.5.cloned.1.call-start
scs
__scs_entry_jumppad:
0x0: {  	(pc) =	sbr.rel $0x88, $3  }
0x1: {  	(tag) =	ssettag $0x0;
	lr =	simm.s32 $0x1  }
0x2: {  	[smem:$0x3F9E] =	sst lr;
	_ =	strace $0xD0000000  }
0x3: {  	_ = 	snop  }
0x4: {  	_ = 	snop  }
0x5: {  	_ = 	snop  }
0x6: {  	_ = 	snop  }
0x7: {  	_ = 	snop  }
__scs_overlays_trampoline_lowered:
0x8: {  	[smem:$0x3FAD] =	sst s0  }
0x9: {  	[smem:$0x3FAE] =	sst s1  }
0xa: {  	[smem:$0x3FAF] =	sst s2  }
0xb: {  	[smem:$0x3FB0] =	sst s3  }
0xc: {  	[smem:$0x3FB1] =	sst s4  }
0xd: {  	[smem:$0x3FB2] =	sst s5  }
0xe: {  	[smem:$0x3FB3] =	sst s6  }
0xf: {  	[smem:$0x3FB4] =	sst s7  }
0x10: {  	[smem:$0x3FB5] =	sst s8  }
0x11: {  	[smem:$0x3FB6] =	sst s9;
	s0 =	simm.s32 @!p0 $0x0  }
0x12: {  	s1 =	sld [smem:$0x3F9C];
	s0 =	simm.s32 @p0 $0x1  }
0x13: {  	[smem:$0x3FB7] =	sst s0;
	s0 =	simm.s32 @!p1 $0x0  }
0x14: {  	s2 =	sld [smem:$0x3F9B];
	s0 =	simm.s32 @p1 $0x1  }
0x15: {  	[smem:$0x3FB8] =	sst s0;
	s0 =	simm.s32 @!p2 $0x0  }
0x16: {  	s3 =	sld [smem:$0x3FDB];
	s0 =	simm.s32 @p2 $0x1  }
0x17: {  	s4 =	simm.s32 $0x1BF5;
	[smem:$0x3FBA] =	sst s0  }
0x18: {  	s0 =	sld [smem:$0x3F9D];
	_ =	swait.ge [sflag:s4], $0x0  }
0x19: {  	s7 =	sld [smem:$0x3F9E]  }
0x1a: {  	s8 =	sadd.s32 $0xFFFFE003, lr  }
0x1b: {  	s9 =	sadd.s32 $0xFFFFFEF7, lr;
	s5 =	simm.s32 $0xFFFFFFFF;
	p2 =	slt.u32 s8, $0xFFFFF086  }
0x1c: {  	p1 =	slt.u32 s9, $0xF7A;
	s5 =	simm.s32 @!p2 $0x0  }
0x1d: {  	s5 =	simm.s32 @p1 $0x1;
	p0 =	seq.s32 s7, s2  }
0x1e: {  	s7 =	smul.u32 @!p0 $0xF7A, s2;
	p2 =	seq.s32 @!p0 s5, $0x0  }
0x1f: {  	s9 =	smul.u32 $0xF7A, s1;
	s8 =	simm.s32 @!p0 $0x1BF5;
	p2 =	por !p2, p0  }
0x20: {  	[sflag:s8] =	ssyncset.s32 @!p0 $0xFFFFF086;
	s6 =	sadd.s32 @!p0 s3, s7;
	s7 =	simm.s32 @!p0 $0x108  }
0x21: {  	s3 =	sadd.s32 s3, s9;
	s6 =	sadd.s32 @!p0 $0x88, s6;
	s7 =	simm.s32 @p2 $0x1082  }
0x22: {  	[simem:s7], [sflag:s8] =	dma.local @!p0 [hbm:s6], $0xF7A  }
0x23: {  	s9 =	sor.u32 $0xD0000000, s2;
	s6 =	simm.s32 $0x108;
	_ =	swait.ge @!p0 [sflag:s8], $0x0  }
0x24: {  	s3 =	sadd.s32 $0x88, s3;
	s6 =	simm.s32 @!p1 $0x1082;
	[sflag:s4] =	ssyncset.s32 $0xFFFFF086  }
0x25: {  	[simem:s6], [sflag:s4] =	dma.local [hbm:s3], $0xF7A  }
0x26: {  	[smem:$0x3F9E] =	sst s1;
	(tag) =	ssettag s2;
	_ =	strace s9  }
0x27: {  	s1 =	sld [smem:$0x3FAE]  }
0x28: {  	s2 =	sld [smem:$0x3FAF]  }
0x29: {  	s4 =	sld [smem:$0x3FB1]  }
0x2a: {  	p0 =	seq.s32 s5, $0x0;
	s5 =	sld [smem:$0x3FB2]  }
0x2b: {  	s6 =	sld [smem:$0x3FB3]  }
0x2c: {  	s7 =	sld [smem:$0x3FB4]  }
0x2d: {  	s3 =	simm.s32 $0x108;
	s8 =	sld [smem:$0x3FB5]  }
0x2e: {  	s3 =	simm.s32 @!p0 $0x1082;
	s9 =	sld [smem:$0x3FB6]  }
0x2f: {  	lr =	sadd.s32 s0, s3;
	s0 =	sld [smem:$0x3FAD]  }
0x30: {  	s3 =	sld [smem:$0x3FB0]  }
0x31: {  	[smem:$0x3FB9] =	sst s10  }
0x32: {  	s10 =	sld [smem:$0x3FB7];
	_ =	sdelay $0x3  }
0x33: {  	p0 =	seq.s32 s10, $0x1;
	s10 =	sld [smem:$0x3FB9];
	_ =	sdelay $0x3  }
0x34: {  	[smem:$0x3FB9] =	sst s10  }
0x35: {  	s10 =	sld [smem:$0x3FB8];
	_ =	sdelay $0x3  }
0x36: {  	p1 =	seq.s32 s10, $0x1;
	s10 =	sld [smem:$0x3FB9];
	_ =	sdelay $0x3  }
0x37: {  	[smem:$0x3FB9] =	sst s10  }
0x38: {  	s10 =	sld [smem:$0x3FBA]  }
0x39: {  	_ = 	snop;
	(pc) =	sbr.ind lr, $3  }
0x3a: {  	_ = 	snop  }
0x3b: {  	_ = 	snop  }
0x3c: {  	p2 =	seq.s32 s10, $0x1;
	s10 =	sld [smem:$0x3FB9]  }
0x3d: {  	_ =	shalt  }
0x3e: {  	_ =	shalt  }
0x3f: {  	_ =	shalt  }
0x40: {  	_ =	shalt  }
0x41: {  	_ =	shalt  }
0x42: {  	_ =	shalt  }
0x43: {  	_ =	shalt  }
0x44: {  	_ =	shalt  }
0x45: {  	_ =	shalt  }
0x46: {  	_ =	shalt  }
0x47: {  	_ =	shalt  }
0x48: {  	_ =	shalt  }
0x49: {  	_ =	shalt  }
0x4a: {  	_ =	shalt  }
0x4b: {  	_ =	shalt  }
0x4c: {  	_ =	shalt  }
0x4d: {  	_ =	shalt  }
0x4e: {  	_ =	shalt  }
0x4f: {  	_ =	shalt  }
0x50: {  	_ =	shalt  }
0x51: {  	_ =	shalt  }
0x52: {  	_ =	shalt  }
0x53: {  	_ =	shalt  }
0x54: {  	_ =	shalt  }
0x55: {  	_ =	shalt  }
0x56: {  	_ =	shalt  }
0x57: {  	_ =	shalt  }
0x58: {  	_ =	shalt  }
0x59: {  	_ =	shalt  }
0x5a: {  	_ =	shalt  }
0x5b: {  	_ =	shalt  }
0x5c: {  	_ =	shalt  }
0x5d: {  	_ =	shalt  }
0x5e: {  	_ =	shalt  }
0x5f: {  	_ =	shalt  }
0x60: {  	_ =	shalt  }
0x61: {  	_ =	shalt  }
0x62: {  	_ =	shalt  }
0x63: {  	_ =	shalt  }
0x64: {  	_ =	shalt  }
0x65: {  	_ =	shalt  }
0x66: {  	_ =	shalt  }
0x67: {  	_ =	shalt  }
0x68: {  	_ =	shalt  }
0x69: {  	_ =	shalt  }
0x6a: {  	_ =	shalt  }
0x6b: {  	_ =	shalt  }
0x6c: {  	_ =	shalt  }
0x6d: {  	_ =	shalt  }
0x6e: {  	_ =	shalt  }
0x6f: {  	_ =	shalt  }
0x70: {  	_ =	shalt  }
0x71: {  	_ =	shalt  }
0x72: {  	_ =	shalt  }
0x73: {  	_ =	shalt  }
0x74: {  	_ =	shalt  }
0x75: {  	_ =	shalt  }
0x76: {  	_ =	shalt  }
0x77: {  	_ =	shalt  }
0x78: {  	_ =	shalt  }
0x79: {  	_ =	shalt  }
0x7a: {  	_ =	shalt  }
0x7b: {  	_ =	shalt  }
0x7c: {  	_ =	shalt  }
0x7d: {  	_ =	shalt  }
0x7e: {  	_ =	shalt  }
0x7f: {  	_ =	shalt  }
0x80: {  	_ =	shalt  }
0x81: {  	_ =	shalt  }
0x82: {  	_ =	shalt  }
0x83: {  	_ =	shalt  }
0x84: {  	_ =	shalt  }
0x85: {  	_ =	shalt  }
0x86: {  	_ =	shalt  }
0x87: {  	_ =	shalt  }
.Lfunc_end0:
.L_simem_size_0:
called_computation_lowered:
.L_overlay_start_0:
0x88: {  	s2 =	sld [smem:$0x3FD9]  }
0x89: {  	s3 =	sld [smem:$0x3FFE];
	_ =	sdelay $0x1  }
0x8a: {  	s1 =	srdreg.scid  }
0x8b: {  	s0 =	sand.u32 $0x1, s1  }
0x8c: {  	s14 =	sshll.u32 s0, $0xA;
	s2 =	sadd.s32 s3, s2  }
0x8d: {  	s2 =	sadd.s32 s2, s14  }
0x8e: {  	[smem:$0x3FC5] =	sst s2  }
0x8f: {  	_ = 	snop  }
0x90: {  	s2 =	sld [smem:$0x3FD0];
	_ =	sdelay $0x2  }
0x91: {  	s15 =	simm.s32 $0xA;
	s4 =	simm.s32 $0x10  }
0x92: {  	[smem:s4], [sflag:s15] =	dma.local [hbm:s2], $0x1  }
0x93: {  	_ =	swait.eq [sflag:s15], $0x1  }
0x94: {  	[sflag:s15] =	ssyncset.done $0x0  }
0x95: {  	[sflag:s15] =	ssyncadd.s32 $0xFFFFFFFF  }
0x96: {  	s16 =	sld [smem:$0x10];
	(tm) =	ssettm $0x1  }
0x97: {  	s17 =	sld [smem:$0x3FFB];
	_ =	sdelay $0x3  }
0x98: {  	_ =	strace s17  }
0x99: {  	s3 =	sld [smem:$0x3FFC];
	_ =	sdelay $0x3  }
0x9a: {  	_ =	strace s3  }
0x9b: {  	s3 =	sld [smem:$0x3FFD];
	_ =	sdelay $0x3  }
0x9c: {  	_ =	strace s3  }
0x9d: {  	_ =	strace $0x8FFFFFFF  }
0x9e: {  	s18 =	sld [smem:$0x3FDB];
	_ =	sdelay $0x1  }
0x9f: {  	s19 =	simm.s32 $_scs_section_size  }
0xa0: {  	s5 =	simm.s32 $_size__tile_overlayer_lowered;
	s6 =	simm.s32 $_tile_overlayer_lowered  }
0xa1: {  	s22 =	simm.s32 $0x1BFF;
	s21 =	sshll.u32 s6, $0x1;
	s3 =	sadd.s32 s19, s18  }
0xa2: {  	s7 =	simm.s32 $0x0;
	s20 =	sshll.u32 s5, $0x1;
	s5 =	sadd.s32 s21, s3  }
0xa3: {  	[timem:s7], [sflag:s22] =	dma.local [hbm:s5], s20  }
0xa4: {  	_ =	swait.ge [sflag:s22], s20  }
0xa5: {  	s4 =	ssub.s32 $0x0, s20;
	[sflag:s22] =	ssyncset.done $0x0  }
0xa6: {  	[sflag:s22] =	ssyncadd.s32 s4;
	_ =	sdelay $0x1  }
0xa7: {  	s23 =	simm.s32 $0x1B8B  }
0xa8: {  	_ =	swait.ge [sflag:s23], $0x1  }
0xa9: {  	[sflag:s23] =	ssyncset.done $0x0  }
0xaa: {  	s25 =	simm.s32 $0x1B8E;
	s24 =	sld [smem:$0x3FFE];
	[sflag:s23] =	ssyncadd.s32 $0xFFFFFFFF  }
0xab: {  	s26 =	simm.s32 $execute0_lowered;
	[smem:$0x3FD2] =	sst s25  }
0xac: {  	s5 =	sshll.u32 s26, $0x1;
	_ =	strace $0x80000046;
	[dreg:$0x1] =	wrdreg $0xFFFFFFFF  }
0xad: {  	s28 =	simm.s32 $_size_execute0_lowered;
	s3 =	sadd.s32 s3, s5;
	[dreg:$0x0] =	wrdreg $0x0  }
0xae: {  	s5 =	sshll.u32 s28, $0x1;
	[dreg:$0x2] =	wrdreg s3  }
0xaf: {  	[dreg:$0x3] =	wrdreg s5  }
0xb0: {  	[dreg:$0x4] =	wrdreg $0xC0  }
0xb1: {  	_ =	task [dreg:s7], $0x5FFFF  }
0xb2: {  	[dreg:$0x1] =	wrdreg $0xFFFFFFFF  }
0xb3: {  	[dreg:$0x0] =	wrdreg $0x60  }
0xb4: {  	[dreg:$0x2] =	wrdreg s24  }
0xb5: {  	[dreg:$0x3] =	wrdreg s16  }
0xb6: {  	[dreg:$0x4] =	wrdreg $0x9  }
0xb7: {  	_ =	task.clear_ibuf [dreg:s7], $0x5FFFF;
	_ =	strace $0x90000046  }
0xb8: {  	s29 =	simm.s32 $0x9;
	_ =	strace $0x80000048  }
0xb9: {  	_ =	swait.ge [sflag:s29], $0x1  }
0xba: {  	[sflag:s29] =	ssyncadd.s32 $0xFFFFFFFF  }
0xbb: {  	_ =	strace $0x90000048  }
0xbc: {  	_ =	sfence  }
0xbd: {  	s30 =	sld [smem:$0x0];
	_ =	sdelay $0x2  }
0xbe: {  	s31 =	sshll.u32 s1, $0xD;
	s1 =	sshrl.u32 s1, $0x2  }
0xbf: {  	s3 =	sand.u32 $0x4000, s31;
	s1 =	sadd.s32 s1, s30  }
0xc0: {  	s0 =	sor.u32 s3, s0;
	s1 =	sshll.u32 s1, $0x11  }
0xc1: {  	s0 =	sor.u32 s1, s0  }
0xc2: {  	s0 =	sadd.s32 $0x8F2B, s0  }
0xc3: {  	[sflag:s0] =	ssyncadd.remote.s32 $0x1  }
0xc4: {  	_ =	sfence.sel $0xFFFF  }
0xc5: {  	[dreg:$0x0] =	wrdreg $0xFFFFFFFF;
	(pc) =	sbr.abs _section_cstart, $3  }
0xc6: {  	[dreg:$0x1] =	wrdreg $0xFFFFFFFF  }
0xc7: {  	_ =	task.clear_ibuf [dreg:s7], $0x2FFFF;
	_ =	strace $0x9FFFFFFF  }
0xc8: {  	(tm) =	ssettm $0x7FFFFFFF  }
0xc9: {  	_ =	shalt  }
tec
execute0_lowered:
.L_overlay_start_1:
0x0: {  	(tag) =	ssettag $0x1  }
0x1: {  	s1 =	srdreg.scid;
	s0 =	stileid.u32  }
0x2: {  	s5 =	sand.u32 $0x1, s1;
	s15 =	sshll.u32 s0, $0x1  }
0x3: {  	s1 =	sor.u32 s5, s15  }
0x4: {  	s2 =	smul.u32 $0x120, s1  }
0x5: {  	s3 =	rddreg [dreg:$0x1]  }
0x6: {  	s1 =	rddreg [dreg:$0x0];
	s4 =	sshrl.u32 s2, $0x3;
	s2 =	simm.s32 $0x0  }
0x7: {  	s19 =	simm.s32 $0x100;
	[smem:$0x7FF] =	sst s2  }
0x8: {  	s20 =	simm.s32 $0xA00;
	_ =	strace $0x80000047;
	[dreg:$0x6] =	wrdreg s19  }
0x9: {  	s21 =	simm.s32 $0xE00;
	[dreg:$0x7] =	wrdreg s20  }
0xa: {  	s22 =	simm.s32 $0x1600;
	[dreg:$0x8] =	wrdreg s21  }
0xb: {  	s23 =	simm.s32 $0x1A00;
	[dreg:$0x9] =	wrdreg s22  }
0xc: {  	s24 =	simm.s32 $0x2200;
	[dreg:$0xa] =	wrdreg s23  }
0xd: {  	s25 =	simm.s32 $0x2600;
	[dreg:$0xb] =	wrdreg s24  }
0xe: {  	s26 =	simm.s32 $0x2E00;
	[dreg:$0xc] =	wrdreg s25  }
0xf: {  	s0 =	simm.s32 $0x3200;
	[dreg:$0xd] =	wrdreg s26  }
0x10: {  	s7 =	simm.s32 $0x3E00;
	[dreg:$0xe] =	wrdreg s0  }
0x11: {  	s8 =	simm.s32 $0x4600;
	[dreg:$0x10] =	wrdreg s7  }
0x12: {  	s9 =	simm.s32 $0x4A00;
	[dreg:$0x11] =	wrdreg s8  }
0x13: {  	s10 =	simm.s32 $0x5200;
	[dreg:$0x12] =	wrdreg s9  }
0x14: {  	s11 =	simm.s32 $0x5600;
	[dreg:$0x13] =	wrdreg s10  }
0x15: {  	s12 =	simm.s32 $0x5E00;
	[dreg:$0x14] =	wrdreg s11  }
0x16: {  	s13 =	simm.s32 $0x6200;
	[dreg:$0x15] =	wrdreg s12  }
0x17: {  	s14 =	simm.s32 $0x6A00;
	[dreg:$0x16] =	wrdreg s13  }
0x18: {  	s15 =	simm.s32 $0x6E00;
	s3 =	sadd.s32 s3, s4;
	[dreg:$0x17] =	wrdreg s14  }
0x19: {  	s17 =	sadd.s32 $0x12, s3;
	[dreg:$0x18] =	wrdreg s15  }
0x1a: {  	s19 =	simm.s32 $0x8600;
	[dreg:$0x3] =	wrdreg s17  }
0x1b: {  	s20 =	simm.s32 $0x8E00;
	[dreg:$0x1c] =	wrdreg s19  }
0x1c: {  	s21 =	simm.s32 $0x9200;
	[dreg:$0x1d] =	wrdreg s20  }
0x1d: {  	s22 =	simm.s32 $0x9A00;
	[dreg:$0x1e] =	wrdreg s21  }
0x1e: {  	s23 =	simm.s32 $0x9E00;
	[dreg:$0x1f] =	wrdreg s22  }
0x1f: {  	s24 =	simm.s32 $0xA600;
	[smem:$0x7E4] =	sst s23  }
0x20: {  	s25 =	simm.s32 $0xAA00;
	[smem:$0x7E5] =	sst s24  }
0x21: {  	s26 =	simm.s32 $0xB200;
	[smem:$0x7E6] =	sst s25  }
0x22: {  	s0 =	simm.s32 $0xB600;
	[smem:$0x7E7] =	sst s26  }
0x23: {  	s28 =	simm.s32 $0x1A600;
	s7 =	simm.s32 $0xC200;
	[smem:$0x7E8] =	sst s0  }
0x24: {  	s29 =	simm.s32 $0x1AE00;
	s8 =	simm.s32 $0xCA00;
	[smem:$0x7EA] =	sst s7  }
0x25: {  	s30 =	simm.s32 $0x1;
	s9 =	simm.s32 $0xCE00;
	[smem:$0x7EB] =	sst s8  }
0x26: {  	s31 =	simm.s32 $0x2;
	s10 =	simm.s32 $0xD600;
	[smem:$0x7EC] =	sst s9  }
0x27: {  	s5 =	ssub.s32 $0x2, s5;
	s11 =	simm.s32 $0xE200;
	[smem:$0x7ED] =	sst s10  }
0x28: {  	s6 =	smul.u32 $0x180, s4;
	s12 =	simm.s32 $0xE600;
	[smem:$0x7EE] =	sst s11  }
0x29: {  	s13 =	simm.s32 $0xEE00;
	s14 =	simm.s32 $0xF200;
	[smem:$0x7EF] =	sst s12  }
0x2a: {  	s15 =	simm.s32 $0xFA00;
	s16 =	sadd.s32 s6, s1;
	[smem:$0x7F0] =	sst s13  }
0x2b: {  	s6 =	simm.s32 $0x3A00;
	s17 =	simm.s32 $0x7A00;
	[smem:$0x7F1] =	sst s14  }
0x2c: {  	[smem:$0x7F2] =	sst s15;
	s19 =	simm.s32 $0x11200;
	s20 =	simm.s32 $0x11600  }
0x2d: {  	s7 =	sshrl.u32 s5, $0x1;
	s21 =	simm.s32 $0x11E00;
	s22 =	simm.s32 $0x12200  }
0x2e: {  	s23 =	simm.s32 $0x12A00;
	s24 =	simm.s32 $0x12E00;
	[dreg:$0xf] =	wrdreg s6  }
0x2f: {  	s25 =	simm.s32 $0x13600;
	s8 =	simm.s32 $0x200;
	[dreg:$0x1a] =	wrdreg s17  }
0x30: {  	s26 =	simm.s32 $0x13A00;
	s9 =	simm.s32 $0xDA00;
	[smem:$0x7F6] =	sst s19  }
0x31: {  	s11 =	simm.s32 $0x14600;
	s12 =	simm.s32 $0x14E00;
	[smem:$0x7F7] =	sst s20  }
0x32: {  	s13 =	simm.s32 $0x15200;
	s14 =	simm.s32 $0x15A00;
	[smem:$0x7F8] =	sst s21  }
0x33: {  	s15 =	simm.s32 $0x15E00;
	s18 =	sadd.s32 $0xC0A00, s16;
	[smem:$0x7F9] =	sst s22  }
0x34: {  	s4 =	sadd.s32 $0xC2500, s16;
	s16 =	simm.s32 $0x7600;
	[smem:$0x7FA] =	sst s23  }
0x35: {  	s6 =	simm.s32 $0xBE00;
	s17 =	simm.s32 $0x10600;
	[smem:$0x7FB] =	sst s24  }
0x36: {  	s7 =	ssub.s32 s5, s7;
	s5 =	sadd.s32 $0xB00, s1;
	[smem:$0x7FC] =	sst s25  }
0x37: {  	[smem:$0x7FD] =	sst s26;
	s19 =	simm.s32 $0x17600;
	s20 =	simm.s32 $0x17E00  }
0x38: {  	s21 =	simm.s32 $0x18200;
	s22 =	simm.s32 $0x18A00;
	[dreg:$0x4] =	wrdreg s18  }
0x39: {  	s23 =	simm.s32 $0x18E00;
	s24 =	simm.s32 $0x19600;
	[dreg:$0x5] =	wrdreg s4  }
0x3a: {  	s25 =	simm.s32 $0x19A00;
	s26 =	simm.s32 $0x1A200;
	[dreg:$0x19] =	wrdreg s16  }
0x3b: {  	s18 =	simm.s32 $0x8200;
	[smem:$0x7E9] =	sst s6;
	s16 =	simm.s32 $0xFE00  }
0x3c: {  	[smem:$0x7F4] =	sst s17;
	s4 =	sadd.s32 $0xA00, s1;
	s6 =	smax.u32 s7, $0x1  }
0x3d: {  	v2 =	vlaneseq.u32;
	s7 =	simm.s32 $0x4;
	s17 =	simm.s32 $0x16A00;
	[dreg:$0x1b] =	wrdreg s18  }
0x3e: {  	vm0 =	vmmov $0xffff;
	vm1 =	vmmov $0xff;
	v1 =	vshrl.u32 v2, $0x3;
	s1 =	simm.s32 $0x3;
	[smem:$0x7F3] =	sst s16;
	s18 =	simm.s32 $0x10A00  }
0x3f: {  	v0 =	vand.u32 $0x7, v2;
	v2 =	vor.u32 $0x8, v2;
	v1 =	vmul.u32 $0x8, v1;
	s16 =	simm.s32 $0x16600;
	[smem:$0x7F5] =	sst s18;
	s18 =	simm.s32 $0x17200  }
.LBB2_1:
0x40: {  	[tilespmem:s2], [sflag:$0x4] =	stream.linear.gather [hbm4b:s3+s2], $0x90, $0x38;
	[tilespmem:$0x1B200] =	vst v63  }
0x41: {  	_ =	swait.ge [sflag:s7], $0x90  }
0x42: {  	s0 =	rddreg [dreg:$0x3];
	[sflag:s7] =	ssyncset.done $0x0  }
0x43: {  	s10 =	rddreg [dreg:$0x6];
	[sflag:s7] =	ssyncadd.s32 $0xFFFFFF70  }
0x44: {  	[tilespmem:s10], [sflag:$0x4] =	stream.linear.gather [hbm4b:s0+s2], $0x90, $0x38;
	[tilespmem:$0x1B200] =	vst v63  }
0x45: {  	_ =	swait.ge [sflag:s7], $0x90  }
0x46: {  	[sflag:s7] =	ssyncset.done $0x0  }
0x47: {  	[sflag:s7] =	ssyncadd.s32 $0xFFFFFF70  }
0x48: {  	v3 =	vld [tilespmem:$0x0];
	_ =	sdelay $0x4  }
0x49: {  	v4 =	vshrl.u32 v3, $0x3  }
0x4a: {  	v4 =	vmul.u32 $0x18, v4  }
0x4b: {  	v3 =	vand.u32 $0x7, v3  }
0x4c: {  	v3 =	vor.u32 v3, v4  }
0x4d: {  	v4 =	vperm.xlane v3, v0;
	_ =	sdelay $0x1  }
0x4e: {  	v4 =	vadd.s32 v1, v4;
	_ =	sdelay $0x1  }
0x4f: {  	v3 =	vperm.xlane v3, v2;
	_ =	sdelay $0x1  }
0x50: {  	v3 =	vadd.s32 v1, v3  }
0x51: {  	[tilespmem:s8], [sflag:$0x1] =	stream.indirect_vreg.gather [hbm4b:s4+s2], $0x80, v4, vm0, $0xb8;
	[tilespmem:$0x1B200] =	vst v63  }
0x52: {  	s0 =	rddreg [dreg:$0x7]  }
0x53: {  	[tilespmem:s0], [sflag:$0x1] =	stream.indirect_vreg.gather [hbm4b:s5+s2], $0x80, v4, vm1, $0xb8;
	[tilespmem:$0x1B200] =	vst v63  }
0x54: {  	s10 =	rddreg [dreg:$0x8]  }
0x55: {  	[tilespmem:s10], [sflag:$0x1] =	stream.indirect_vreg.gather [hbm4b:s4+s2], $0x80, v3, vm0, $0xb8;
	[tilespmem:$0x1B200] =	vst v63  }
0x56: {  	s0 =	rddreg [dreg:$0x9]  }
0x57: {  	[tilespmem:s0], [sflag:$0x1] =	stream.indirect_vreg.gather [hbm4b:s5+s2], $0x80, v3, vm1, $0xb8;
	[tilespmem:$0x1B200] =	vst v63  }
0x58: {  	v3 =	vld [tilespmem:$0x10];
	_ =	sdelay $0x4  }
0x59: {  	v47 =	vshrl.u32 v3, $0x3  }
0x5a: {  	v4 =	vmul.u32 $0x18, v47  }
0x5b: {  	v3 =	vand.u32 $0x7, v3  }
0x5c: {  	v3 =	vor.u32 v3, v4  }
0x5d: {  	v4 =	vperm.xlane v3, v0;
	_ =	sdelay $0x1  }
0x5e: {  	v4 =	vadd.s32 v1, v4;
	_ =	sdelay $0x1  }
0x5f: {  	v3 =	vperm.xlane v3, v2;
	_ =	sdelay $0x1  }
0x60: {  	s0 =	rddreg [dreg:$0xa];
	v3 =	vadd.s32 v1, v3  }
0x61: {  	[tilespmem:s0], [sflag:$0x1] =	stream.indirect_vreg.gather [hbm4b:s4+s2], $0x80, v4, vm0, $0xb8;
	[tilespmem:$0x1B200] =	vst v63  }
0x62: {  	s10 =	rddreg [dreg:$0xb]  }
0x63: {  	[tilespmem:s10], [sflag:$0x1] =	stream.indirect_vreg.gather [hbm4b:s5+s2], $0x80, v4, vm1, $0xb8;
	[tilespmem:$0x1B200] =	vst v63  }
0x64: {  	s0 =	rddreg [dreg:$0xc]  }
0x65: {  	[tilespmem:s0], [sflag:$0x1] =	stream.indirect_vreg.gather [hbm4b:s4+s2], $0x80, v3, vm0, $0xb8;
	[tilespmem:$0x1B200] =	vst v63  }
0x66: {  	s10 =	rddreg [dreg:$0xd]  }
0x67: {  	[tilespmem:s10], [sflag:$0x1] =	stream.indirect_vreg.gather [hbm4b:s5+s2], $0x80, v3, vm1, $0xb8;
	[tilespmem:$0x1B200] =	vst v63  }
0x68: {  	v3 =	vld [tilespmem:$0x20];
	_ =	sdelay $0x4  }
0x69: {  	v48 =	vshrl.u32 v3, $0x3  }
0x6a: {  	v4 =	vmul.u32 $0x18, v48  }
0x6b: {  	v3 =	vand.u32 $0x7, v3  }
0x6c: {  	v3 =	vor.u32 v3, v4  }
0x6d: {  	v4 =	vperm.xlane v3, v0;
	_ =	sdelay $0x1  }
0x6e: {  	v4 =	vadd.s32 v1, v4;
	_ =	sdelay $0x1  }
0x6f: {  	v3 =	vperm.xlane v3, v2;
	_ =	sdelay $0x1  }
0x70: {  	s0 =	rddreg [dreg:$0xe];
	v3 =	vadd.s32 v1, v3  }
0x71: {  	[tilespmem:s0], [sflag:$0x1] =	stream.indirect_vreg.gather [hbm4b:s4+s2], $0x80, v4, vm0, $0xb8;
	[tilespmem:$0x1B200] =	vst v63  }
0x72: {  	s10 =	rddreg [dreg:$0xf]  }
0x73: {  	[tilespmem:s10], [sflag:$0x1] =	stream.indirect_vreg.gather [hbm4b:s5+s2], $0x80, v4, vm1, $0xb8;
	[tilespmem:$0x1B200] =	vst v63  }
0x74: {  	s0 =	rddreg [dreg:$0x10]  }
0x75: {  	[tilespmem:s0], [sflag:$0x1] =	stream.indirect_vreg.gather [hbm4b:s4+s2], $0x80, v3, vm0, $0xb8;
	[tilespmem:$0x1B200] =	vst v63  }
0x76: {  	s10 =	rddreg [dreg:$0x11]  }
0x77: {  	[tilespmem:s10], [sflag:$0x1] =	stream.indirect_vreg.gather [hbm4b:s5+s2], $0x80, v3, vm1, $0xb8;
	[tilespmem:$0x1B200] =	vst v63  }
0x78: {  	v3 =	vld [tilespmem:$0x30];
	_ =	sdelay $0x4  }
0x79: {  	v49 =	vshrl.u32 v3, $0x3  }
0x7a: {  	v4 =	vmul.u32 $0x18, v49  }
0x7b: {  	v3 =	vand.u32 $0x7, v3  }
0x7c: {  	v3 =	vor.u32 v3, v4  }
0x7d: {  	v4 =	vperm.xlane v3, v0;
	_ =	sdelay $0x1  }
0x7e: {  	v4 =	vadd.s32 v1, v4;
	_ =	sdelay $0x1  }
0x7f: {  	v3 =	vperm.xlane v3, v2;
	_ =	sdelay $0x1  }
0x80: {  	s0 =	rddreg [dreg:$0x12];
	v3 =	vadd.s32 v1, v3  }
0x81: {  	[tilespmem:s0], [sflag:$0x1] =	stream.indirect_vreg.gather [hbm4b:s4+s2], $0x80, v4, vm0, $0xb8;
	[tilespmem:$0x1B200] =	vst v63  }
0x82: {  	s10 =	rddreg [dreg:$0x13]  }
0x83: {  	[tilespmem:s10], [sflag:$0x1] =	stream.indirect_vreg.gather [hbm4b:s5+s2], $0x80, v4, vm1, $0xb8;
	[tilespmem:$0x1B200] =	vst v63  }
0x84: {  	s0 =	rddreg [dreg:$0x14]  }
0x85: {  	[tilespmem:s0], [sflag:$0x1] =	stream.indirect_vreg.gather [hbm4b:s4+s2], $0x80, v3, vm0, $0xb8;
	[tilespmem:$0x1B200] =	vst v63  }
0x86: {  	s10 =	rddreg [dreg:$0x15]  }
0x87: {  	[tilespmem:s10], [sflag:$0x1] =	stream.indirect_vreg.gather [hbm4b:s5+s2], $0x80, v3, vm1, $0xb8;
	[tilespmem:$0x1B200] =	vst v63  }
0x88: {  	v3 =	vld [tilespmem:$0x40];
	_ =	sdelay $0x4  }
0x89: {  	v50 =	vshrl.u32 v3, $0x3  }
0x8a: {  	v4 =	vmul.u32 $0x18, v50  }
0x8b: {  	v3 =	vand.u32 $0x7, v3  }
0x8c: {  	v3 =	vor.u32 v3, v4  }
0x8d: {  	v4 =	vperm.xlane v3, v0;
	_ =	sdelay $0x1  }
0x8e: {  	v4 =	vadd.s32 v1, v4;
	_ =	sdelay $0x1  }
0x8f: {  	v3 =	vperm.xlane v3, v2;
	_ =	sdelay $0x1  }
0x90: {  	s0 =	rddreg [dreg:$0x16];
	v3 =	vadd.s32 v1, v3  }
0x91: {  	[tilespmem:s0], [sflag:$0x1] =	stream.indirect_vreg.gather [hbm4b:s4+s2], $0x80, v4, vm0, $0xb8;
	[tilespmem:$0x1B200] =	vst v63  }
0x92: {  	s10 =	rddreg [dreg:$0x17]  }
0x93: {  	[tilespmem:s10], [sflag:$0x1] =	stream.indirect_vreg.gather [hbm4b:s5+s2], $0x80, v4, vm1, $0xb8;
	[tilespmem:$0x1B200] =	vst v63  }
0x94: {  	s0 =	rddreg [dreg:$0x18]  }
0x95: {  	[tilespmem:s0], [sflag:$0x1] =	stream.indirect_vreg.gather [hbm4b:s4+s2], $0x80, v3, vm0, $0xb8;
	[tilespmem:$0x1B200] =	vst v63  }
0x96: {  	s10 =	rddreg [dreg:$0x19]  }
0x97: {  	[tilespmem:s10], [sflag:$0x1] =	stream.indirect_vreg.gather [hbm4b:s5+s2], $0x80, v3, vm1, $0xb8;
	[tilespmem:$0x1B200] =	vst v63  }
0x98: {  	v3 =	vld [tilespmem:$0x50];
	_ =	sdelay $0x4  }
0x99: {  	v51 =	vshrl.u32 v3, $0x3  }
0x9a: {  	v4 =	vmul.u32 $0x18, v51  }
0x9b: {  	v3 =	vand.u32 $0x7, v3  }
0x9c: {  	v3 =	vor.u32 v3, v4  }
0x9d: {  	v4 =	vperm.xlane v3, v0;
	_ =	sdelay $0x1  }
0x9e: {  	v4 =	vadd.s32 v1, v4;
	_ =	sdelay $0x1  }
0x9f: {  	v3 =	vperm.xlane v3, v2;
	_ =	sdelay $0x1  }
0xa0: {  	s0 =	rddreg [dreg:$0x1a];
	v3 =	vadd.s32 v1, v3  }
0xa1: {  	[tilespmem:s0], [sflag:$0x1] =	stream.indirect_vreg.gather [hbm4b:s4+s2], $0x80, v4, vm0, $0xb8;
	[tilespmem:$0x1B200] =	vst v63  }
0xa2: {  	s10 =	rddreg [dreg:$0x1b]  }
0xa3: {  	[tilespmem:s10], [sflag:$0x1] =	stream.indirect_vreg.gather [hbm4b:s5+s2], $0x80, v4, vm1, $0xb8;
	[tilespmem:$0x1B200] =	vst v63  }
0xa4: {  	s0 =	rddreg [dreg:$0x1c]  }
0xa5: {  	[tilespmem:s0], [sflag:$0x1] =	stream.indirect_vreg.gather [hbm4b:s4+s2], $0x80, v3, vm0, $0xb8;
	[tilespmem:$0x1B200] =	vst v63  }
0xa6: {  	s10 =	rddreg [dreg:$0x1d]  }
0xa7: {  	[tilespmem:s10], [sflag:$0x1] =	stream.indirect_vreg.gather [hbm4b:s5+s2], $0x80, v3, vm1, $0xb8;
	[tilespmem:$0x1B200] =	vst v63  }
0xa8: {  	v3 =	vld [tilespmem:$0x60];
	_ =	sdelay $0x4  }
0xa9: {  	v52 =	vshrl.u32 v3, $0x3  }
0xaa: {  	v4 =	vmul.u32 $0x18, v52  }
0xab: {  	v3 =	vand.u32 $0x7, v3  }
0xac: {  	v3 =	vor.u32 v3, v4  }
0xad: {  	v4 =	vperm.xlane v3, v0;
	_ =	sdelay $0x1  }
0xae: {  	v4 =	vadd.s32 v1, v4;
	_ =	sdelay $0x1  }
0xaf: {  	v3 =	vperm.xlane v3, v2  }
0xb0: {  	s0 =	rddreg [dreg:$0x1e]  }
0xb1: {  	s10 =	rddreg [dreg:$0x1f];
	v3 =	vadd.s32 v1, v3  }
0xb2: {  	[tilespmem:s0], [sflag:$0x1] =	stream.indirect_vreg.gather [hbm4b:s4+s2], $0x80, v4, vm0, $0xb8;
	[tilespmem:$0x1B200] =	vst v63  }
0xb3: {  	s0 =	sld [smem:$0x7E4]  }
0xb4: {  	[tilespmem:s10], [sflag:$0x1] =	stream.indirect_vreg.gather [hbm4b:s5+s2], $0x80, v4, vm1, $0xb8;
	[tilespmem:$0x1B200] =	vst v63  }
0xb5: {  	s10 =	sld [smem:$0x7E5]  }
0xb6: {  	[tilespmem:s0], [sflag:$0x1] =	stream.indirect_vreg.gather [hbm4b:s4+s2], $0x80, v3, vm0, $0xb8;
	[tilespmem:$0x1B200] =	vst v63  }
0xb7: {  	_ = 	snop  }
0xb8: {  	[tilespmem:s10], [sflag:$0x1] =	stream.indirect_vreg.gather [hbm4b:s5+s2], $0x80, v3, vm1, $0xb8;
	[tilespmem:$0x1B200] =	vst v63  }
0xb9: {  	v3 =	vld [tilespmem:$0x70];
	_ =	sdelay $0x4  }
0xba: {  	v53 =	vshrl.u32 v3, $0x3  }
0xbb: {  	v4 =	vmul.u32 $0x18, v53  }
0xbc: {  	v3 =	vand.u32 $0x7, v3  }
0xbd: {  	v3 =	vor.u32 v3, v4  }
0xbe: {  	v4 =	vperm.xlane v3, v0;
	_ =	sdelay $0x1  }
0xbf: {  	v4 =	vadd.s32 v1, v4;
	_ =	sdelay $0x1  }
0xc0: {  	s0 =	sld [smem:$0x7E6];
	v3 =	vperm.xlane v3, v2;
	_ =	sdelay $0x1  }
0xc1: {  	s10 =	sld [smem:$0x7E7];
	v3 =	vadd.s32 v1, v3  }
0xc2: {  	[tilespmem:s0], [sflag:$0x1] =	stream.indirect_vreg.gather [hbm4b:s4+s2], $0x80, v4, vm0, $0xb8;
	[tilespmem:$0x1B200] =	vst v63  }
0xc3: {  	s0 =	sld [smem:$0x7E8]  }
0xc4: {  	[tilespmem:s10], [sflag:$0x1] =	stream.indirect_vreg.gather [hbm4b:s5+s2], $0x80, v4, vm1, $0xb8;
	[tilespmem:$0x1B200] =	vst v63  }
0xc5: {  	s10 =	sld [smem:$0x7E9]  }
0xc6: {  	[tilespmem:s0], [sflag:$0x1] =	stream.indirect_vreg.gather [hbm4b:s4+s2], $0x80, v3, vm0, $0xb8;
	[tilespmem:$0x1B200] =	vst v63  }
0xc7: {  	_ = 	snop  }
0xc8: {  	[tilespmem:s10], [sflag:$0x1] =	stream.indirect_vreg.gather [hbm4b:s5+s2], $0x80, v3, vm1, $0xb8;
	[tilespmem:$0x1B200] =	vst v63  }
0xc9: {  	v3 =	vld [tilespmem:$0x80];
	_ =	sdelay $0x4  }
0xca: {  	v54 =	vshrl.u32 v3, $0x3  }
0xcb: {  	v4 =	vmul.u32 $0x18, v54  }
0xcc: {  	v3 =	vand.u32 $0x7, v3  }
0xcd: {  	v3 =	vor.u32 v3, v4  }
0xce: {  	v4 =	vperm.xlane v3, v0;
	_ =	sdelay $0x1  }
0xcf: {  	v4 =	vadd.s32 v1, v4;
	_ =	sdelay $0x1  }
0xd0: {  	s0 =	sld [smem:$0x7EA];
	v3 =	vperm.xlane v3, v2;
	_ =	sdelay $0x1  }
0xd1: {  	s10 =	sld [smem:$0x7EB];
	v3 =	vadd.s32 v1, v3  }
0xd2: {  	[tilespmem:s0], [sflag:$0x1] =	stream.indirect_vreg.gather [hbm4b:s4+s2], $0x80, v4, vm0, $0xb8;
	[tilespmem:$0x1B200] =	vst v63  }
0xd3: {  	s0 =	sld [smem:$0x7EC]  }
0xd4: {  	[tilespmem:s10], [sflag:$0x1] =	stream.indirect_vreg.gather [hbm4b:s5+s2], $0x80, v4, vm1, $0xb8;
	[tilespmem:$0x1B200] =	vst v63  }
0xd5: {  	s10 =	sld [smem:$0x7ED]  }
0xd6: {  	[tilespmem:s0], [sflag:$0x1] =	stream.indirect_vreg.gather [hbm4b:s4+s2], $0x80, v3, vm0, $0xb8;
	[tilespmem:$0x1B200] =	vst v63  }
0xd7: {  	_ = 	snop  }
0xd8: {  	[tilespmem:s10], [sflag:$0x1] =	stream.indirect_vreg.gather [hbm4b:s5+s2], $0x80, v3, vm1, $0xb8;
	[tilespmem:$0x1B200] =	vst v63  }
0xd9: {  	v3 =	vld [tilespmem:$0x100];
	_ =	sdelay $0x4  }
0xda: {  	v55 =	vshrl.u32 v3, $0x3  }
0xdb: {  	v4 =	vmul.u32 $0x18, v55  }
0xdc: {  	v3 =	vand.u32 $0x7, v3  }
0xdd: {  	v3 =	vor.u32 v3, v4  }
0xde: {  	v4 =	vperm.xlane v3, v0;
	_ =	sdelay $0x1  }
0xdf: {  	v4 =	vadd.s32 v1, v4;
	_ =	sdelay $0x1  }
0xe0: {  	v3 =	vperm.xlane v3, v2;
	_ =	sdelay $0x1  }
0xe1: {  	s0 =	sld [smem:$0x7EE];
	v3 =	vadd.s32 v1, v3  }
0xe2: {  	[tilespmem:s9], [sflag:$0x2] =	stream.indirect_vreg.gather [hbm4b:s4+s2], $0x80, v4, vm0, $0xb8;
	[tilespmem:$0x1B200] =	vst v63  }
0xe3: {  	s10 =	sld [smem:$0x7EF]  }
0xe4: {  	[tilespmem:s0], [sflag:$0x2] =	stream.indirect_vreg.gather [hbm4b:s5+s2], $0x80, v4, vm1, $0xb8;
	[tilespmem:$0x1B200] =	vst v63  }
0xe5: {  	s0 =	sld [smem:$0x7F0]  }
0xe6: {  	[tilespmem:s10], [sflag:$0x2] =	stream.indirect_vreg.gather [hbm4b:s4+s2], $0x80, v3, vm0, $0xb8;
	[tilespmem:$0x1B200] =	vst v63  }
0xe7: {  	_ = 	snop  }
0xe8: {  	[tilespmem:s0], [sflag:$0x2] =	stream.indirect_vreg.gather [hbm4b:s5+s2], $0x80, v3, vm1, $0xb8;
	[tilespmem:$0x1B200] =	vst v63  }
0xe9: {  	v3 =	vld [tilespmem:$0x110];
	_ =	sdelay $0x4  }
0xea: {  	v56 =	vshrl.u32 v3, $0x3  }
0xeb: {  	v4 =	vmul.u32 $0x18, v56  }
0xec: {  	v3 =	vand.u32 $0x7, v3  }
0xed: {  	v3 =	vor.u32 v3, v4  }
0xee: {  	v4 =	vperm.xlane v3, v0;
	_ =	sdelay $0x1  }
0xef: {  	v4 =	vadd.s32 v1, v4;
	_ =	sdelay $0x1  }
0xf0: {  	s0 =	sld [smem:$0x7F1];
	v3 =	vperm.xlane v3, v2;
	_ =	sdelay $0x1  }
0xf1: {  	s10 =	sld [smem:$0x7F2];
	v3 =	vadd.s32 v1, v3  }
0xf2: {  	[tilespmem:s0], [sflag:$0x2] =	stream.indirect_vreg.gather [hbm4b:s4+s2], $0x80, v4, vm0, $0xb8;
	[tilespmem:$0x1B200] =	vst v63  }
0xf3: {  	s0 =	sld [smem:$0x7F3]  }
0xf4: {  	[tilespmem:s10], [sflag:$0x2] =	stream.indirect_vreg.gather [hbm4b:s5+s2], $0x80, v4, vm1, $0xb8;
	[tilespmem:$0x1B200] =	vst v63  }
0xf5: {  	s10 =	sld [smem:$0x7F4]  }
0xf6: {  	[tilespmem:s0], [sflag:$0x2] =	stream.indirect_vreg.gather [hbm4b:s4+s2], $0x80, v3, vm0, $0xb8;
	[tilespmem:$0x1B200] =	vst v63  }
0xf7: {  	_ = 	snop  }
0xf8: {  	[tilespmem:s10], [sflag:$0x2] =	stream.indirect_vreg.gather [hbm4b:s5+s2], $0x80, v3, vm1, $0xb8;
	[tilespmem:$0x1B200] =	vst v63  }
0xf9: {  	v3 =	vld [tilespmem:$0x120];
	_ =	sdelay $0x4  }
0xfa: {  	v57 =	vshrl.u32 v3, $0x3  }
0xfb: {  	v4 =	vmul.u32 $0x18, v57  }
0xfc: {  	v3 =	vand.u32 $0x7, v3  }
0xfd: {  	v3 =	vor.u32 v3, v4  }
0xfe: {  	v4 =	vperm.xlane v3, v0;
	_ =	sdelay $0x1  }
0xff: {  	v4 =	vadd.s32 v1, v4;
	_ =	sdelay $0x1  }
0x100: {  	s0 =	sld [smem:$0x7F5];
	v3 =	vperm.xlane v3, v2;
	_ =	sdelay $0x1  }
0x101: {  	s10 =	sld [smem:$0x7F6];
	v3 =	vadd.s32 v1, v3  }
0x102: {  	[tilespmem:s0], [sflag:$0x2] =	stream.indirect_vreg.gather [hbm4b:s4+s2], $0x80, v4, vm0, $0xb8;
	[tilespmem:$0x1B200] =	vst v63  }
0x103: {  	s0 =	sld [smem:$0x7F7]  }
0x104: {  	[tilespmem:s10], [sflag:$0x2] =	stream.indirect_vreg.gather [hbm4b:s5+s2], $0x80, v4, vm1, $0xb8;
	[tilespmem:$0x1B200] =	vst v63  }
0x105: {  	s10 =	sld [smem:$0x7F8]  }
0x106: {  	[tilespmem:s0], [sflag:$0x2] =	stream.indirect_vreg.gather [hbm4b:s4+s2], $0x80, v3, vm0, $0xb8;
	[tilespmem:$0x1B200] =	vst v63  }
0x107: {  	_ = 	snop  }
0x108: {  	[tilespmem:s10], [sflag:$0x2] =	stream.indirect_vreg.gather [hbm4b:s5+s2], $0x80, v3, vm1, $0xb8;
	[tilespmem:$0x1B200] =	vst v63  }
0x109: {  	v3 =	vld [tilespmem:$0x130];
	_ =	sdelay $0x4  }
0x10a: {  	v58 =	vshrl.u32 v3, $0x3  }
0x10b: {  	v4 =	vmul.u32 $0x18, v58  }
0x10c: {  	v3 =	vand.u32 $0x7, v3  }
0x10d: {  	v3 =	vor.u32 v3, v4  }
0x10e: {  	v4 =	vperm.xlane v3, v0;
	_ =	sdelay $0x1  }
0x10f: {  	v4 =	vadd.s32 v1, v4;
	_ =	sdelay $0x1  }
0x110: {  	s0 =	sld [smem:$0x7F9];
	v3 =	vperm.xlane v3, v2;
	_ =	sdelay $0x1  }
0x111: {  	s10 =	sld [smem:$0x7FA];
	v3 =	vadd.s32 v1, v3  }
0x112: {  	[tilespmem:s0], [sflag:$0x2] =	stream.indirect_vreg.gather [hbm4b:s4+s2], $0x80, v4, vm0, $0xb8;
	[tilespmem:$0x1B200] =	vst v63  }
0x113: {  	s0 =	sld [smem:$0x7FB]  }
0x114: {  	[tilespmem:s10], [sflag:$0x2] =	stream.indirect_vreg.gather [hbm4b:s5+s2], $0x80, v4, vm1, $0xb8;
	[tilespmem:$0x1B200] =	vst v63  }
0x115: {  	s10 =	sld [smem:$0x7FC]  }
0x116: {  	[tilespmem:s0], [sflag:$0x2] =	stream.indirect_vreg.gather [hbm4b:s4+s2], $0x80, v3, vm0, $0xb8;
	[tilespmem:$0x1B200] =	vst v63  }
0x117: {  	_ = 	snop  }
0x118: {  	[tilespmem:s10], [sflag:$0x2] =	stream.indirect_vreg.gather [hbm4b:s5+s2], $0x80, v3, vm1, $0xb8;
	[tilespmem:$0x1B200] =	vst v63  }
0x119: {  	v3 =	vld [tilespmem:$0x140];
	_ =	sdelay $0x4  }
0x11a: {  	v59 =	vshrl.u32 v3, $0x3  }
0x11b: {  	v4 =	vmul.u32 $0x18, v59  }
0x11c: {  	v3 =	vand.u32 $0x7, v3  }
0x11d: {  	v3 =	vor.u32 v3, v4  }
0x11e: {  	v4 =	vperm.xlane v3, v0;
	_ =	sdelay $0x1  }
0x11f: {  	v4 =	vadd.s32 v1, v4;
	_ =	sdelay $0x1  }
0x120: {  	s10 =	sld [smem:$0x7FD];
	v3 =	vperm.xlane v3, v2;
	_ =	sdelay $0x1  }
0x121: {  	v3 =	vadd.s32 v1, v3  }
0x122: {  	[tilespmem:s10], [sflag:$0x2] =	stream.indirect_vreg.gather [hbm4b:s4+s2], $0x80, v4, vm0, $0xb8;
	[tilespmem:$0x1B200] =	vst v63  }
0x123: {  	s10 =	simm.s32 $0x14200  }
0x124: {  	[tilespmem:s10], [sflag:$0x2] =	stream.indirect_vreg.gather [hbm4b:s5+s2], $0x80, v4, vm1, $0xb8;
	[tilespmem:$0x1B200] =	vst v63  }
0x125: {  	_ = 	snop  }
0x126: {  	[tilespmem:s11], [sflag:$0x2] =	stream.indirect_vreg.gather [hbm4b:s4+s2], $0x80, v3, vm0, $0xb8;
	[tilespmem:$0x1B200] =	vst v63  }
0x127: {  	_ = 	snop  }
0x128: {  	[tilespmem:s12], [sflag:$0x2] =	stream.indirect_vreg.gather [hbm4b:s5+s2], $0x80, v3, vm1, $0xb8;
	[tilespmem:$0x1B200] =	vst v63  }
0x129: {  	v3 =	vld [tilespmem:$0x150];
	_ =	sdelay $0x4  }
0x12a: {  	v60 =	vshrl.u32 v3, $0x3  }
0x12b: {  	v4 =	vmul.u32 $0x18, v60  }
0x12c: {  	v3 =	vand.u32 $0x7, v3  }
0x12d: {  	v3 =	vor.u32 v3, v4  }
0x12e: {  	v4 =	vperm.xlane v3, v0;
	_ =	sdelay $0x1  }
0x12f: {  	v4 =	vadd.s32 v1, v4;
	_ =	sdelay $0x1  }
0x130: {  	v3 =	vperm.xlane v3, v2;
	_ =	sdelay $0x1  }
0x131: {  	v3 =	vadd.s32 v1, v3  }
0x132: {  	[tilespmem:s13], [sflag:$0x2] =	stream.indirect_vreg.gather [hbm4b:s4+s2], $0x80, v4, vm0, $0xb8;
	[tilespmem:$0x1B200] =	vst v63  }
0x133: {  	_ = 	snop  }
0x134: {  	[tilespmem:s14], [sflag:$0x2] =	stream.indirect_vreg.gather [hbm4b:s5+s2], $0x80, v4, vm1, $0xb8;
	[tilespmem:$0x1B200] =	vst v63  }
0x135: {  	_ = 	snop  }
0x136: {  	[tilespmem:s15], [sflag:$0x2] =	stream.indirect_vreg.gather [hbm4b:s4+s2], $0x80, v3, vm0, $0xb8;
	[tilespmem:$0x1B200] =	vst v63  }
0x137: {  	_ = 	snop  }
0x138: {  	[tilespmem:s16], [sflag:$0x2] =	stream.indirect_vreg.gather [hbm4b:s5+s2], $0x80, v3, vm1, $0xb8;
	[tilespmem:$0x1B200] =	vst v63  }
0x139: {  	v3 =	vld [tilespmem:$0x160];
	_ =	sdelay $0x4  }
0x13a: {  	v61 =	vshrl.u32 v3, $0x3  }
0x13b: {  	v4 =	vmul.u32 $0x18, v61  }
0x13c: {  	v3 =	vand.u32 $0x7, v3  }
0x13d: {  	v3 =	vor.u32 v3, v4  }
0x13e: {  	v4 =	vperm.xlane v3, v0;
	_ =	sdelay $0x1  }
0x13f: {  	v4 =	vadd.s32 v1, v4;
	_ =	sdelay $0x1  }
0x140: {  	v3 =	vperm.xlane v3, v2;
	_ =	sdelay $0x1  }
0x141: {  	v3 =	vadd.s32 v1, v3  }
0x142: {  	[tilespmem:s17], [sflag:$0x2] =	stream.indirect_vreg.gather [hbm4b:s4+s2], $0x80, v4, vm0, $0xb8;
	[tilespmem:$0x1B200] =	vst v63  }
0x143: {  	_ = 	snop  }
0x144: {  	[tilespmem:s18], [sflag:$0x2] =	stream.indirect_vreg.gather [hbm4b:s5+s2], $0x80, v4, vm1, $0xb8;
	[tilespmem:$0x1B200] =	vst v63  }
0x145: {  	_ = 	snop  }
0x146: {  	[tilespmem:s19], [sflag:$0x2] =	stream.indirect_vreg.gather [hbm4b:s4+s2], $0x80, v3, vm0, $0xb8;
	[tilespmem:$0x1B200] =	vst v63  }
0x147: {  	_ = 	snop  }
0x148: {  	[tilespmem:s20], [sflag:$0x2] =	stream.indirect_vreg.gather [hbm4b:s5+s2], $0x80, v3, vm1, $0xb8;
	[tilespmem:$0x1B200] =	vst v63  }
0x149: {  	v3 =	vld [tilespmem:$0x170];
	_ =	sdelay $0x4  }
0x14a: {  	v62 =	vshrl.u32 v3, $0x3  }
0x14b: {  	v4 =	vmul.u32 $0x18, v62  }
0x14c: {  	v3 =	vand.u32 $0x7, v3  }
0x14d: {  	v3 =	vor.u32 v3, v4  }
0x14e: {  	v4 =	vperm.xlane v3, v0;
	_ =	sdelay $0x1  }
0x14f: {  	v4 =	vadd.s32 v1, v4;
	_ =	sdelay $0x1  }
0x150: {  	v3 =	vperm.xlane v3, v2;
	_ =	sdelay $0x1  }
0x151: {  	v3 =	vadd.s32 v1, v3  }
0x152: {  	[tilespmem:s21], [sflag:$0x2] =	stream.indirect_vreg.gather [hbm4b:s4+s2], $0x80, v4, vm0, $0xb8;
	[tilespmem:$0x1B200] =	vst v63  }
0x153: {  	_ = 	snop  }
0x154: {  	[tilespmem:s22], [sflag:$0x2] =	stream.indirect_vreg.gather [hbm4b:s5+s2], $0x80, v4, vm1, $0xb8;
	[tilespmem:$0x1B200] =	vst v63  }
0x155: {  	_ = 	snop  }
0x156: {  	[tilespmem:s23], [sflag:$0x2] =	stream.indirect_vreg.gather [hbm4b:s4+s2], $0x80, v3, vm0, $0xb8;
	[tilespmem:$0x1B200] =	vst v63  }
0x157: {  	_ = 	snop  }
0x158: {  	[tilespmem:s24], [sflag:$0x2] =	stream.indirect_vreg.gather [hbm4b:s5+s2], $0x80, v3, vm1, $0xb8;
	[tilespmem:$0x1B200] =	vst v63  }
0x159: {  	v3 =	vld [tilespmem:$0x180];
	_ =	sdelay $0x4  }
0x15a: {  	v63 =	vshrl.u32 v3, $0x3  }
0x15b: {  	v4 =	vmul.u32 $0x18, v63  }
0x15c: {  	v3 =	vand.u32 $0x7, v3  }
0x15d: {  	v3 =	vor.u32 v3, v4  }
0x15e: {  	v4 =	vperm.xlane v3, v0;
	_ =	sdelay $0x1  }
0x15f: {  	v4 =	vadd.s32 v1, v4;
	_ =	sdelay $0x1  }
0x160: {  	v3 =	vperm.xlane v3, v2;
	_ =	sdelay $0x1  }
0x161: {  	v3 =	vadd.s32 v1, v3  }
0x162: {  	[tilespmem:s25], [sflag:$0x2] =	stream.indirect_vreg.gather [hbm4b:s4+s2], $0x80, v4, vm0, $0xb8;
	[tilespmem:$0x1B200] =	vst v63  }
0x163: {  	_ = 	snop  }
0x164: {  	[tilespmem:s26], [sflag:$0x2] =	stream.indirect_vreg.gather [hbm4b:s5+s2], $0x80, v4, vm1, $0xb8;
	[tilespmem:$0x1B200] =	vst v63  }
0x165: {  	_ = 	snop  }
0x166: {  	[tilespmem:s28], [sflag:$0x2] =	stream.indirect_vreg.gather [hbm4b:s4+s2], $0x80, v3, vm0, $0xb8;
	[tilespmem:$0x1B200] =	vst v63  }
0x167: {  	_ = 	snop  }
0x168: {  	[tilespmem:s29], [sflag:$0x2] =	stream.indirect_vreg.gather [hbm4b:s5+s2], $0x80, v3, vm1, $0xb8;
	[tilespmem:$0x1B200] =	vst v63  }
0x169: {  	_ =	swait.ge [sflag:s30], $0xD800  }
0x16a: {  	[sflag:s30] =	ssyncset.done $0x0  }
0x16b: {  	s10 =	rddreg [dreg:$0x4];
	[sflag:s30] =	ssyncadd.s32 $0xFFFF2800  }
0x16c: {  	[hbm4b:s10+s2] =	stream.linear.scatter [tilespmem:s8], [sflag:$0x3], $0xD800, $0x38;
	[tilespmem:$0x1B200] =	vst v63  }
0x16d: {  	_ =	swait.ge [sflag:s31], $0xD800  }
0x16e: {  	[sflag:s31] =	ssyncset.done $0x0  }
0x16f: {  	s10 =	rddreg [dreg:$0x5];
	[sflag:s31] =	ssyncadd.s32 $0xFFFF2800  }
0x170: {  	[hbm4b:s10+s2] =	stream.linear.scatter [tilespmem:s9], [sflag:$0x4], $0xD800, $0x38;
	[tilespmem:$0x1B200] =	vst v63  }
0x171: {  	p0 =	sne.s32 s6, $0x1;
	_ =	swait.ge [sflag:s7], $0xD800  }
.Ltmp0:
0x172: {  	[sflag:s7] =	ssyncset.done $0x0;
	(pc) =	sbr.rel @p0 .LBB2_1-.Ltmp0, $4  }
0x173: {  	[sflag:s7] =	ssyncadd.s32 $0xFFFF2800  }
0x174: {  	_ =	swait.ge [sflag:s1], $0xD800  }
0x175: {  	[sflag:s1] =	ssyncset.done $0x0  }
0x176: {  	s6 =	sadd.s32 $0xFFFFFFFF, s6;
	[sflag:s1] =	ssyncadd.s32 $0xFFFF2800  }
0x177: {  	_ =	sfence.sel $0x180000  }
0x178: {  	[bflag:$0x0] =	sbarrier.arrive $0xFFFF  }
0x179: {  	_ =	strace $0x90000047  }
0x17a: {  	s0 =	stileid.u32;
	[bflag:$0x2] =	sbarrier.arrive $0xFFFF  }
0x17b: {  	p0 =	sne.s32 s0, $0x0;
	s0 =	rddreg [dreg:$0x2]  }
0x17c: {  	s0 =	sadd.s32 @!p0 $0x100000, s0  }
0x17d: {  	[sflag:s0] =	ssyncadd.tile.s32 @!p0 $0x1;
	_ =	shalt  }
.Lfunc_end2:
_tile_overlayer_lowered:
.L_overlay_start_2:
0x17e: {  	(tag) =	ssettag $0x2  }
0x17f: {  	s0 =	rddreg [dreg:$0x0];
	s2 =	stileid.u32  }
0x180: {  	s1 =	rddreg [dreg:$0x1];
	p0 =	sne.s32 s2, $0x0  }
0x181: {  	s3 =	rddreg [dreg:$0x2];
	[bflag:$0x3] =	sbarrier.arrive $0xFFFF;
	s2 =	simm.s32 @!p0 $0x1C04  }
0x182: {  	[timem:s3], [sflag:s2] =	dma.local @!p0 [hbm:s0], s1  }
0x183: {  	s0 =	simm.s32 @!p0 $0x4  }
0x184: {  	_ =	swait.ge @!p0 [sflag:s0], s1  }
0x185: {  	s1 =	ssub.s32 @!p0 $0x0, s1;
	[sflag:s0] =	ssyncset.done @!p0 $0x0  }
0x186: {  	[sflag:s0] =	ssyncadd.s32 @!p0 s1  }
0x187: {  	[bflag:$0x3] =	sbarrier.arrive $0xFFFF  }
0x188: {  	_ =	shalt  }

</sc_bundles>
